<compile_context>
chip_gen: v7x
topology: tpu7x:2x2x1
jax: 0.10.2.dev20260603
libtpu: 0.0.44.dev20260713+nightly
codegen_flags: <defaults>
</compile_context>

<pallas_src>
import functools
import jax
import jax.numpy as jnp
from jax import lax
from jax.experimental import pallas as pl
from jax.experimental.pallas import tpu as pltpu
from jax.experimental.pallas import tpu_sc as plsc

B, NV, NE, D = 4, 10000, 160000, 128
NC, NS, L = 2, 16, 16
NW = NC * NS
K = 64
NCHUNK = NE // K
CBASE, CREM = NCHUNK // NW, NCHUNK % NW
CP_ROWS = 1248
TL_ROWS = 640
TL_LAST = NV - 15 * TL_ROWS

_mesh = plsc.VectorSubcoreMesh(core_axis_name="c", subcore_axis_name="s")


@functools.partial(
    pl.kernel,
    out_type=jax.ShapeDtypeStruct((B, NV + NE, D), jnp.float32),
    mesh=_mesh,
    scratch_types=[
        pltpu.VMEM_SHARED((NV, D), jnp.float32),
        pltpu.VMEM((K,), jnp.int32),
        pltpu.VMEM((K,), jnp.int32),
        pltpu.VMEM((K,), jnp.int32),
        pltpu.VMEM((K,), jnp.int32),
        pltpu.VMEM((K, D), jnp.float32),
        pltpu.VMEM((K, D), jnp.float32),
        pltpu.VMEM((K, D), jnp.float32),
        pltpu.VMEM((K, D), jnp.float32),
        pltpu.SemaphoreType.DMA,
        pltpu.SemaphoreType.DMA,
        pltpu.SemaphoreType.DMA,
        pltpu.SemaphoreType.DMA,
        pltpu.SemaphoreType.DMA,
    ],
)
def _unpool_kernel(vflat, i0, i1, out,
                   table, ix0_0, ix0_1, ix1_0, ix1_1,
                   rA0, rA1, rB0, rB1,
                   sg0, sg1, sw0, sw1, sc):
    idx0 = [ix0_0, ix0_1]
    idx1 = [ix1_0, ix1_1]
    rowsA = [rA0, rA1]
    rowsB = [rB0, rB1]
    semG = [sg0, sg1]
    semW = [sw0, sw1]

    cid = lax.axis_index("c")
    sid = lax.axis_index("s")
    wid = sid * NC + cid

    cb = wid // 8
    cr0 = (wid % 8) * CP_ROWS
    cp = pltpu.async_copy(vflat.at[pl.ds(cb * NV + cr0, CP_ROWS)],
                          out.at[cb, pl.ds(cr0, CP_ROWS)], sc)
    RREM = NV - 8 * CP_ROWS

    @pl.when(wid < B)
    def _():
        pltpu.async_copy(vflat.at[pl.ds(wid * NV + 8 * CP_ROWS, RREM)],
                         out.at[wid, pl.ds(8 * CP_ROWS, RREM)], sc)

    cnt = CBASE + jnp.where(wid < CREM, 1, 0).astype(jnp.int32)
    lo = wid * CBASE + jnp.minimum(wid, CREM)

    def load_idx(p, c):
        pltpu.sync_copy(i0.at[pl.ds(c * K, K)], idx0[p])
        pltpu.sync_copy(i1.at[pl.ds(c * K, K)], idx1[p])

    def fire_gather(p):
        pltpu.async_copy(table.at[idx0[p]], rowsA[p], semG[p])
        pltpu.async_copy(table.at[idx1[p]], rowsB[p], semG[p])

    def wait_gather(p):
        pltpu.make_async_copy(table.at[idx0[p]], rowsA[p], semG[p]).wait()
        pltpu.make_async_copy(table.at[idx1[p]], rowsB[p], semG[p]).wait()

    def wait_write(p):
        pltpu.make_async_copy(rowsA[p], out.at[0, pl.ds(NV, K)], semW[p]).wait()

    for b in range(B):
        @pl.when(sid < NS - 1)
        def _():
            pltpu.sync_copy(vflat.at[pl.ds(b * NV + sid * TL_ROWS, TL_ROWS)],
                            table.at[pl.ds(sid * TL_ROWS, TL_ROWS)])

        @pl.when(sid == NS - 1)
        def _():
            pltpu.sync_copy(vflat.at[pl.ds(b * NV + 15 * TL_ROWS, TL_LAST)],
                            table.at[pl.ds(15 * TL_ROWS, TL_LAST)])

        plsc.subcore_barrier()

        load_idx(0, lo)
        fire_gather(0)

        def pair_body(g, carry):
            for p in (0, 1):
                t = 2 * g + p
                q = p ^ 1

                @pl.when(t < cnt)
                def _():
                    @pl.when(t + 1 < cnt)
                    def _():
                        @pl.when(t >= 1)
                        def _():
                            wait_write(q)

                        load_idx(q, lo + t + 1)
                        fire_gather(q)

                    wait_gather(p)

                    def row_body(r, rcarry):
                        for j in range(D // L):
                            sl = pl.ds(j * L, L)
                            rowsA[p][r, sl] = (rowsA[p][r, sl]
                                               + rowsB[p][r, sl]) * 0.5
                        return rcarry

                    lax.fori_loop(0, K, row_body, 0)
                    pltpu.async_copy(
                        rowsA[p], out.at[b, pl.ds(NV + (lo + t) * K, K)],
                        semW[p])
            return carry

        lax.fori_loop(0, (CBASE + 2) // 2, pair_body, 0)
        wait_write(0)
        wait_write(1)
        plsc.subcore_barrier()

    cp.wait()

    @pl.when(wid < B)
    def _():
        pltpu.make_async_copy(vflat.at[pl.ds(wid * NV + 8 * CP_ROWS, RREM)],
                              out.at[wid, pl.ds(8 * CP_ROWS, RREM)], sc).wait()


def kernel(vertices, unpool_idx):
    vflat = vertices.reshape(B * NV, D)
    i0 = unpool_idx[:, 0]
    i1 = unpool_idx[:, 1]
    return _unpool_kernel(vflat, i0, i1)

# --- scband reference (transcript-rebuilt; emitter-appended) ---
"""Pipeline reference for scband-graph-unpooling-layer-37538014167439 (READ-ONLY COPY).

The authoritative reference and input builder live on the scoring server;
editing this copy changes nothing except your own understanding.
"""

import jax, jax.numpy as jnp
import numpy as np

B = 4
N_VERTS = 10000
N_EDGES = 160000
D_FEAT = 128


def setup_inputs(seed: int = 0) -> dict:
    key = jax.random.key(seed)
    k1, k2 = jax.random.split(key)
    vertices = jax.random.normal(k1, (B, N_VERTS, D_FEAT), dtype=jnp.float32)
    unpool_idx = jax.random.randint(k2, (N_EDGES, 2), 0, N_VERTS, dtype=jnp.int32)
    return {"vertices": vertices, "unpool_idx": unpool_idx}


def reference(vertices, unpool_idx):
    # new_features = vertices[:, unpool_idx]  -> [b, E, 2, c] (gather along vertex axis)
    new_features = jnp.take(vertices, unpool_idx, axis=1)
    # midpoint of each edge: 0.5 * sum over the 2 endpoints -> [b, E, c]
    new_vertices = 0.5 * jnp.sum(new_features, axis=2)
    # concat original vertices with new midpoint vertices -> [b, N+E, c]
    updated_vertices = jnp.concatenate([vertices, new_vertices], axis=1)
    return updated_vertices

if __name__ == "__main__":
    import jax
    _d = setup_inputs()
    print(jax.jit(kernel)(*tuple(_d.values())))

</pallas_src>

<mosaic_0001>
#map = affine_map<(d0, d1) -> (0, 0)>
#map1 = affine_map<(d0, d1) -> (0)>
#map2 = affine_map<(d0, d1) -> (0, 0, 0)>
module attributes {stable_mosaic.version = 14 : i64} {
  func.func @_unpool_kernel(%arg0: i32, %arg1: i32, %arg2: memref<40000x128xf32, #tpu.memory_space<hbm>>, %arg3: memref<160000xi32, #tpu.memory_space<hbm>>, %arg4: memref<160000xi32, #tpu.memory_space<hbm>>, %arg5: memref<4x170000x128xf32, #tpu.memory_space<hbm>>, %arg6: memref<10000x128xf32, #tpu.memory_space<vmem_shared>>, %arg7: memref<64xi32, #tpu.memory_space<vmem>>, %arg8: memref<64xi32, #tpu.memory_space<vmem>>, %arg9: memref<64xi32, #tpu.memory_space<vmem>>, %arg10: memref<64xi32, #tpu.memory_space<vmem>>, %arg11: memref<64x128xf32, #tpu.memory_space<vmem>>, %arg12: memref<64x128xf32, #tpu.memory_space<vmem>>, %arg13: memref<64x128xf32, #tpu.memory_space<vmem>>, %arg14: memref<64x128xf32, #tpu.memory_space<vmem>>, %arg15: memref<!tpu.dma_semaphore, #tpu.memory_space<semaphore_mem>>, %arg16: memref<!tpu.dma_semaphore, #tpu.memory_space<semaphore_mem>>, %arg17: memref<!tpu.dma_semaphore, #tpu.memory_space<semaphore_mem>>, %arg18: memref<!tpu.dma_semaphore, #tpu.memory_space<semaphore_mem>>, %arg19: memref<!tpu.dma_semaphore, #tpu.memory_space<semaphore_mem>>) attributes {dimension_semantics = [#tpu.dimension_semantics<core_parallel>, #tpu.dimension_semantics<subcore_parallel>], iteration_bounds = array<i64: 2, 16>, scalar_prefetch = 0 : i64, scratch_operands = 14 : i64, tpu.core_type = #tpu.core_type<sc_vector_subcore>, window_params = [{transform_indices = #map}, {transform_indices = #map1}, {transform_indices = #map1}, {transform_indices = #map2}]} {
    %mul3A = arith.constant 2 : i32
    %mul3A_0 = arith.muli %arg1, %mul3A : i32
    %add3A = arith.addi %mul3A_0, %arg0 : i32
    %jit3A = arith.constant 8 : i32
    %div3A = arith.divsi %add3A, %jit3A : i32
    %sign3A = arith.constant 0 : i32
    %sign3A_1 = arith.cmpi sgt, %add3A, %sign3A : i32
    %sign3A_2 = arith.extui %sign3A_1 : i1 to i32
    %sign3A_3 = arith.constant 0 : i32
    %sign3A_4 = arith.cmpi slt, %add3A, %sign3A_3 : i32
    %sign3A_5 = arith.extui %sign3A_4 : i1 to i32
    %sign3A_6 = arith.subi %sign3A_2, %sign3A_5 : i32
    %sign3A_7 = arith.constant 0 : i32
    %sign3A_8 = arith.cmpi sgt, %jit3A, %sign3A_7 : i32
    %sign3A_9 = arith.extui %sign3A_8 : i1 to i32
    %sign3A_10 = arith.constant 0 : i32
    %sign3A_11 = arith.cmpi slt, %jit3A, %sign3A_10 : i32
    %sign3A_12 = arith.extui %sign3A_11 : i1 to i32
    %sign3A_13 = arith.subi %sign3A_9, %sign3A_12 : i32
    %ne3A = arith.cmpi ne, %sign3A_6, %sign3A_13 : i32
    %rem3A = arith.remsi %add3A, %jit3A : i32
    %ne3A_14 = arith.constant 0 : i32
    %ne3A_15 = arith.cmpi ne, %rem3A, %ne3A_14 : i32
    %and3A = arith.andi %ne3A, %ne3A_15 : i1
    %sub3A = arith.constant 1 : i32
    %sub3A_16 = arith.subi %div3A, %sub3A : i32
    %select_n3A = arith.select %and3A, %sub3A_16, %div3A : i32
    %jit3A_17 = arith.constant 8 : i32
    %eq3A = arith.constant 0 : i32
    %eq3A_18 = arith.cmpi eq, %jit3A_17, %eq3A : i32
    %jit3A_19 = arith.constant 1 : i32
    %select_n3A_20 = arith.select %eq3A_18, %jit3A_19, %jit3A_17 : i32
    %rem3A_21 = arith.remsi %add3A, %select_n3A_20 : i32
    %ne3A_22 = arith.constant 0 : i32
    %ne3A_23 = arith.cmpi ne, %rem3A_21, %ne3A_22 : i32
    %lt3A = arith.constant 0 : i32
    %lt3A_24 = arith.cmpi slt, %rem3A_21, %lt3A : i32
    %lt3A_25 = arith.constant 0 : i32
    %lt3A_26 = arith.cmpi slt, %select_n3A_20, %lt3A_25 : i32
    %ne3A_27 = arith.xori %lt3A_24, %lt3A_26 : i1
    %and3A_28 = arith.andi %ne3A_27, %ne3A_23 : i1
    %add3A_29 = arith.addi %rem3A_21, %select_n3A_20 : i32
    %select_n3A_30 = arith.select %and3A_28, %add3A_29, %rem3A_21 : i32
    %mul3A_31 = arith.constant 1248 : i32
    %mul3A_32 = arith.muli %select_n3A_30, %mul3A_31 : i32
    %mul3A_33 = arith.constant 10000 : i32
    %mul3A_34 = arith.muli %select_n3A, %mul3A_33 : i32
    %add3A_35 = arith.addi %mul3A_34, %mul3A_32 : i32
    %dma_start3A = arith.constant 0 : i32
    %dma_start3A_36 = tpu.memref_slice %arg5[%select_n3A, %mul3A_32, %dma_start3A] : memref<4x170000x128xf32, #tpu.memory_space<hbm>> -> memref<1x1248x128xf32, #tpu.memory_space<hbm>>
    %dma_start3A_37 = tpu.memref_squeeze %dma_start3A_36 : memref<1x1248x128xf32, #tpu.memory_space<hbm>> -> memref<1248x128xf32, #tpu.memory_space<hbm>>
    %dma_start3A_38 = arith.constant 0 : i32
    %dma_start3A_39 = tpu.memref_slice %arg2[%add3A_35, %dma_start3A_38] : memref<40000x128xf32, #tpu.memory_space<hbm>> -> memref<1248x128xf32, #tpu.memory_space<hbm>>
    tpu.enqueue_dma source(%dma_start3A_39 : memref<1248x128xf32, #tpu.memory_space<hbm>>) target(%dma_start3A_37 : memref<1248x128xf32, #tpu.memory_space<hbm>>) target_semaphore(%arg19 : memref<!tpu.dma_semaphore, #tpu.memory_space<semaphore_mem>>)
    %lt3A_40 = arith.constant 4 : i32
    %lt3A_41 = arith.cmpi slt, %add3A, %lt3A_40 : i32
    %convert_element_type3A = arith.extui %lt3A_41 : i1 to i32
    %cond3A = arith.constant 0 : i32
    %cond3A_42 = arith.cmpi ne, %convert_element_type3A, %cond3A : i32
    scf.if %cond3A_42 {
      %mul3A_245 = arith.constant 10000 : i32
      %mul3A_246 = arith.muli %add3A, %mul3A_245 : i32
      %add3A_247 = arith.constant 9984 : i32
      %add3A_248 = arith.addi %mul3A_246, %add3A_247 : i32
      %dma_start3A_249 = arith.constant 9984 : i32
      %dma_start3A_250 = arith.constant 0 : i32
      %dma_start3A_251 = tpu.memref_slice %arg5[%add3A, %dma_start3A_249, %dma_start3A_250] : memref<4x170000x128xf32, #tpu.memory_space<hbm>> -> memref<1x16x128xf32, #tpu.memory_space<hbm>>
      %dma_start3A_252 = tpu.memref_squeeze %dma_start3A_251 : memref<1x16x128xf32, #tpu.memory_space<hbm>> -> memref<16x128xf32, #tpu.memory_space<hbm>>
      %dma_start3A_253 = arith.constant 0 : i32
      %dma_start3A_254 = tpu.memref_slice %arg2[%add3A_248, %dma_start3A_253] : memref<40000x128xf32, #tpu.memory_space<hbm>> -> memref<16x128xf32, #tpu.memory_space<hbm>>
      tpu.enqueue_dma source(%dma_start3A_254 : memref<16x128xf32, #tpu.memory_space<hbm>>) target(%dma_start3A_252 : memref<16x128xf32, #tpu.memory_space<hbm>>) target_semaphore(%arg19 : memref<!tpu.dma_semaphore, #tpu.memory_space<semaphore_mem>>)
    } else {
    }
    %lt3A_43 = arith.constant 4 : i32
    %lt3A_44 = arith.cmpi slt, %add3A, %lt3A_43 : i32
    %jit3A_45 = arith.constant 1 : i32
    %jit3A_46 = arith.constant 0 : i32
    %select_n3A_47 = arith.select %lt3A_44, %jit3A_45, %jit3A_46 : i32
    %add3A_48 = arith.constant 78 : i32
    %add3A_49 = arith.addi %add3A_48, %select_n3A_47 : i32
    %mul3A_50 = arith.constant 78 : i32
    %mul3A_51 = arith.muli %add3A, %mul3A_50 : i32
    %min3A = arith.constant 4 : i32
    %min3A_52 = arith.minsi %add3A, %min3A : i32
    %add3A_53 = arith.addi %mul3A_51, %min3A_52 : i32
    %lt3A_54 = arith.constant 15 : i32
    %lt3A_55 = arith.cmpi slt, %arg1, %lt3A_54 : i32
    %convert_element_type3A_56 = arith.extui %lt3A_55 : i1 to i32
    %cond3A_57 = arith.constant 0 : i32
    %cond3A_58 = arith.cmpi ne, %convert_element_type3A_56, %cond3A_57 : i32
    scf.if %cond3A_58 {
      %mul3A_245 = arith.constant 640 : i32
      %mul3A_246 = arith.muli %arg1, %mul3A_245 : i32
      %add3A_247 = arith.constant 0 : i32
      %add3A_248 = arith.addi %add3A_247, %mul3A_246 : i32
      %mul3A_249 = arith.constant 640 : i32
      %mul3A_250 = arith.muli %arg1, %mul3A_249 : i32
      "tpu.region"() ({
        %run_scoped3A = tpu.sem_alloc : memref<!tpu.dma_semaphore, #tpu.memory_space<semaphore_mem>>
        %dma_start3A_251 = arith.constant 0 : i32
        %dma_start3A_252 = tpu.memref_slice %arg6[%mul3A_250, %dma_start3A_251] : memref<10000x128xf32, #tpu.memory_space<vmem_shared>> -> memref<640x128xf32, #tpu.memory_space<vmem_shared>>
        %dma_start3A_253 = arith.constant 0 : i32
        %dma_start3A_254 = tpu.memref_slice %arg2[%add3A_248, %dma_start3A_253] : memref<40000x128xf32, #tpu.memory_space<hbm>> -> memref<640x128xf32, #tpu.memory_space<hbm>>
        tpu.enqueue_dma source(%dma_start3A_254 : memref<640x128xf32, #tpu.memory_space<hbm>>) target(%dma_start3A_252 : memref<640x128xf32, #tpu.memory_space<vmem_shared>>) target_semaphore(%run_scoped3A : memref<!tpu.dma_semaphore, #tpu.memory_space<semaphore_mem>>)
        %dma_wait3A_255 = arith.constant 0 : i32
        %dma_wait3A_256 = tpu.memref_slice %arg6[%mul3A_250, %dma_wait3A_255] : memref<10000x128xf32, #tpu.memory_space<vmem_shared>> -> memref<640x128xf32, #tpu.memory_space<vmem_shared>>
        %dma_wait3A_257 = arith.constant 0 : i32
        %dma_wait3A_258 = tpu.memref_slice %arg2[%add3A_248, %dma_wait3A_257] : memref<40000x128xf32, #tpu.memory_space<hbm>> -> memref<640x128xf32, #tpu.memory_space<hbm>>
        tpu.wait_dma2 semaphore(%run_scoped3A : memref<!tpu.dma_semaphore, #tpu.memory_space<semaphore_mem>>) src(%dma_wait3A_258 : memref<640x128xf32, #tpu.memory_space<hbm>>) dst(%dma_wait3A_256 : memref<640x128xf32, #tpu.memory_space<vmem_shared>>)
        tpu.yield
      }) : () -> ()
    } else {
    }
    %eq3A_59 = arith.constant 15 : i32
    %eq3A_60 = arith.cmpi eq, %arg1, %eq3A_59 : i32
    %convert_element_type3A_61 = arith.extui %eq3A_60 : i1 to i32
    %cond3A_62 = arith.constant 0 : i32
    %cond3A_63 = arith.cmpi ne, %convert_element_type3A_61, %cond3A_62 : i32
    scf.if %cond3A_63 {
      "tpu.region"() ({
        %run_scoped3A = tpu.sem_alloc : memref<!tpu.dma_semaphore, #tpu.memory_space<semaphore_mem>>
        %dma_start3A_245 = arith.constant 9600 : i32
        %dma_start3A_246 = arith.constant 0 : i32
        %dma_start3A_247 = tpu.memref_slice %arg6[%dma_start3A_245, %dma_start3A_246] : memref<10000x128xf32, #tpu.memory_space<vmem_shared>> -> memref<400x128xf32, #tpu.memory_space<vmem_shared>>
        %dma_start3A_248 = arith.constant 9600 : i32
        %dma_start3A_249 = arith.constant 0 : i32
        %dma_start3A_250 = tpu.memref_slice %arg2[%dma_start3A_248, %dma_start3A_249] : memref<40000x128xf32, #tpu.memory_space<hbm>> -> memref<400x128xf32, #tpu.memory_space<hbm>>
        tpu.enqueue_dma source(%dma_start3A_250 : memref<400x128xf32, #tpu.memory_space<hbm>>) target(%dma_start3A_247 : memref<400x128xf32, #tpu.memory_space<vmem_shared>>) target_semaphore(%run_scoped3A : memref<!tpu.dma_semaphore, #tpu.memory_space<semaphore_mem>>)
        %dma_wait3A_251 = arith.constant 9600 : i32
        %dma_wait3A_252 = arith.constant 0 : i32
        %dma_wait3A_253 = tpu.memref_slice %arg6[%dma_wait3A_251, %dma_wait3A_252] : memref<10000x128xf32, #tpu.memory_space<vmem_shared>> -> memref<400x128xf32, #tpu.memory_space<vmem_shared>>
        %dma_wait3A_254 = arith.constant 9600 : i32
        %dma_wait3A_255 = arith.constant 0 : i32
        %dma_wait3A_256 = tpu.memref_slice %arg2[%dma_wait3A_254, %dma_wait3A_255] : memref<40000x128xf32, #tpu.memory_space<hbm>> -> memref<400x128xf32, #tpu.memory_space<hbm>>
        tpu.wait_dma2 semaphore(%run_scoped3A : memref<!tpu.dma_semaphore, #tpu.memory_space<semaphore_mem>>) src(%dma_wait3A_256 : memref<400x128xf32, #tpu.memory_space<hbm>>) dst(%dma_wait3A_253 : memref<400x128xf32, #tpu.memory_space<vmem_shared>>)
        tpu.yield
      }) : () -> ()
    } else {
    }
    %barrier3A = arith.constant 0 : index
    tpu.barrier barrier_id(%barrier3A)
    %mul3A_64 = arith.constant 64 : i32
    %mul3A_65 = arith.muli %add3A_53, %mul3A_64 : i32
    "tpu.region"() ({
      %run_scoped3A = tpu.sem_alloc : memref<!tpu.dma_semaphore, #tpu.memory_space<semaphore_mem>>
      %dma_start3A_245 = tpu.memref_slice %arg3[%mul3A_65] : memref<160000xi32, #tpu.memory_space<hbm>> -> memref<64xi32, #tpu.memory_space<hbm>>
      %dma_start3A_246 = tpu.memref_slice %arg3[%mul3A_65] : memref<160000xi32, #tpu.memory_space<hbm>> -> memref<64xi32, #tpu.memory_space<hbm>>
      tpu.enqueue_dma source(%dma_start3A_246 : memref<64xi32, #tpu.memory_space<hbm>>) target(%arg7 : memref<64xi32, #tpu.memory_space<vmem>>) target_semaphore(%run_scoped3A : memref<!tpu.dma_semaphore, #tpu.memory_space<semaphore_mem>>)
      %dma_wait3A_247 = tpu.memref_slice %arg3[%mul3A_65] : memref<160000xi32, #tpu.memory_space<hbm>> -> memref<64xi32, #tpu.memory_space<hbm>>
      %dma_wait3A_248 = tpu.memref_slice %arg3[%mul3A_65] : memref<160000xi32, #tpu.memory_space<hbm>> -> memref<64xi32, #tpu.memory_space<hbm>>
      tpu.wait_dma2 semaphore(%run_scoped3A : memref<!tpu.dma_semaphore, #tpu.memory_space<semaphore_mem>>) src(%dma_wait3A_248 : memref<64xi32, #tpu.memory_space<hbm>>) dst(%arg7 : memref<64xi32, #tpu.memory_space<vmem>>)
      tpu.yield
    }) : () -> ()
    %mul3A_66 = arith.constant 64 : i32
    %mul3A_67 = arith.muli %add3A_53, %mul3A_66 : i32
    "tpu.region"() ({
      %run_scoped3A = tpu.sem_alloc : memref<!tpu.dma_semaphore, #tpu.memory_space<semaphore_mem>>
      %dma_start3A_245 = tpu.memref_slice %arg4[%mul3A_67] : memref<160000xi32, #tpu.memory_space<hbm>> -> memref<64xi32, #tpu.memory_space<hbm>>
      %dma_start3A_246 = tpu.memref_slice %arg4[%mul3A_67] : memref<160000xi32, #tpu.memory_space<hbm>> -> memref<64xi32, #tpu.memory_space<hbm>>
      tpu.enqueue_dma source(%dma_start3A_246 : memref<64xi32, #tpu.memory_space<hbm>>) target(%arg9 : memref<64xi32, #tpu.memory_space<vmem>>) target_semaphore(%run_scoped3A : memref<!tpu.dma_semaphore, #tpu.memory_space<semaphore_mem>>)
      %dma_wait3A_247 = tpu.memref_slice %arg4[%mul3A_67] : memref<160000xi32, #tpu.memory_space<hbm>> -> memref<64xi32, #tpu.memory_space<hbm>>
      %dma_wait3A_248 = tpu.memref_slice %arg4[%mul3A_67] : memref<160000xi32, #tpu.memory_space<hbm>> -> memref<64xi32, #tpu.memory_space<hbm>>
      tpu.wait_dma2 semaphore(%run_scoped3A : memref<!tpu.dma_semaphore, #tpu.memory_space<semaphore_mem>>) src(%dma_wait3A_248 : memref<64xi32, #tpu.memory_space<hbm>>) dst(%arg9 : memref<64xi32, #tpu.memory_space<vmem>>)
      tpu.yield
    }) : () -> ()
    %dma_start3A_68 = arith.constant 0 : i32
    %dma_start3A_69 = arith.constant 0 : i32
    %dma_start3A_70 = tpu.memref_slice %arg6[%dma_start3A_68, %dma_start3A_69] : memref<10000x128xf32, #tpu.memory_space<vmem_shared>> -> memref<10000x128xf32, #tpu.memory_space<vmem_shared>>
    tpu.enqueue_indirect_dma source(%dma_start3A_70 : memref<10000x128xf32, #tpu.memory_space<vmem_shared>>) target(%arg11 : memref<64x128xf32, #tpu.memory_space<vmem>>) offsets(%arg7 : memref<64xi32, #tpu.memory_space<vmem>>) semaphore(%arg15 : memref<!tpu.dma_semaphore, #tpu.memory_space<semaphore_mem>>)
    %dma_start3A_71 = arith.constant 0 : i32
    %dma_start3A_72 = arith.constant 0 : i32
    %dma_start3A_73 = tpu.memref_slice %arg6[%dma_start3A_71, %dma_start3A_72] : memref<10000x128xf32, #tpu.memory_space<vmem_shared>> -> memref<10000x128xf32, #tpu.memory_space<vmem_shared>>
    tpu.enqueue_indirect_dma source(%dma_start3A_73 : memref<10000x128xf32, #tpu.memory_space<vmem_shared>>) target(%arg13 : memref<64x128xf32, #tpu.memory_space<vmem>>) offsets(%arg9 : memref<64xi32, #tpu.memory_space<vmem>>) semaphore(%arg15 : memref<!tpu.dma_semaphore, #tpu.memory_space<semaphore_mem>>)
    %scan3A = arith.constant 0 : i32
    %scan3A_74 = arith.constant 0 : i32
    %scan3A_75 = arith.constant 40 : i32
    %scan3A_76 = arith.addi %scan3A_74, %scan3A_75 : i32
    %scan3A_77 = arith.constant 1 : i32
    scf.for %scan3A_245 = %scan3A_74 to %scan3A_76 step %scan3A_77  : i32 {
      %mul3A_246 = arith.constant 2 : i32
      %mul3A_247 = arith.muli %mul3A_246, %scan3A_245 : i32
      %add3A_248 = arith.constant 0 : i32
      %add3A_249 = arith.addi %mul3A_247, %add3A_248 : i32
      %lt3A_250 = arith.cmpi slt, %add3A_249, %add3A_49 : i32
      %convert_element_type3A_251 = arith.extui %lt3A_250 : i1 to i32
      %cond3A_252 = arith.constant 0 : i32
      %cond3A_253 = arith.cmpi ne, %convert_element_type3A_251, %cond3A_252 : i32
      scf.if %cond3A_253 {
        %add3A_262 = arith.constant 1 : i32
        %add3A_263 = arith.addi %add3A_249, %add3A_262 : i32
        %lt3A_264 = arith.cmpi slt, %add3A_263, %add3A_49 : i32
        %convert_element_type3A_265 = arith.extui %lt3A_264 : i1 to i32
        %cond3A_266 = arith.constant 0 : i32
        %cond3A_267 = arith.cmpi ne, %convert_element_type3A_265, %cond3A_266 : i32
        scf.if %cond3A_267 {
          %ge3A = arith.constant 1 : i32
          %ge3A_292 = arith.cmpi sge, %add3A_249, %ge3A : i32
          %convert_element_type3A_293 = arith.extui %ge3A_292 : i1 to i32
          %cond3A_294 = arith.constant 0 : i32
          %cond3A_295 = arith.cmpi ne, %convert_element_type3A_293, %cond3A_294 : i32
          scf.if %cond3A_295 {
            %dma_wait3A_309 = arith.constant 0 : i32
            %dma_wait3A_310 = arith.constant 10000 : i32
            %dma_wait3A_311 = arith.constant 0 : i32
            %dma_wait3A_312 = tpu.memref_slice %arg5[%dma_wait3A_309, %dma_wait3A_310, %dma_wait3A_311] : memref<4x170000x128xf32, #tpu.memory_space<hbm>> -> memref<1x64x128xf32, #tpu.memory_space<hbm>>
            %dma_wait3A_313 = tpu.memref_squeeze %dma_wait3A_312 : memref<1x64x128xf32, #tpu.memory_space<hbm>> -> memref<64x128xf32, #tpu.memory_space<hbm>>
            %dma_wait3A_314 = arith.constant 10000 : i32
            %dma_wait3A_315 = arith.constant 0 : i32
            %dma_wait3A_316 = tpu.memref_slice %arg5[%dma_wait3A_309, %dma_wait3A_314, %dma_wait3A_315] : memref<4x170000x128xf32, #tpu.memory_space<hbm>> -> memref<1x64x128xf32, #tpu.memory_space<hbm>>
            %dma_wait3A_317 = tpu.memref_squeeze %dma_wait3A_316 : memref<1x64x128xf32, #tpu.memory_space<hbm>> -> memref<64x128xf32, #tpu.memory_space<hbm>>
            tpu.wait_dma2 semaphore(%arg18 : memref<!tpu.dma_semaphore, #tpu.memory_space<semaphore_mem>>) src(%arg12 : memref<64x128xf32, #tpu.memory_space<vmem>>) dst(%dma_wait3A_317 : memref<64x128xf32, #tpu.memory_space<hbm>>)
          } else {
          }
          %add3A_296 = arith.addi %add3A_53, %add3A_249 : i32
          %add3A_297 = arith.constant 1 : i32
          %add3A_298 = arith.addi %add3A_296, %add3A_297 : i32
          %mul3A_299 = arith.constant 64 : i32
          %mul3A_300 = arith.muli %add3A_298, %mul3A_299 : i32
          "tpu.region"() ({
            %run_scoped3A = tpu.sem_alloc : memref<!tpu.dma_semaphore, #tpu.memory_space<semaphore_mem>>
            %dma_start3A_309 = tpu.memref_slice %arg3[%mul3A_300] : memref<160000xi32, #tpu.memory_space<hbm>> -> memref<64xi32, #tpu.memory_space<hbm>>
            %dma_start3A_310 = tpu.memref_slice %arg3[%mul3A_300] : memref<160000xi32, #tpu.memory_space<hbm>> -> memref<64xi32, #tpu.memory_space<hbm>>
            tpu.enqueue_dma source(%dma_start3A_310 : memref<64xi32, #tpu.memory_space<hbm>>) target(%arg8 : memref<64xi32, #tpu.memory_space<vmem>>) target_semaphore(%run_scoped3A : memref<!tpu.dma_semaphore, #tpu.memory_space<semaphore_mem>>)
            %dma_wait3A_311 = tpu.memref_slice %arg3[%mul3A_300] : memref<160000xi32, #tpu.memory_space<hbm>> -> memref<64xi32, #tpu.memory_space<hbm>>
            %dma_wait3A_312 = tpu.memref_slice %arg3[%mul3A_300] : memref<160000xi32, #tpu.memory_space<hbm>> -> memref<64xi32, #tpu.memory_space<hbm>>
            tpu.wait_dma2 semaphore(%run_scoped3A : memref<!tpu.dma_semaphore, #tpu.memory_space<semaphore_mem>>) src(%dma_wait3A_312 : memref<64xi32, #tpu.memory_space<hbm>>) dst(%arg8 : memref<64xi32, #tpu.memory_space<vmem>>)
            tpu.yield
          }) : () -> ()
          %mul3A_301 = arith.constant 64 : i32
          %mul3A_302 = arith.muli %add3A_298, %mul3A_301 : i32
          "tpu.region"() ({
            %run_scoped3A = tpu.sem_alloc : memref<!tpu.dma_semaphore, #tpu.memory_space<semaphore_mem>>
            %dma_start3A_309 = tpu.memref_slice %arg4[%mul3A_302] : memref<160000xi32, #tpu.memory_space<hbm>> -> memref<64xi32, #tpu.memory_space<hbm>>
            %dma_start3A_310 = tpu.memref_slice %arg4[%mul3A_302] : memref<160000xi32, #tpu.memory_space<hbm>> -> memref<64xi32, #tpu.memory_space<hbm>>
            tpu.enqueue_dma source(%dma_start3A_310 : memref<64xi32, #tpu.memory_space<hbm>>) target(%arg10 : memref<64xi32, #tpu.memory_space<vmem>>) target_semaphore(%run_scoped3A : memref<!tpu.dma_semaphore, #tpu.memory_space<semaphore_mem>>)
            %dma_wait3A_311 = tpu.memref_slice %arg4[%mul3A_302] : memref<160000xi32, #tpu.memory_space<hbm>> -> memref<64xi32, #tpu.memory_space<hbm>>
            %dma_wait3A_312 = tpu.memref_slice %arg4[%mul3A_302] : memref<160000xi32, #tpu.memory_space<hbm>> -> memref<64xi32, #tpu.memory_space<hbm>>
            tpu.wait_dma2 semaphore(%run_scoped3A : memref<!tpu.dma_semaphore, #tpu.memory_space<semaphore_mem>>) src(%dma_wait3A_312 : memref<64xi32, #tpu.memory_space<hbm>>) dst(%arg10 : memref<64xi32, #tpu.memory_space<vmem>>)
            tpu.yield
          }) : () -> ()
          %dma_start3A_303 = arith.constant 0 : i32
          %dma_start3A_304 = arith.constant 0 : i32
          %dma_start3A_305 = tpu.memref_slice %arg6[%dma_start3A_303, %dma_start3A_304] : memref<10000x128xf32, #tpu.memory_space<vmem_shared>> -> memref<10000x128xf32, #tpu.memory_space<vmem_shared>>
          tpu.enqueue_indirect_dma source(%dma_start3A_305 : memref<10000x128xf32, #tpu.memory_space<vmem_shared>>) target(%arg12 : memref<64x128xf32, #tpu.memory_space<vmem>>) offsets(%arg8 : memref<64xi32, #tpu.memory_space<vmem>>) semaphore(%arg16 : memref<!tpu.dma_semaphore, #tpu.memory_space<semaphore_mem>>)
          %dma_start3A_306 = arith.constant 0 : i32
          %dma_start3A_307 = arith.constant 0 : i32
          %dma_start3A_308 = tpu.memref_slice %arg6[%dma_start3A_306, %dma_start3A_307] : memref<10000x128xf32, #tpu.memory_space<vmem_shared>> -> memref<10000x128xf32, #tpu.memory_space<vmem_shared>>
          tpu.enqueue_indirect_dma source(%dma_start3A_308 : memref<10000x128xf32, #tpu.memory_space<vmem_shared>>) target(%arg14 : memref<64x128xf32, #tpu.memory_space<vmem>>) offsets(%arg10 : memref<64xi32, #tpu.memory_space<vmem>>) semaphore(%arg16 : memref<!tpu.dma_semaphore, #tpu.memory_space<semaphore_mem>>)
        } else {
        }
        %dma_wait3A_268 = arith.constant 0 : i32
        %dma_wait3A_269 = arith.constant 0 : i32
        %dma_wait3A_270 = tpu.memref_slice %arg6[%dma_wait3A_268, %dma_wait3A_269] : memref<10000x128xf32, #tpu.memory_space<vmem_shared>> -> memref<10000x128xf32, #tpu.memory_space<vmem_shared>>
        tpu.wait_indirect_dma semaphore(%arg15 : memref<!tpu.dma_semaphore, #tpu.memory_space<semaphore_mem>>) src(%dma_wait3A_270 : memref<10000x128xf32, #tpu.memory_space<vmem_shared>>) dst(%arg11 : memref<64x128xf32, #tpu.memory_space<vmem>>)
        %dma_wait3A_271 = arith.constant 0 : i32
        %dma_wait3A_272 = arith.constant 0 : i32
        %dma_wait3A_273 = tpu.memref_slice %arg6[%dma_wait3A_271, %dma_wait3A_272] : memref<10000x128xf32, #tpu.memory_space<vmem_shared>> -> memref<10000x128xf32, #tpu.memory_space<vmem_shared>>
        tpu.wait_indirect_dma semaphore(%arg15 : memref<!tpu.dma_semaphore, #tpu.memory_space<semaphore_mem>>) src(%dma_wait3A_273 : memref<10000x128xf32, #tpu.memory_space<vmem_shared>>) dst(%arg13 : memref<64x128xf32, #tpu.memory_space<vmem>>)
        %scan3A_274 = arith.constant 0 : i32
        %scan3A_275 = arith.constant 0 : i32
        %scan3A_276 = arith.constant 64 : i32
        %scan3A_277 = arith.addi %scan3A_275, %scan3A_276 : i32
        %scan3A_278 = arith.constant 1 : i32
        scf.for %scan3A_292 = %scan3A_275 to %scan3A_277 step %scan3A_278  : i32 {
          %get3A = arith.index_cast %scan3A_292 : i32 to index
          %get3A_293 = arith.constant 0 : index
          %get3A_294 = tpu.vector_load %arg11[%get3A, %get3A_293] {strides = array<i32>} : memref<64x128xf32, #tpu.memory_space<vmem>>, vector<1x16xf32>,
          %get3A_295 = vector.shape_cast %get3A_294 : vector<1x16xf32> to vector<16xf32>
          %get3A_296 = arith.index_cast %scan3A_292 : i32 to index
          %get3A_297 = arith.constant 0 : index
          %get3A_298 = tpu.vector_load %arg13[%get3A_296, %get3A_297] {strides = array<i32>} : memref<64x128xf32, #tpu.memory_space<vmem>>, vector<1x16xf32>,
          %get3A_299 = vector.shape_cast %get3A_298 : vector<1x16xf32> to vector<16xf32>
          %add3A_300 = arith.addf %get3A_295, %get3A_299 : vector<16xf32>
          %mul3A_301 = arith.constant 5.000000e-01 : f32
          %mul3A_302 = vector.broadcast %mul3A_301 : f32 to vector<16xf32>
          %mul3A_303 = arith.mulf %add3A_300, %mul3A_302 : vector<16xf32>
          %swap3A = arith.index_cast %scan3A_292 : i32 to index
          %swap3A_304 = arith.constant 0 : index
          %swap3A_305 = tpu.vector_load %arg11[%swap3A, %swap3A_304] {strides = array<i32>} : memref<64x128xf32, #tpu.memory_space<vmem>>, vector<1x16xf32>,
          %swap3A_306 = vector.shape_cast %swap3A_305 : vector<1x16xf32> to vector<16xf32>
          %swap3A_307 = vector.shape_cast %mul3A_303 : vector<16xf32> to vector<1x16xf32>
          tpu.vector_store %arg11[%swap3A, %swap3A_304], %swap3A_307 {strides = array<i32>} : memref<64x128xf32, #tpu.memory_space<vmem>>, vector<1x16xf32>,
          %get3A_308 = arith.index_cast %scan3A_292 : i32 to index
          %get3A_309 = arith.constant 16 : index
          %get3A_310 = tpu.vector_load %arg11[%get3A_308, %get3A_309] {strides = array<i32>} : memref<64x128xf32, #tpu.memory_space<vmem>>, vector<1x16xf32>,
          %get3A_311 = vector.shape_cast %get3A_310 : vector<1x16xf32> to vector<16xf32>
          %get3A_312 = arith.index_cast %scan3A_292 : i32 to index
          %get3A_313 = arith.constant 16 : index
          %get3A_314 = tpu.vector_load %arg13[%get3A_312, %get3A_313] {strides = array<i32>} : memref<64x128xf32, #tpu.memory_space<vmem>>, vector<1x16xf32>,
          %get3A_315 = vector.shape_cast %get3A_314 : vector<1x16xf32> to vector<16xf32>
          %add3A_316 = arith.addf %get3A_311, %get3A_315 : vector<16xf32>
          %mul3A_317 = arith.constant 5.000000e-01 : f32
          %mul3A_318 = vector.broadcast %mul3A_317 : f32 to vector<16xf32>
          %mul3A_319 = arith.mulf %add3A_316, %mul3A_318 : vector<16xf32>
          %swap3A_320 = arith.index_cast %scan3A_292 : i32 to index
          %swap3A_321 = arith.constant 16 : index
          %swap3A_322 = tpu.vector_load %arg11[%swap3A_320, %swap3A_321] {strides = array<i32>} : memref<64x128xf32, #tpu.memory_space<vmem>>, vector<1x16xf32>,
          %swap3A_323 = vector.shape_cast %swap3A_322 : vector<1x16xf32> to vector<16xf32>
          %swap3A_324 = vector.shape_cast %mul3A_319 : vector<16xf32> to vector<1x16xf32>
          tpu.vector_store %arg11[%swap3A_320, %swap3A_321], %swap3A_324 {strides = array<i32>} : memref<64x128xf32, #tpu.memory_space<vmem>>, vector<1x16xf32>,
          %get3A_325 = arith.index_cast %scan3A_292 : i32 to index
          %get3A_326 = arith.constant 32 : index
          %get3A_327 = tpu.vector_load %arg11[%get3A_325, %get3A_326] {strides = array<i32>} : memref<64x128xf32, #tpu.memory_space<vmem>>, vector<1x16xf32>,
          %get3A_328 = vector.shape_cast %get3A_327 : vector<1x16xf32> to vector<16xf32>
          %get3A_329 = arith.index_cast %scan3A_292 : i32 to index
          %get3A_330 = arith.constant 32 : index
          %get3A_331 = tpu.vector_load %arg13[%get3A_329, %get3A_330] {strides = array<i32>} : memref<64x128xf32, #tpu.memory_space<vmem>>, vector<1x16xf32>,
          %get3A_332 = vector.shape_cast %get3A_331 : vector<1x16xf32> to vector<16xf32>
          %add3A_333 = arith.addf %get3A_328, %get3A_332 : vector<16xf32>
          %mul3A_334 = arith.constant 5.000000e-01 : f32
          %mul3A_335 = vector.broadcast %mul3A_334 : f32 to vector<16xf32>
          %mul3A_336 = arith.mulf %add3A_333, %mul3A_335 : vector<16xf32>
          %swap3A_337 = arith.index_cast %scan3A_292 : i32 to index
          %swap3A_338 = arith.constant 32 : index
          %swap3A_339 = tpu.vector_load %arg11[%swap3A_337, %swap3A_338] {strides = array<i32>} : memref<64x128xf32, #tpu.memory_space<vmem>>, vector<1x16xf32>,
          %swap3A_340 = vector.shape_cast %swap3A_339 : vector<1x16xf32> to vector<16xf32>
          %swap3A_341 = vector.shape_cast %mul3A_336 : vector<16xf32> to vector<1x16xf32>
          tpu.vector_store %arg11[%swap3A_337, %swap3A_338], %swap3A_341 {strides = array<i32>} : memref<64x128xf32, #tpu.memory_space<vmem>>, vector<1x16xf32>,
          %get3A_342 = arith.index_cast %scan3A_292 : i32 to index
          %get3A_343 = arith.constant 48 : index
          %get3A_344 = tpu.vector_load %arg11[%get3A_342, %get3A_343] {strides = array<i32>} : memref<64x128xf32, #tpu.memory_space<vmem>>, vector<1x16xf32>,
          %get3A_345 = vector.shape_cast %get3A_344 : vector<1x16xf32> to vector<16xf32>
          %get3A_346 = arith.index_cast %scan3A_292 : i32 to index
          %get3A_347 = arith.constant 48 : index
          %get3A_348 = tpu.vector_load %arg13[%get3A_346, %get3A_347] {strides = array<i32>} : memref<64x128xf32, #tpu.memory_space<vmem>>, vector<1x16xf32>,
          %get3A_349 = vector.shape_cast %get3A_348 : vector<1x16xf32> to vector<16xf32>
          %add3A_350 = arith.addf %get3A_345, %get3A_349 : vector<16xf32>
          %mul3A_351 = arith.constant 5.000000e-01 : f32
          %mul3A_352 = vector.broadcast %mul3A_351 : f32 to vector<16xf32>
          %mul3A_353 = arith.mulf %add3A_350, %mul3A_352 : vector<16xf32>
          %swap3A_354 = arith.index_cast %scan3A_292 : i32 to index
          %swap3A_355 = arith.constant 48 : index
          %swap3A_356 = tpu.vector_load %arg11[%swap3A_354, %swap3A_355] {strides = array<i32>} : memref<64x128xf32, #tpu.memory_space<vmem>>, vector<1x16xf32>,
          %swap3A_357 = vector.shape_cast %swap3A_356 : vector<1x16xf32> to vector<16xf32>
          %swap3A_358 = vector.shape_cast %mul3A_353 : vector<16xf32> to vector<1x16xf32>
          tpu.vector_store %arg11[%swap3A_354, %swap3A_355], %swap3A_358 {strides = array<i32>} : memref<64x128xf32, #tpu.memory_space<vmem>>, vector<1x16xf32>,
          %get3A_359 = arith.index_cast %scan3A_292 : i32 to index
          %get3A_360 = arith.constant 64 : index
          %get3A_361 = tpu.vector_load %arg11[%get3A_359, %get3A_360] {strides = array<i32>} : memref<64x128xf32, #tpu.memory_space<vmem>>, vector<1x16xf32>,
          %get3A_362 = vector.shape_cast %get3A_361 : vector<1x16xf32> to vector<16xf32>
          %get3A_363 = arith.index_cast %scan3A_292 : i32 to index
          %get3A_364 = arith.constant 64 : index
          %get3A_365 = tpu.vector_load %arg13[%get3A_363, %get3A_364] {strides = array<i32>} : memref<64x128xf32, #tpu.memory_space<vmem>>, vector<1x16xf32>,
          %get3A_366 = vector.shape_cast %get3A_365 : vector<1x16xf32> to vector<16xf32>
          %add3A_367 = arith.addf %get3A_362, %get3A_366 : vector<16xf32>
          %mul3A_368 = arith.constant 5.000000e-01 : f32
          %mul3A_369 = vector.broadcast %mul3A_368 : f32 to vector<16xf32>
          %mul3A_370 = arith.mulf %add3A_367, %mul3A_369 : vector<16xf32>
          %swap3A_371 = arith.index_cast %scan3A_292 : i32 to index
          %swap3A_372 = arith.constant 64 : index
          %swap3A_373 = tpu.vector_load %arg11[%swap3A_371, %swap3A_372] {strides = array<i32>} : memref<64x128xf32, #tpu.memory_space<vmem>>, vector<1x16xf32>,
          %swap3A_374 = vector.shape_cast %swap3A_373 : vector<1x16xf32> to vector<16xf32>
          %swap3A_375 = vector.shape_cast %mul3A_370 : vector<16xf32> to vector<1x16xf32>
          tpu.vector_store %arg11[%swap3A_371, %swap3A_372], %swap3A_375 {strides = array<i32>} : memref<64x128xf32, #tpu.memory_space<vmem>>, vector<1x16xf32>,
          %get3A_376 = arith.index_cast %scan3A_292 : i32 to index
          %get3A_377 = arith.constant 80 : index
          %get3A_378 = tpu.vector_load %arg11[%get3A_376, %get3A_377] {strides = array<i32>} : memref<64x128xf32, #tpu.memory_space<vmem>>, vector<1x16xf32>,
          %get3A_379 = vector.shape_cast %get3A_378 : vector<1x16xf32> to vector<16xf32>
          %get3A_380 = arith.index_cast %scan3A_292 : i32 to index
          %get3A_381 = arith.constant 80 : index
          %get3A_382 = tpu.vector_load %arg13[%get3A_380, %get3A_381] {strides = array<i32>} : memref<64x128xf32, #tpu.memory_space<vmem>>, vector<1x16xf32>,
          %get3A_383 = vector.shape_cast %get3A_382 : vector<1x16xf32> to vector<16xf32>
          %add3A_384 = arith.addf %get3A_379, %get3A_383 : vector<16xf32>
          %mul3A_385 = arith.constant 5.000000e-01 : f32
          %mul3A_386 = vector.broadcast %mul3A_385 : f32 to vector<16xf32>
          %mul3A_387 = arith.mulf %add3A_384, %mul3A_386 : vector<16xf32>
          %swap3A_388 = arith.index_cast %scan3A_292 : i32 to index
          %swap3A_389 = arith.constant 80 : index
          %swap3A_390 = tpu.vector_load %arg11[%swap3A_388, %swap3A_389] {strides = array<i32>} : memref<64x128xf32, #tpu.memory_space<vmem>>, vector<1x16xf32>,
          %swap3A_391 = vector.shape_cast %swap3A_390 : vector<1x16xf32> to vector<16xf32>
          %swap3A_392 = vector.shape_cast %mul3A_387 : vector<16xf32> to vector<1x16xf32>
          tpu.vector_store %arg11[%swap3A_388, %swap3A_389], %swap3A_392 {strides = array<i32>} : memref<64x128xf32, #tpu.memory_space<vmem>>, vector<1x16xf32>,
          %get3A_393 = arith.index_cast %scan3A_292 : i32 to index
          %get3A_394 = arith.constant 96 : index
          %get3A_395 = tpu.vector_load %arg11[%get3A_393, %get3A_394] {strides = array<i32>} : memref<64x128xf32, #tpu.memory_space<vmem>>, vector<1x16xf32>,
          %get3A_396 = vector.shape_cast %get3A_395 : vector<1x16xf32> to vector<16xf32>
          %get3A_397 = arith.index_cast %scan3A_292 : i32 to index
          %get3A_398 = arith.constant 96 : index
          %get3A_399 = tpu.vector_load %arg13[%get3A_397, %get3A_398] {strides = array<i32>} : memref<64x128xf32, #tpu.memory_space<vmem>>, vector<1x16xf32>,
          %get3A_400 = vector.shape_cast %get3A_399 : vector<1x16xf32> to vector<16xf32>
          %add3A_401 = arith.addf %get3A_396, %get3A_400 : vector<16xf32>
          %mul3A_402 = arith.constant 5.000000e-01 : f32
          %mul3A_403 = vector.broadcast %mul3A_402 : f32 to vector<16xf32>
          %mul3A_404 = arith.mulf %add3A_401, %mul3A_403 : vector<16xf32>
          %swap3A_405 = arith.index_cast %scan3A_292 : i32 to index
          %swap3A_406 = arith.constant 96 : index
          %swap3A_407 = tpu.vector_load %arg11[%swap3A_405, %swap3A_406] {strides = array<i32>} : memref<64x128xf32, #tpu.memory_space<vmem>>, vector<1x16xf32>,
          %swap3A_408 = vector.shape_cast %swap3A_407 : vector<1x16xf32> to vector<16xf32>
          %swap3A_409 = vector.shape_cast %mul3A_404 : vector<16xf32> to vector<1x16xf32>
          tpu.vector_store %arg11[%swap3A_405, %swap3A_406], %swap3A_409 {strides = array<i32>} : memref<64x128xf32, #tpu.memory_space<vmem>>, vector<1x16xf32>,
          %get3A_410 = arith.index_cast %scan3A_292 : i32 to index
          %get3A_411 = arith.constant 112 : index
          %get3A_412 = tpu.vector_load %arg11[%get3A_410, %get3A_411] {strides = array<i32>} : memref<64x128xf32, #tpu.memory_space<vmem>>, vector<1x16xf32>,
          %get3A_413 = vector.shape_cast %get3A_412 : vector<1x16xf32> to vector<16xf32>
          %get3A_414 = arith.index_cast %scan3A_292 : i32 to index
          %get3A_415 = arith.constant 112 : index
          %get3A_416 = tpu.vector_load %arg13[%get3A_414, %get3A_415] {strides = array<i32>} : memref<64x128xf32, #tpu.memory_space<vmem>>, vector<1x16xf32>,
          %get3A_417 = vector.shape_cast %get3A_416 : vector<1x16xf32> to vector<16xf32>
          %add3A_418 = arith.addf %get3A_413, %get3A_417 : vector<16xf32>
          %mul3A_419 = arith.constant 5.000000e-01 : f32
          %mul3A_420 = vector.broadcast %mul3A_419 : f32 to vector<16xf32>
          %mul3A_421 = arith.mulf %add3A_418, %mul3A_420 : vector<16xf32>
          %swap3A_422 = arith.index_cast %scan3A_292 : i32 to index
          %swap3A_423 = arith.constant 112 : index
          %swap3A_424 = tpu.vector_load %arg11[%swap3A_422, %swap3A_423] {strides = array<i32>} : memref<64x128xf32, #tpu.memory_space<vmem>>, vector<1x16xf32>,
          %swap3A_425 = vector.shape_cast %swap3A_424 : vector<1x16xf32> to vector<16xf32>
          %swap3A_426 = vector.shape_cast %mul3A_421 : vector<16xf32> to vector<1x16xf32>
          tpu.vector_store %arg11[%swap3A_422, %swap3A_423], %swap3A_426 {strides = array<i32>} : memref<64x128xf32, #tpu.memory_space<vmem>>, vector<1x16xf32>,
        }
        %scan3A_279 = arith.constant 64 : i32
        %add3A_280 = arith.addi %add3A_53, %add3A_249 : i32
        %mul3A_281 = arith.constant 64 : i32
        %mul3A_282 = arith.muli %add3A_280, %mul3A_281 : i32
        %add3A_283 = arith.constant 10000 : i32
        %add3A_284 = arith.addi %add3A_283, %mul3A_282 : i32
        %dma_start3A_285 = arith.constant 0 : i32
        %dma_start3A_286 = arith.constant 0 : i32
        %dma_start3A_287 = tpu.memref_slice %arg5[%dma_start3A_285, %add3A_284, %dma_start3A_286] : memref<4x170000x128xf32, #tpu.memory_space<hbm>> -> memref<1x64x128xf32, #tpu.memory_space<hbm>>
        %dma_start3A_288 = tpu.memref_squeeze %dma_start3A_287 : memref<1x64x128xf32, #tpu.memory_space<hbm>> -> memref<64x128xf32, #tpu.memory_space<hbm>>
        %dma_start3A_289 = arith.constant 0 : i32
        %dma_start3A_290 = tpu.memref_slice %arg5[%dma_start3A_285, %add3A_284, %dma_start3A_289] : memref<4x170000x128xf32, #tpu.memory_space<hbm>> -> memref<1x64x128xf32, #tpu.memory_space<hbm>>
        %dma_start3A_291 = tpu.memref_squeeze %dma_start3A_290 : memref<1x64x128xf32, #tpu.memory_space<hbm>> -> memref<64x128xf32, #tpu.memory_space<hbm>>
        tpu.enqueue_dma source(%arg11 : memref<64x128xf32, #tpu.memory_space<vmem>>) target(%dma_start3A_291 : memref<64x128xf32, #tpu.memory_space<hbm>>) target_semaphore(%arg17 : memref<!tpu.dma_semaphore, #tpu.memory_space<semaphore_mem>>)
      } else {
      }
      %mul3A_254 = arith.constant 2 : i32
      %mul3A_255 = arith.muli %mul3A_254, %scan3A_245 : i32
      %add3A_256 = arith.constant 1 : i32
      %add3A_257 = arith.addi %mul3A_255, %add3A_256 : i32
      %lt3A_258 = arith.cmpi slt, %add3A_257, %add3A_49 : i32
      %convert_element_type3A_259 = arith.extui %lt3A_258 : i1 to i32
      %cond3A_260 = arith.constant 0 : i32
      %cond3A_261 = arith.cmpi ne, %convert_element_type3A_259, %cond3A_260 : i32
      scf.if %cond3A_261 {
        %add3A_262 = arith.constant 1 : i32
        %add3A_263 = arith.addi %add3A_257, %add3A_262 : i32
        %lt3A_264 = arith.cmpi slt, %add3A_263, %add3A_49 : i32
        %convert_element_type3A_265 = arith.extui %lt3A_264 : i1 to i32
        %cond3A_266 = arith.constant 0 : i32
        %cond3A_267 = arith.cmpi ne, %convert_element_type3A_265, %cond3A_266 : i32
        scf.if %cond3A_267 {
          %ge3A = arith.constant 1 : i32
          %ge3A_292 = arith.cmpi sge, %add3A_257, %ge3A : i32
          %convert_element_type3A_293 = arith.extui %ge3A_292 : i1 to i32
          %cond3A_294 = arith.constant 0 : i32
          %cond3A_295 = arith.cmpi ne, %convert_element_type3A_293, %cond3A_294 : i32
          scf.if %cond3A_295 {
            %dma_wait3A_309 = arith.constant 0 : i32
            %dma_wait3A_310 = arith.constant 10000 : i32
            %dma_wait3A_311 = arith.constant 0 : i32
            %dma_wait3A_312 = tpu.memref_slice %arg5[%dma_wait3A_309, %dma_wait3A_310, %dma_wait3A_311] : memref<4x170000x128xf32, #tpu.memory_space<hbm>> -> memref<1x64x128xf32, #tpu.memory_space<hbm>>
            %dma_wait3A_313 = tpu.memref_squeeze %dma_wait3A_312 : memref<1x64x128xf32, #tpu.memory_space<hbm>> -> memref<64x128xf32, #tpu.memory_space<hbm>>
            %dma_wait3A_314 = arith.constant 10000 : i32
            %dma_wait3A_315 = arith.constant 0 : i32
            %dma_wait3A_316 = tpu.memref_slice %arg5[%dma_wait3A_309, %dma_wait3A_314, %dma_wait3A_315] : memref<4x170000x128xf32, #tpu.memory_space<hbm>> -> memref<1x64x128xf32, #tpu.memory_space<hbm>>
            %dma_wait3A_317 = tpu.memref_squeeze %dma_wait3A_316 : memref<1x64x128xf32, #tpu.memory_space<hbm>> -> memref<64x128xf32, #tpu.memory_space<hbm>>
            tpu.wait_dma2 semaphore(%arg17 : memref<!tpu.dma_semaphore, #tpu.memory_space<semaphore_mem>>) src(%arg11 : memref<64x128xf32, #tpu.memory_space<vmem>>) dst(%dma_wait3A_317 : memref<64x128xf32, #tpu.memory_space<hbm>>)
          } else {
          }
          %add3A_296 = arith.addi %add3A_53, %add3A_257 : i32
          %add3A_297 = arith.constant 1 : i32
          %add3A_298 = arith.addi %add3A_296, %add3A_297 : i32
          %mul3A_299 = arith.constant 64 : i32
          %mul3A_300 = arith.muli %add3A_298, %mul3A_299 : i32
          "tpu.region"() ({
            %run_scoped3A = tpu.sem_alloc : memref<!tpu.dma_semaphore, #tpu.memory_space<semaphore_mem>>
            %dma_start3A_309 = tpu.memref_slice %arg3[%mul3A_300] : memref<160000xi32, #tpu.memory_space<hbm>> -> memref<64xi32, #tpu.memory_space<hbm>>
            %dma_start3A_310 = tpu.memref_slice %arg3[%mul3A_300] : memref<160000xi32, #tpu.memory_space<hbm>> -> memref<64xi32, #tpu.memory_space<hbm>>
            tpu.enqueue_dma source(%dma_start3A_310 : memref<64xi32, #tpu.memory_space<hbm>>) target(%arg7 : memref<64xi32, #tpu.memory_space<vmem>>) target_semaphore(%run_scoped3A : memref<!tpu.dma_semaphore, #tpu.memory_space<semaphore_mem>>)
            %dma_wait3A_311 = tpu.memref_slice %arg3[%mul3A_300] : memref<160000xi32, #tpu.memory_space<hbm>> -> memref<64xi32, #tpu.memory_space<hbm>>
            %dma_wait3A_312 = tpu.memref_slice %arg3[%mul3A_300] : memref<160000xi32, #tpu.memory_space<hbm>> -> memref<64xi32, #tpu.memory_space<hbm>>
            tpu.wait_dma2 semaphore(%run_scoped3A : memref<!tpu.dma_semaphore, #tpu.memory_space<semaphore_mem>>) src(%dma_wait3A_312 : memref<64xi32, #tpu.memory_space<hbm>>) dst(%arg7 : memref<64xi32, #tpu.memory_space<vmem>>)
            tpu.yield
          }) : () -> ()
          %mul3A_301 = arith.constant 64 : i32
          %mul3A_302 = arith.muli %add3A_298, %mul3A_301 : i32
          "tpu.region"() ({
            %run_scoped3A = tpu.sem_alloc : memref<!tpu.dma_semaphore, #tpu.memory_space<semaphore_mem>>
            %dma_start3A_309 = tpu.memref_slice %arg4[%mul3A_302] : memref<160000xi32, #tpu.memory_space<hbm>> -> memref<64xi32, #tpu.memory_space<hbm>>
            %dma_start3A_310 = tpu.memref_slice %arg4[%mul3A_302] : memref<160000xi32, #tpu.memory_space<hbm>> -> memref<64xi32, #tpu.memory_space<hbm>>
            tpu.enqueue_dma source(%dma_start3A_310 : memref<64xi32, #tpu.memory_space<hbm>>) target(%arg9 : memref<64xi32, #tpu.memory_space<vmem>>) target_semaphore(%run_scoped3A : memref<!tpu.dma_semaphore, #tpu.memory_space<semaphore_mem>>)
            %dma_wait3A_311 = tpu.memref_slice %arg4[%mul3A_302] : memref<160000xi32, #tpu.memory_space<hbm>> -> memref<64xi32, #tpu.memory_space<hbm>>
            %dma_wait3A_312 = tpu.memref_slice %arg4[%mul3A_302] : memref<160000xi32, #tpu.memory_space<hbm>> -> memref<64xi32, #tpu.memory_space<hbm>>
            tpu.wait_dma2 semaphore(%run_scoped3A : memref<!tpu.dma_semaphore, #tpu.memory_space<semaphore_mem>>) src(%dma_wait3A_312 : memref<64xi32, #tpu.memory_space<hbm>>) dst(%arg9 : memref<64xi32, #tpu.memory_space<vmem>>)
            tpu.yield
          }) : () -> ()
          %dma_start3A_303 = arith.constant 0 : i32
          %dma_start3A_304 = arith.constant 0 : i32
          %dma_start3A_305 = tpu.memref_slice %arg6[%dma_start3A_303, %dma_start3A_304] : memref<10000x128xf32, #tpu.memory_space<vmem_shared>> -> memref<10000x128xf32, #tpu.memory_space<vmem_shared>>
          tpu.enqueue_indirect_dma source(%dma_start3A_305 : memref<10000x128xf32, #tpu.memory_space<vmem_shared>>) target(%arg11 : memref<64x128xf32, #tpu.memory_space<vmem>>) offsets(%arg7 : memref<64xi32, #tpu.memory_space<vmem>>) semaphore(%arg15 : memref<!tpu.dma_semaphore, #tpu.memory_space<semaphore_mem>>)
          %dma_start3A_306 = arith.constant 0 : i32
          %dma_start3A_307 = arith.constant 0 : i32
          %dma_start3A_308 = tpu.memref_slice %arg6[%dma_start3A_306, %dma_start3A_307] : memref<10000x128xf32, #tpu.memory_space<vmem_shared>> -> memref<10000x128xf32, #tpu.memory_space<vmem_shared>>
          tpu.enqueue_indirect_dma source(%dma_start3A_308 : memref<10000x128xf32, #tpu.memory_space<vmem_shared>>) target(%arg13 : memref<64x128xf32, #tpu.memory_space<vmem>>) offsets(%arg9 : memref<64xi32, #tpu.memory_space<vmem>>) semaphore(%arg15 : memref<!tpu.dma_semaphore, #tpu.memory_space<semaphore_mem>>)
        } else {
        }
        %dma_wait3A_268 = arith.constant 0 : i32
        %dma_wait3A_269 = arith.constant 0 : i32
        %dma_wait3A_270 = tpu.memref_slice %arg6[%dma_wait3A_268, %dma_wait3A_269] : memref<10000x128xf32, #tpu.memory_space<vmem_shared>> -> memref<10000x128xf32, #tpu.memory_space<vmem_shared>>
        tpu.wait_indirect_dma semaphore(%arg16 : memref<!tpu.dma_semaphore, #tpu.memory_space<semaphore_mem>>) src(%dma_wait3A_270 : memref<10000x128xf32, #tpu.memory_space<vmem_shared>>) dst(%arg12 : memref<64x128xf32, #tpu.memory_space<vmem>>)
        %dma_wait3A_271 = arith.constant 0 : i32
        %dma_wait3A_272 = arith.constant 0 : i32
        %dma_wait3A_273 = tpu.memref_slice %arg6[%dma_wait3A_271, %dma_wait3A_272] : memref<10000x128xf32, #tpu.memory_space<vmem_shared>> -> memref<10000x128xf32, #tpu.memory_space<vmem_shared>>
        tpu.wait_indirect_dma semaphore(%arg16 : memref<!tpu.dma_semaphore, #tpu.memory_space<semaphore_mem>>) src(%dma_wait3A_273 : memref<10000x128xf32, #tpu.memory_space<vmem_shared>>) dst(%arg14 : memref<64x128xf32, #tpu.memory_space<vmem>>)
        %scan3A_274 = arith.constant 0 : i32
        %scan3A_275 = arith.constant 0 : i32
        %scan3A_276 = arith.constant 64 : i32
        %scan3A_277 = arith.addi %scan3A_275, %scan3A_276 : i32
        %scan3A_278 = arith.constant 1 : i32
        scf.for %scan3A_292 = %scan3A_275 to %scan3A_277 step %scan3A_278  : i32 {
          %get3A = arith.index_cast %scan3A_292 : i32 to index
          %get3A_293 = arith.constant 0 : index
          %get3A_294 = tpu.vector_load %arg12[%get3A, %get3A_293] {strides = array<i32>} : memref<64x128xf32, #tpu.memory_space<vmem>>, vector<1x16xf32>,
          %get3A_295 = vector.shape_cast %get3A_294 : vector<1x16xf32> to vector<16xf32>
          %get3A_296 = arith.index_cast %scan3A_292 : i32 to index
          %get3A_297 = arith.constant 0 : index
          %get3A_298 = tpu.vector_load %arg14[%get3A_296, %get3A_297] {strides = array<i32>} : memref<64x128xf32, #tpu.memory_space<vmem>>, vector<1x16xf32>,
          %get3A_299 = vector.shape_cast %get3A_298 : vector<1x16xf32> to vector<16xf32>
          %add3A_300 = arith.addf %get3A_295, %get3A_299 : vector<16xf32>
          %mul3A_301 = arith.constant 5.000000e-01 : f32
          %mul3A_302 = vector.broadcast %mul3A_301 : f32 to vector<16xf32>
          %mul3A_303 = arith.mulf %add3A_300, %mul3A_302 : vector<16xf32>
          %swap3A = arith.index_cast %scan3A_292 : i32 to index
          %swap3A_304 = arith.constant 0 : index
          %swap3A_305 = tpu.vector_load %arg12[%swap3A, %swap3A_304] {strides = array<i32>} : memref<64x128xf32, #tpu.memory_space<vmem>>, vector<1x16xf32>,
          %swap3A_306 = vector.shape_cast %swap3A_305 : vector<1x16xf32> to vector<16xf32>
          %swap3A_307 = vector.shape_cast %mul3A_303 : vector<16xf32> to vector<1x16xf32>
          tpu.vector_store %arg12[%swap3A, %swap3A_304], %swap3A_307 {strides = array<i32>} : memref<64x128xf32, #tpu.memory_space<vmem>>, vector<1x16xf32>,
          %get3A_308 = arith.index_cast %scan3A_292 : i32 to index
          %get3A_309 = arith.constant 16 : index
          %get3A_310 = tpu.vector_load %arg12[%get3A_308, %get3A_309] {strides = array<i32>} : memref<64x128xf32, #tpu.memory_space<vmem>>, vector<1x16xf32>,
          %get3A_311 = vector.shape_cast %get3A_310 : vector<1x16xf32> to vector<16xf32>
          %get3A_312 = arith.index_cast %scan3A_292 : i32 to index
          %get3A_313 = arith.constant 16 : index
          %get3A_314 = tpu.vector_load %arg14[%get3A_312, %get3A_313] {strides = array<i32>} : memref<64x128xf32, #tpu.memory_space<vmem>>, vector<1x16xf32>,
          %get3A_315 = vector.shape_cast %get3A_314 : vector<1x16xf32> to vector<16xf32>
          %add3A_316 = arith.addf %get3A_311, %get3A_315 : vector<16xf32>
          %mul3A_317 = arith.constant 5.000000e-01 : f32
          %mul3A_318 = vector.broadcast %mul3A_317 : f32 to vector<16xf32>
          %mul3A_319 = arith.mulf %add3A_316, %mul3A_318 : vector<16xf32>
          %swap3A_320 = arith.index_cast %scan3A_292 : i32 to index
          %swap3A_321 = arith.constant 16 : index
          %swap3A_322 = tpu.vector_load %arg12[%swap3A_320, %swap3A_321] {strides = array<i32>} : memref<64x128xf32, #tpu.memory_space<vmem>>, vector<1x16xf32>,
          %swap3A_323 = vector.shape_cast %swap3A_322 : vector<1x16xf32> to vector<16xf32>
          %swap3A_324 = vector.shape_cast %mul3A_319 : vector<16xf32> to vector<1x16xf32>
          tpu.vector_store %arg12[%swap3A_320, %swap3A_321], %swap3A_324 {strides = array<i32>} : memref<64x128xf32, #tpu.memory_space<vmem>>, vector<1x16xf32>,
          %get3A_325 = arith.index_cast %scan3A_292 : i32 to index
          %get3A_326 = arith.constant 32 : index
          %get3A_327 = tpu.vector_load %arg12[%get3A_325, %get3A_326] {strides = array<i32>} : memref<64x128xf32, #tpu.memory_space<vmem>>, vector<1x16xf32>,
          %get3A_328 = vector.shape_cast %get3A_327 : vector<1x16xf32> to vector<16xf32>
          %get3A_329 = arith.index_cast %scan3A_292 : i32 to index
          %get3A_330 = arith.constant 32 : index
          %get3A_331 = tpu.vector_load %arg14[%get3A_329, %get3A_330] {strides = array<i32>} : memref<64x128xf32, #tpu.memory_space<vmem>>, vector<1x16xf32>,
          %get3A_332 = vector.shape_cast %get3A_331 : vector<1x16xf32> to vector<16xf32>
          %add3A_333 = arith.addf %get3A_328, %get3A_332 : vector<16xf32>
          %mul3A_334 = arith.constant 5.000000e-01 : f32
          %mul3A_335 = vector.broadcast %mul3A_334 : f32 to vector<16xf32>
          %mul3A_336 = arith.mulf %add3A_333, %mul3A_335 : vector<16xf32>
          %swap3A_337 = arith.index_cast %scan3A_292 : i32 to index
          %swap3A_338 = arith.constant 32 : index
          %swap3A_339 = tpu.vector_load %arg12[%swap3A_337, %swap3A_338] {strides = array<i32>} : memref<64x128xf32, #tpu.memory_space<vmem>>, vector<1x16xf32>,
          %swap3A_340 = vector.shape_cast %swap3A_339 : vector<1x16xf32> to vector<16xf32>
          %swap3A_341 = vector.shape_cast %mul3A_336 : vector<16xf32> to vector<1x16xf32>
          tpu.vector_store %arg12[%swap3A_337, %swap3A_338], %swap3A_341 {strides = array<i32>} : memref<64x128xf32, #tpu.memory_space<vmem>>, vector<1x16xf32>,
          %get3A_342 = arith.index_cast %scan3A_292 : i32 to index
          %get3A_343 = arith.constant 48 : index
          %get3A_344 = tpu.vector_load %arg12[%get3A_342, %get3A_343] {strides = array<i32>} : memref<64x128xf32, #tpu.memory_space<vmem>>, vector<1x16xf32>,
          %get3A_345 = vector.shape_cast %get3A_344 : vector<1x16xf32> to vector<16xf32>
          %get3A_346 = arith.index_cast %scan3A_292 : i32 to index
          %get3A_347 = arith.constant 48 : index
          %get3A_348 = tpu.vector_load %arg14[%get3A_346, %get3A_347] {strides = array<i32>} : memref<64x128xf32, #tpu.memory_space<vmem>>, vector<1x16xf32>,
          %get3A_349 = vector.shape_cast %get3A_348 : vector<1x16xf32> to vector<16xf32>
          %add3A_350 = arith.addf %get3A_345, %get3A_349 : vector<16xf32>
          %mul3A_351 = arith.constant 5.000000e-01 : f32
          %mul3A_352 = vector.broadcast %mul3A_351 : f32 to vector<16xf32>
          %mul3A_353 = arith.mulf %add3A_350, %mul3A_352 : vector<16xf32>
          %swap3A_354 = arith.index_cast %scan3A_292 : i32 to index
          %swap3A_355 = arith.constant 48 : index
          %swap3A_356 = tpu.vector_load %arg12[%swap3A_354, %swap3A_355] {strides = array<i32>} : memref<64x128xf32, #tpu.memory_space<vmem>>, vector<1x16xf32>,
          %swap3A_357 = vector.shape_cast %swap3A_356 : vector<1x16xf32> to vector<16xf32>
          %swap3A_358 = vector.shape_cast %mul3A_353 : vector<16xf32> to vector<1x16xf32>
          tpu.vector_store %arg12[%swap3A_354, %swap3A_355], %swap3A_358 {strides = array<i32>} : memref<64x128xf32, #tpu.memory_space<vmem>>, vector<1x16xf32>,
          %get3A_359 = arith.index_cast %scan3A_292 : i32 to index
          %get3A_360 = arith.constant 64 : index
          %get3A_361 = tpu.vector_load %arg12[%get3A_359, %get3A_360] {strides = array<i32>} : memref<64x128xf32, #tpu.memory_space<vmem>>, vector<1x16xf32>,
          %get3A_362 = vector.shape_cast %get3A_361 : vector<1x16xf32> to vector<16xf32>
          %get3A_363 = arith.index_cast %scan3A_292 : i32 to index
          %get3A_364 = arith.constant 64 : index
          %get3A_365 = tpu.vector_load %arg14[%get3A_363, %get3A_364] {strides = array<i32>} : memref<64x128xf32, #tpu.memory_space<vmem>>, vector<1x16xf32>,
          %get3A_366 = vector.shape_cast %get3A_365 : vector<1x16xf32> to vector<16xf32>
          %add3A_367 = arith.addf %get3A_362, %get3A_366 : vector<16xf32>
          %mul3A_368 = arith.constant 5.000000e-01 : f32
          %mul3A_369 = vector.broadcast %mul3A_368 : f32 to vector<16xf32>
          %mul3A_370 = arith.mulf %add3A_367, %mul3A_369 : vector<16xf32>
          %swap3A_371 = arith.index_cast %scan3A_292 : i32 to index
          %swap3A_372 = arith.constant 64 : index
          %swap3A_373 = tpu.vector_load %arg12[%swap3A_371, %swap3A_372] {strides = array<i32>} : memref<64x128xf32, #tpu.memory_space<vmem>>, vector<1x16xf32>,
          %swap3A_374 = vector.shape_cast %swap3A_373 : vector<1x16xf32> to vector<16xf32>
          %swap3A_375 = vector.shape_cast %mul3A_370 : vector<16xf32> to vector<1x16xf32>
          tpu.vector_store %arg12[%swap3A_371, %swap3A_372], %swap3A_375 {strides = array<i32>} : memref<64x128xf32, #tpu.memory_space<vmem>>, vector<1x16xf32>,
          %get3A_376 = arith.index_cast %scan3A_292 : i32 to index
          %get3A_377 = arith.constant 80 : index
          %get3A_378 = tpu.vector_load %arg12[%get3A_376, %get3A_377] {strides = array<i32>} : memref<64x128xf32, #tpu.memory_space<vmem>>, vector<1x16xf32>,
          %get3A_379 = vector.shape_cast %get3A_378 : vector<1x16xf32> to vector<16xf32>
          %get3A_380 = arith.index_cast %scan3A_292 : i32 to index
          %get3A_381 = arith.constant 80 : index
          %get3A_382 = tpu.vector_load %arg14[%get3A_380, %get3A_381] {strides = array<i32>} : memref<64x128xf32, #tpu.memory_space<vmem>>, vector<1x16xf32>,
          %get3A_383 = vector.shape_cast %get3A_382 : vector<1x16xf32> to vector<16xf32>
          %add3A_384 = arith.addf %get3A_379, %get3A_383 : vector<16xf32>
          %mul3A_385 = arith.constant 5.000000e-01 : f32
          %mul3A_386 = vector.broadcast %mul3A_385 : f32 to vector<16xf32>
          %mul3A_387 = arith.mulf %add3A_384, %mul3A_386 : vector<16xf32>
          %swap3A_388 = arith.index_cast %scan3A_292 : i32 to index
          %swap3A_389 = arith.constant 80 : index
          %swap3A_390 = tpu.vector_load %arg12[%swap3A_388, %swap3A_389] {strides = array<i32>} : memref<64x128xf32, #tpu.memory_space<vmem>>, vector<1x16xf32>,
          %swap3A_391 = vector.shape_cast %swap3A_390 : vector<1x16xf32> to vector<16xf32>
          %swap3A_392 = vector.shape_cast %mul3A_387 : vector<16xf32> to vector<1x16xf32>
          tpu.vector_store %arg12[%swap3A_388, %swap3A_389], %swap3A_392 {strides = array<i32>} : memref<64x128xf32, #tpu.memory_space<vmem>>, vector<1x16xf32>,
          %get3A_393 = arith.index_cast %scan3A_292 : i32 to index
          %get3A_394 = arith.constant 96 : index
          %get3A_395 = tpu.vector_load %arg12[%get3A_393, %get3A_394] {strides = array<i32>} : memref<64x128xf32, #tpu.memory_space<vmem>>, vector<1x16xf32>,
          %get3A_396 = vector.shape_cast %get3A_395 : vector<1x16xf32> to vector<16xf32>
          %get3A_397 = arith.index_cast %scan3A_292 : i32 to index
          %get3A_398 = arith.constant 96 : index
          %get3A_399 = tpu.vector_load %arg14[%get3A_397, %get3A_398] {strides = array<i32>} : memref<64x128xf32, #tpu.memory_space<vmem>>, vector<1x16xf32>,
          %get3A_400 = vector.shape_cast %get3A_399 : vector<1x16xf32> to vector<16xf32>
          %add3A_401 = arith.addf %get3A_396, %get3A_400 : vector<16xf32>
          %mul3A_402 = arith.constant 5.000000e-01 : f32
          %mul3A_403 = vector.broadcast %mul3A_402 : f32 to vector<16xf32>
          %mul3A_404 = arith.mulf %add3A_401, %mul3A_403 : vector<16xf32>
          %swap3A_405 = arith.index_cast %scan3A_292 : i32 to index
          %swap3A_406 = arith.constant 96 : index
          %swap3A_407 = tpu.vector_load %arg12[%swap3A_405, %swap3A_406] {strides = array<i32>} : memref<64x128xf32, #tpu.memory_space<vmem>>, vector<1x16xf32>,
          %swap3A_408 = vector.shape_cast %swap3A_407 : vector<1x16xf32> to vector<16xf32>
          %swap3A_409 = vector.shape_cast %mul3A_404 : vector<16xf32> to vector<1x16xf32>
          tpu.vector_store %arg12[%swap3A_405, %swap3A_406], %swap3A_409 {strides = array<i32>} : memref<64x128xf32, #tpu.memory_space<vmem>>, vector<1x16xf32>,
          %get3A_410 = arith.index_cast %scan3A_292 : i32 to index
          %get3A_411 = arith.constant 112 : index
          %get3A_412 = tpu.vector_load %arg12[%get3A_410, %get3A_411] {strides = array<i32>} : memref<64x128xf32, #tpu.memory_space<vmem>>, vector<1x16xf32>,
          %get3A_413 = vector.shape_cast %get3A_412 : vector<1x16xf32> to vector<16xf32>
          %get3A_414 = arith.index_cast %scan3A_292 : i32 to index
          %get3A_415 = arith.constant 112 : index
          %get3A_416 = tpu.vector_load %arg14[%get3A_414, %get3A_415] {strides = array<i32>} : memref<64x128xf32, #tpu.memory_space<vmem>>, vector<1x16xf32>,
          %get3A_417 = vector.shape_cast %get3A_416 : vector<1x16xf32> to vector<16xf32>
          %add3A_418 = arith.addf %get3A_413, %get3A_417 : vector<16xf32>
          %mul3A_419 = arith.constant 5.000000e-01 : f32
          %mul3A_420 = vector.broadcast %mul3A_419 : f32 to vector<16xf32>
          %mul3A_421 = arith.mulf %add3A_418, %mul3A_420 : vector<16xf32>
          %swap3A_422 = arith.index_cast %scan3A_292 : i32 to index
          %swap3A_423 = arith.constant 112 : index
          %swap3A_424 = tpu.vector_load %arg12[%swap3A_422, %swap3A_423] {strides = array<i32>} : memref<64x128xf32, #tpu.memory_space<vmem>>, vector<1x16xf32>,
          %swap3A_425 = vector.shape_cast %swap3A_424 : vector<1x16xf32> to vector<16xf32>
          %swap3A_426 = vector.shape_cast %mul3A_421 : vector<16xf32> to vector<1x16xf32>
          tpu.vector_store %arg12[%swap3A_422, %swap3A_423], %swap3A_426 {strides = array<i32>} : memref<64x128xf32, #tpu.memory_space<vmem>>, vector<1x16xf32>,
        }
        %scan3A_279 = arith.constant 64 : i32
        %add3A_280 = arith.addi %add3A_53, %add3A_257 : i32
        %mul3A_281 = arith.constant 64 : i32
        %mul3A_282 = arith.muli %add3A_280, %mul3A_281 : i32
        %add3A_283 = arith.constant 10000 : i32
        %add3A_284 = arith.addi %add3A_283, %mul3A_282 : i32
        %dma_start3A_285 = arith.constant 0 : i32
        %dma_start3A_286 = arith.constant 0 : i32
        %dma_start3A_287 = tpu.memref_slice %arg5[%dma_start3A_285, %add3A_284, %dma_start3A_286] : memref<4x170000x128xf32, #tpu.memory_space<hbm>> -> memref<1x64x128xf32, #tpu.memory_space<hbm>>
        %dma_start3A_288 = tpu.memref_squeeze %dma_start3A_287 : memref<1x64x128xf32, #tpu.memory_space<hbm>> -> memref<64x128xf32, #tpu.memory_space<hbm>>
        %dma_start3A_289 = arith.constant 0 : i32
        %dma_start3A_290 = tpu.memref_slice %arg5[%dma_start3A_285, %add3A_284, %dma_start3A_289] : memref<4x170000x128xf32, #tpu.memory_space<hbm>> -> memref<1x64x128xf32, #tpu.memory_space<hbm>>
        %dma_start3A_291 = tpu.memref_squeeze %dma_start3A_290 : memref<1x64x128xf32, #tpu.memory_space<hbm>> -> memref<64x128xf32, #tpu.memory_space<hbm>>
        tpu.enqueue_dma source(%arg12 : memref<64x128xf32, #tpu.memory_space<vmem>>) target(%dma_start3A_291 : memref<64x128xf32, #tpu.memory_space<hbm>>) target_semaphore(%arg18 : memref<!tpu.dma_semaphore, #tpu.memory_space<semaphore_mem>>)
      } else {
      }
    }
    %scan3A_78 = arith.constant 40 : i32
    %dma_wait3A = arith.constant 0 : i32
    %dma_wait3A_79 = arith.constant 10000 : i32
    %dma_wait3A_80 = arith.constant 0 : i32
    %dma_wait3A_81 = tpu.memref_slice %arg5[%dma_wait3A, %dma_wait3A_79, %dma_wait3A_80] : memref<4x170000x128xf32, #tpu.memory_space<hbm>> -> memref<1x64x128xf32, #tpu.memory_space<hbm>>
    %dma_wait3A_82 = tpu.memref_squeeze %dma_wait3A_81 : memref<1x64x128xf32, #tpu.memory_space<hbm>> -> memref<64x128xf32, #tpu.memory_space<hbm>>
    %dma_wait3A_83 = arith.constant 10000 : i32
    %dma_wait3A_84 = arith.constant 0 : i32
    %dma_wait3A_85 = tpu.memref_slice %arg5[%dma_wait3A, %dma_wait3A_83, %dma_wait3A_84] : memref<4x170000x128xf32, #tpu.memory_space<hbm>> -> memref<1x64x128xf32, #tpu.memory_space<hbm>>
    %dma_wait3A_86 = tpu.memref_squeeze %dma_wait3A_85 : memref<1x64x128xf32, #tpu.memory_space<hbm>> -> memref<64x128xf32, #tpu.memory_space<hbm>>
    tpu.wait_dma2 semaphore(%arg17 : memref<!tpu.dma_semaphore, #tpu.memory_space<semaphore_mem>>) src(%arg11 : memref<64x128xf32, #tpu.memory_space<vmem>>) dst(%dma_wait3A_86 : memref<64x128xf32, #tpu.memory_space<hbm>>)
    %dma_wait3A_87 = arith.constant 0 : i32
    %dma_wait3A_88 = arith.constant 10000 : i32
    %dma_wait3A_89 = arith.constant 0 : i32
    %dma_wait3A_90 = tpu.memref_slice %arg5[%dma_wait3A_87, %dma_wait3A_88, %dma_wait3A_89] : memref<4x170000x128xf32, #tpu.memory_space<hbm>> -> memref<1x64x128xf32, #tpu.memory_space<hbm>>
    %dma_wait3A_91 = tpu.memref_squeeze %dma_wait3A_90 : memref<1x64x128xf32, #tpu.memory_space<hbm>> -> memref<64x128xf32, #tpu.memory_space<hbm>>
    %dma_wait3A_92 = arith.constant 10000 : i32
    %dma_wait3A_93 = arith.constant 0 : i32
    %dma_wait3A_94 = tpu.memref_slice %arg5[%dma_wait3A_87, %dma_wait3A_92, %dma_wait3A_93] : memref<4x170000x128xf32, #tpu.memory_space<hbm>> -> memref<1x64x128xf32, #tpu.memory_space<hbm>>
    %dma_wait3A_95 = tpu.memref_squeeze %dma_wait3A_94 : memref<1x64x128xf32, #tpu.memory_space<hbm>> -> memref<64x128xf32, #tpu.memory_space<hbm>>
    tpu.wait_dma2 semaphore(%arg18 : memref<!tpu.dma_semaphore, #tpu.memory_space<semaphore_mem>>) src(%arg12 : memref<64x128xf32, #tpu.memory_space<vmem>>) dst(%dma_wait3A_95 : memref<64x128xf32, #tpu.memory_space<hbm>>)
    %barrier3A_96 = arith.constant 0 : index
    tpu.barrier barrier_id(%barrier3A_96)
    %lt3A_97 = arith.constant 15 : i32
    %lt3A_98 = arith.cmpi slt, %arg1, %lt3A_97 : i32
    %convert_element_type3A_99 = arith.extui %lt3A_98 : i1 to i32
    %cond3A_100 = arith.constant 0 : i32
    %cond3A_101 = arith.cmpi ne, %convert_element_type3A_99, %cond3A_100 : i32
    scf.if %cond3A_101 {
      %mul3A_245 = arith.constant 640 : i32
      %mul3A_246 = arith.muli %arg1, %mul3A_245 : i32
      %add3A_247 = arith.constant 10000 : i32
      %add3A_248 = arith.addi %add3A_247, %mul3A_246 : i32
      %mul3A_249 = arith.constant 640 : i32
      %mul3A_250 = arith.muli %arg1, %mul3A_249 : i32
      "tpu.region"() ({
        %run_scoped3A = tpu.sem_alloc : memref<!tpu.dma_semaphore, #tpu.memory_space<semaphore_mem>>
        %dma_start3A_251 = arith.constant 0 : i32
        %dma_start3A_252 = tpu.memref_slice %arg6[%mul3A_250, %dma_start3A_251] : memref<10000x128xf32, #tpu.memory_space<vmem_shared>> -> memref<640x128xf32, #tpu.memory_space<vmem_shared>>
        %dma_start3A_253 = arith.constant 0 : i32
        %dma_start3A_254 = tpu.memref_slice %arg2[%add3A_248, %dma_start3A_253] : memref<40000x128xf32, #tpu.memory_space<hbm>> -> memref<640x128xf32, #tpu.memory_space<hbm>>
        tpu.enqueue_dma source(%dma_start3A_254 : memref<640x128xf32, #tpu.memory_space<hbm>>) target(%dma_start3A_252 : memref<640x128xf32, #tpu.memory_space<vmem_shared>>) target_semaphore(%run_scoped3A : memref<!tpu.dma_semaphore, #tpu.memory_space<semaphore_mem>>)
        %dma_wait3A_255 = arith.constant 0 : i32
        %dma_wait3A_256 = tpu.memref_slice %arg6[%mul3A_250, %dma_wait3A_255] : memref<10000x128xf32, #tpu.memory_space<vmem_shared>> -> memref<640x128xf32, #tpu.memory_space<vmem_shared>>
        %dma_wait3A_257 = arith.constant 0 : i32
        %dma_wait3A_258 = tpu.memref_slice %arg2[%add3A_248, %dma_wait3A_257] : memref<40000x128xf32, #tpu.memory_space<hbm>> -> memref<640x128xf32, #tpu.memory_space<hbm>>
        tpu.wait_dma2 semaphore(%run_scoped3A : memref<!tpu.dma_semaphore, #tpu.memory_space<semaphore_mem>>) src(%dma_wait3A_258 : memref<640x128xf32, #tpu.memory_space<hbm>>) dst(%dma_wait3A_256 : memref<640x128xf32, #tpu.memory_space<vmem_shared>>)
        tpu.yield
      }) : () -> ()
    } else {
    }
    %eq3A_102 = arith.constant 15 : i32
    %eq3A_103 = arith.cmpi eq, %arg1, %eq3A_102 : i32
    %convert_element_type3A_104 = arith.extui %eq3A_103 : i1 to i32
    %cond3A_105 = arith.constant 0 : i32
    %cond3A_106 = arith.cmpi ne, %convert_element_type3A_104, %cond3A_105 : i32
    scf.if %cond3A_106 {
      "tpu.region"() ({
        %run_scoped3A = tpu.sem_alloc : memref<!tpu.dma_semaphore, #tpu.memory_space<semaphore_mem>>
        %dma_start3A_245 = arith.constant 9600 : i32
        %dma_start3A_246 = arith.constant 0 : i32
        %dma_start3A_247 = tpu.memref_slice %arg6[%dma_start3A_245, %dma_start3A_246] : memref<10000x128xf32, #tpu.memory_space<vmem_shared>> -> memref<400x128xf32, #tpu.memory_space<vmem_shared>>
        %dma_start3A_248 = arith.constant 19600 : i32
        %dma_start3A_249 = arith.constant 0 : i32
        %dma_start3A_250 = tpu.memref_slice %arg2[%dma_start3A_248, %dma_start3A_249] : memref<40000x128xf32, #tpu.memory_space<hbm>> -> memref<400x128xf32, #tpu.memory_space<hbm>>
        tpu.enqueue_dma source(%dma_start3A_250 : memref<400x128xf32, #tpu.memory_space<hbm>>) target(%dma_start3A_247 : memref<400x128xf32, #tpu.memory_space<vmem_shared>>) target_semaphore(%run_scoped3A : memref<!tpu.dma_semaphore, #tpu.memory_space<semaphore_mem>>)
        %dma_wait3A_251 = arith.constant 9600 : i32
        %dma_wait3A_252 = arith.constant 0 : i32
        %dma_wait3A_253 = tpu.memref_slice %arg6[%dma_wait3A_251, %dma_wait3A_252] : memref<10000x128xf32, #tpu.memory_space<vmem_shared>> -> memref<400x128xf32, #tpu.memory_space<vmem_shared>>
        %dma_wait3A_254 = arith.constant 19600 : i32
        %dma_wait3A_255 = arith.constant 0 : i32
        %dma_wait3A_256 = tpu.memref_slice %arg2[%dma_wait3A_254, %dma_wait3A_255] : memref<40000x128xf32, #tpu.memory_space<hbm>> -> memref<400x128xf32, #tpu.memory_space<hbm>>
        tpu.wait_dma2 semaphore(%run_scoped3A : memref<!tpu.dma_semaphore, #tpu.memory_space<semaphore_mem>>) src(%dma_wait3A_256 : memref<400x128xf32, #tpu.memory_space<hbm>>) dst(%dma_wait3A_253 : memref<400x128xf32, #tpu.memory_space<vmem_shared>>)
        tpu.yield
      }) : () -> ()
    } else {
    }
    %barrier3A_107 = arith.constant 0 : index
    tpu.barrier barrier_id(%barrier3A_107)
    %mul3A_108 = arith.constant 64 : i32
    %mul3A_109 = arith.muli %add3A_53, %mul3A_108 : i32
    "tpu.region"() ({
      %run_scoped3A = tpu.sem_alloc : memref<!tpu.dma_semaphore, #tpu.memory_space<semaphore_mem>>
      %dma_start3A_245 = tpu.memref_slice %arg3[%mul3A_109] : memref<160000xi32, #tpu.memory_space<hbm>> -> memref<64xi32, #tpu.memory_space<hbm>>
      %dma_start3A_246 = tpu.memref_slice %arg3[%mul3A_109] : memref<160000xi32, #tpu.memory_space<hbm>> -> memref<64xi32, #tpu.memory_space<hbm>>
      tpu.enqueue_dma source(%dma_start3A_246 : memref<64xi32, #tpu.memory_space<hbm>>) target(%arg7 : memref<64xi32, #tpu.memory_space<vmem>>) target_semaphore(%run_scoped3A : memref<!tpu.dma_semaphore, #tpu.memory_space<semaphore_mem>>)
      %dma_wait3A_247 = tpu.memref_slice %arg3[%mul3A_109] : memref<160000xi32, #tpu.memory_space<hbm>> -> memref<64xi32, #tpu.memory_space<hbm>>
      %dma_wait3A_248 = tpu.memref_slice %arg3[%mul3A_109] : memref<160000xi32, #tpu.memory_space<hbm>> -> memref<64xi32, #tpu.memory_space<hbm>>
      tpu.wait_dma2 semaphore(%run_scoped3A : memref<!tpu.dma_semaphore, #tpu.memory_space<semaphore_mem>>) src(%dma_wait3A_248 : memref<64xi32, #tpu.memory_space<hbm>>) dst(%arg7 : memref<64xi32, #tpu.memory_space<vmem>>)
      tpu.yield
    }) : () -> ()
    %mul3A_110 = arith.constant 64 : i32
    %mul3A_111 = arith.muli %add3A_53, %mul3A_110 : i32
    "tpu.region"() ({
      %run_scoped3A = tpu.sem_alloc : memref<!tpu.dma_semaphore, #tpu.memory_space<semaphore_mem>>
      %dma_start3A_245 = tpu.memref_slice %arg4[%mul3A_111] : memref<160000xi32, #tpu.memory_space<hbm>> -> memref<64xi32, #tpu.memory_space<hbm>>
      %dma_start3A_246 = tpu.memref_slice %arg4[%mul3A_111] : memref<160000xi32, #tpu.memory_space<hbm>> -> memref<64xi32, #tpu.memory_space<hbm>>
      tpu.enqueue_dma source(%dma_start3A_246 : memref<64xi32, #tpu.memory_space<hbm>>) target(%arg9 : memref<64xi32, #tpu.memory_space<vmem>>) target_semaphore(%run_scoped3A : memref<!tpu.dma_semaphore, #tpu.memory_space<semaphore_mem>>)
      %dma_wait3A_247 = tpu.memref_slice %arg4[%mul3A_111] : memref<160000xi32, #tpu.memory_space<hbm>> -> memref<64xi32, #tpu.memory_space<hbm>>
      %dma_wait3A_248 = tpu.memref_slice %arg4[%mul3A_111] : memref<160000xi32, #tpu.memory_space<hbm>> -> memref<64xi32, #tpu.memory_space<hbm>>
      tpu.wait_dma2 semaphore(%run_scoped3A : memref<!tpu.dma_semaphore, #tpu.memory_space<semaphore_mem>>) src(%dma_wait3A_248 : memref<64xi32, #tpu.memory_space<hbm>>) dst(%arg9 : memref<64xi32, #tpu.memory_space<vmem>>)
      tpu.yield
    }) : () -> ()
    %dma_start3A_112 = arith.constant 0 : i32
    %dma_start3A_113 = arith.constant 0 : i32
    %dma_start3A_114 = tpu.memref_slice %arg6[%dma_start3A_112, %dma_start3A_113] : memref<10000x128xf32, #tpu.memory_space<vmem_shared>> -> memref<10000x128xf32, #tpu.memory_space<vmem_shared>>
    tpu.enqueue_indirect_dma source(%dma_start3A_114 : memref<10000x128xf32, #tpu.memory_space<vmem_shared>>) target(%arg11 : memref<64x128xf32, #tpu.memory_space<vmem>>) offsets(%arg7 : memref<64xi32, #tpu.memory_space<vmem>>) semaphore(%arg15 : memref<!tpu.dma_semaphore, #tpu.memory_space<semaphore_mem>>)
    %dma_start3A_115 = arith.constant 0 : i32
    %dma_start3A_116 = arith.constant 0 : i32
    %dma_start3A_117 = tpu.memref_slice %arg6[%dma_start3A_115, %dma_start3A_116] : memref<10000x128xf32, #tpu.memory_space<vmem_shared>> -> memref<10000x128xf32, #tpu.memory_space<vmem_shared>>
    tpu.enqueue_indirect_dma source(%dma_start3A_117 : memref<10000x128xf32, #tpu.memory_space<vmem_shared>>) target(%arg13 : memref<64x128xf32, #tpu.memory_space<vmem>>) offsets(%arg9 : memref<64xi32, #tpu.memory_space<vmem>>) semaphore(%arg15 : memref<!tpu.dma_semaphore, #tpu.memory_space<semaphore_mem>>)
    %scan3A_118 = arith.constant 0 : i32
    %scan3A_119 = arith.constant 0 : i32
    %scan3A_120 = arith.constant 40 : i32
    %scan3A_121 = arith.addi %scan3A_119, %scan3A_120 : i32
    %scan3A_122 = arith.constant 1 : i32
    scf.for %scan3A_245 = %scan3A_119 to %scan3A_121 step %scan3A_122  : i32 {
      %mul3A_246 = arith.constant 2 : i32
      %mul3A_247 = arith.muli %mul3A_246, %scan3A_245 : i32
      %add3A_248 = arith.constant 0 : i32
      %add3A_249 = arith.addi %mul3A_247, %add3A_248 : i32
      %lt3A_250 = arith.cmpi slt, %add3A_249, %add3A_49 : i32
      %convert_element_type3A_251 = arith.extui %lt3A_250 : i1 to i32
      %cond3A_252 = arith.constant 0 : i32
      %cond3A_253 = arith.cmpi ne, %convert_element_type3A_251, %cond3A_252 : i32
      scf.if %cond3A_253 {
        %add3A_262 = arith.constant 1 : i32
        %add3A_263 = arith.addi %add3A_249, %add3A_262 : i32
        %lt3A_264 = arith.cmpi slt, %add3A_263, %add3A_49 : i32
        %convert_element_type3A_265 = arith.extui %lt3A_264 : i1 to i32
        %cond3A_266 = arith.constant 0 : i32
        %cond3A_267 = arith.cmpi ne, %convert_element_type3A_265, %cond3A_266 : i32
        scf.if %cond3A_267 {
          %ge3A = arith.constant 1 : i32
          %ge3A_292 = arith.cmpi sge, %add3A_249, %ge3A : i32
          %convert_element_type3A_293 = arith.extui %ge3A_292 : i1 to i32
          %cond3A_294 = arith.constant 0 : i32
          %cond3A_295 = arith.cmpi ne, %convert_element_type3A_293, %cond3A_294 : i32
          scf.if %cond3A_295 {
            %dma_wait3A_309 = arith.constant 0 : i32
            %dma_wait3A_310 = arith.constant 10000 : i32
            %dma_wait3A_311 = arith.constant 0 : i32
            %dma_wait3A_312 = tpu.memref_slice %arg5[%dma_wait3A_309, %dma_wait3A_310, %dma_wait3A_311] : memref<4x170000x128xf32, #tpu.memory_space<hbm>> -> memref<1x64x128xf32, #tpu.memory_space<hbm>>
            %dma_wait3A_313 = tpu.memref_squeeze %dma_wait3A_312 : memref<1x64x128xf32, #tpu.memory_space<hbm>> -> memref<64x128xf32, #tpu.memory_space<hbm>>
            %dma_wait3A_314 = arith.constant 10000 : i32
            %dma_wait3A_315 = arith.constant 0 : i32
            %dma_wait3A_316 = tpu.memref_slice %arg5[%dma_wait3A_309, %dma_wait3A_314, %dma_wait3A_315] : memref<4x170000x128xf32, #tpu.memory_space<hbm>> -> memref<1x64x128xf32, #tpu.memory_space<hbm>>
            %dma_wait3A_317 = tpu.memref_squeeze %dma_wait3A_316 : memref<1x64x128xf32, #tpu.memory_space<hbm>> -> memref<64x128xf32, #tpu.memory_space<hbm>>
            tpu.wait_dma2 semaphore(%arg18 : memref<!tpu.dma_semaphore, #tpu.memory_space<semaphore_mem>>) src(%arg12 : memref<64x128xf32, #tpu.memory_space<vmem>>) dst(%dma_wait3A_317 : memref<64x128xf32, #tpu.memory_space<hbm>>)
          } else {
          }
          %add3A_296 = arith.addi %add3A_53, %add3A_249 : i32
          %add3A_297 = arith.constant 1 : i32
          %add3A_298 = arith.addi %add3A_296, %add3A_297 : i32
          %mul3A_299 = arith.constant 64 : i32
          %mul3A_300 = arith.muli %add3A_298, %mul3A_299 : i32
          "tpu.region"() ({
            %run_scoped3A = tpu.sem_alloc : memref<!tpu.dma_semaphore, #tpu.memory_space<semaphore_mem>>
            %dma_start3A_309 = tpu.memref_slice %arg3[%mul3A_300] : memref<160000xi32, #tpu.memory_space<hbm>> -> memref<64xi32, #tpu.memory_space<hbm>>
            %dma_start3A_310 = tpu.memref_slice %arg3[%mul3A_300] : memref<160000xi32, #tpu.memory_space<hbm>> -> memref<64xi32, #tpu.memory_space<hbm>>
            tpu.enqueue_dma source(%dma_start3A_310 : memref<64xi32, #tpu.memory_space<hbm>>) target(%arg8 : memref<64xi32, #tpu.memory_space<vmem>>) target_semaphore(%run_scoped3A : memref<!tpu.dma_semaphore, #tpu.memory_space<semaphore_mem>>)
            %dma_wait3A_311 = tpu.memref_slice %arg3[%mul3A_300] : memref<160000xi32, #tpu.memory_space<hbm>> -> memref<64xi32, #tpu.memory_space<hbm>>
            %dma_wait3A_312 = tpu.memref_slice %arg3[%mul3A_300] : memref<160000xi32, #tpu.memory_space<hbm>> -> memref<64xi32, #tpu.memory_space<hbm>>
            tpu.wait_dma2 semaphore(%run_scoped3A : memref<!tpu.dma_semaphore, #tpu.memory_space<semaphore_mem>>) src(%dma_wait3A_312 : memref<64xi32, #tpu.memory_space<hbm>>) dst(%arg8 : memref<64xi32, #tpu.memory_space<vmem>>)
            tpu.yield
          }) : () -> ()
          %mul3A_301 = arith.constant 64 : i32
          %mul3A_302 = arith.muli %add3A_298, %mul3A_301 : i32
          "tpu.region"() ({
            %run_scoped3A = tpu.sem_alloc : memref<!tpu.dma_semaphore, #tpu.memory_space<semaphore_mem>>
            %dma_start3A_309 = tpu.memref_slice %arg4[%mul3A_302] : memref<160000xi32, #tpu.memory_space<hbm>> -> memref<64xi32, #tpu.memory_space<hbm>>
            %dma_start3A_310 = tpu.memref_slice %arg4[%mul3A_302] : memref<160000xi32, #tpu.memory_space<hbm>> -> memref<64xi32, #tpu.memory_space<hbm>>
            tpu.enqueue_dma source(%dma_start3A_310 : memref<64xi32, #tpu.memory_space<hbm>>) target(%arg10 : memref<64xi32, #tpu.memory_space<vmem>>) target_semaphore(%run_scoped3A : memref<!tpu.dma_semaphore, #tpu.memory_space<semaphore_mem>>)
            %dma_wait3A_311 = tpu.memref_slice %arg4[%mul3A_302] : memref<160000xi32, #tpu.memory_space<hbm>> -> memref<64xi32, #tpu.memory_space<hbm>>
            %dma_wait3A_312 = tpu.memref_slice %arg4[%mul3A_302] : memref<160000xi32, #tpu.memory_space<hbm>> -> memref<64xi32, #tpu.memory_space<hbm>>
            tpu.wait_dma2 semaphore(%run_scoped3A : memref<!tpu.dma_semaphore, #tpu.memory_space<semaphore_mem>>) src(%dma_wait3A_312 : memref<64xi32, #tpu.memory_space<hbm>>) dst(%arg10 : memref<64xi32, #tpu.memory_space<vmem>>)
            tpu.yield
          }) : () -> ()
          %dma_start3A_303 = arith.constant 0 : i32
          %dma_start3A_304 = arith.constant 0 : i32
          %dma_start3A_305 = tpu.memref_slice %arg6[%dma_start3A_303, %dma_start3A_304] : memref<10000x128xf32, #tpu.memory_space<vmem_shared>> -> memref<10000x128xf32, #tpu.memory_space<vmem_shared>>
          tpu.enqueue_indirect_dma source(%dma_start3A_305 : memref<10000x128xf32, #tpu.memory_space<vmem_shared>>) target(%arg12 : memref<64x128xf32, #tpu.memory_space<vmem>>) offsets(%arg8 : memref<64xi32, #tpu.memory_space<vmem>>) semaphore(%arg16 : memref<!tpu.dma_semaphore, #tpu.memory_space<semaphore_mem>>)
          %dma_start3A_306 = arith.constant 0 : i32
          %dma_start3A_307 = arith.constant 0 : i32
          %dma_start3A_308 = tpu.memref_slice %arg6[%dma_start3A_306, %dma_start3A_307] : memref<10000x128xf32, #tpu.memory_space<vmem_shared>> -> memref<10000x128xf32, #tpu.memory_space<vmem_shared>>
          tpu.enqueue_indirect_dma source(%dma_start3A_308 : memref<10000x128xf32, #tpu.memory_space<vmem_shared>>) target(%arg14 : memref<64x128xf32, #tpu.memory_space<vmem>>) offsets(%arg10 : memref<64xi32, #tpu.memory_space<vmem>>) semaphore(%arg16 : memref<!tpu.dma_semaphore, #tpu.memory_space<semaphore_mem>>)
        } else {
        }
        %dma_wait3A_268 = arith.constant 0 : i32
        %dma_wait3A_269 = arith.constant 0 : i32
        %dma_wait3A_270 = tpu.memref_slice %arg6[%dma_wait3A_268, %dma_wait3A_269] : memref<10000x128xf32, #tpu.memory_space<vmem_shared>> -> memref<10000x128xf32, #tpu.memory_space<vmem_shared>>
        tpu.wait_indirect_dma semaphore(%arg15 : memref<!tpu.dma_semaphore, #tpu.memory_space<semaphore_mem>>) src(%dma_wait3A_270 : memref<10000x128xf32, #tpu.memory_space<vmem_shared>>) dst(%arg11 : memref<64x128xf32, #tpu.memory_space<vmem>>)
        %dma_wait3A_271 = arith.constant 0 : i32
        %dma_wait3A_272 = arith.constant 0 : i32
        %dma_wait3A_273 = tpu.memref_slice %arg6[%dma_wait3A_271, %dma_wait3A_272] : memref<10000x128xf32, #tpu.memory_space<vmem_shared>> -> memref<10000x128xf32, #tpu.memory_space<vmem_shared>>
        tpu.wait_indirect_dma semaphore(%arg15 : memref<!tpu.dma_semaphore, #tpu.memory_space<semaphore_mem>>) src(%dma_wait3A_273 : memref<10000x128xf32, #tpu.memory_space<vmem_shared>>) dst(%arg13 : memref<64x128xf32, #tpu.memory_space<vmem>>)
        %scan3A_274 = arith.constant 0 : i32
        %scan3A_275 = arith.constant 0 : i32
        %scan3A_276 = arith.constant 64 : i32
        %scan3A_277 = arith.addi %scan3A_275, %scan3A_276 : i32
        %scan3A_278 = arith.constant 1 : i32
        scf.for %scan3A_292 = %scan3A_275 to %scan3A_277 step %scan3A_278  : i32 {
          %get3A = arith.index_cast %scan3A_292 : i32 to index
          %get3A_293 = arith.constant 0 : index
          %get3A_294 = tpu.vector_load %arg11[%get3A, %get3A_293] {strides = array<i32>} : memref<64x128xf32, #tpu.memory_space<vmem>>, vector<1x16xf32>,
          %get3A_295 = vector.shape_cast %get3A_294 : vector<1x16xf32> to vector<16xf32>
          %get3A_296 = arith.index_cast %scan3A_292 : i32 to index
          %get3A_297 = arith.constant 0 : index
          %get3A_298 = tpu.vector_load %arg13[%get3A_296, %get3A_297] {strides = array<i32>} : memref<64x128xf32, #tpu.memory_space<vmem>>, vector<1x16xf32>,
          %get3A_299 = vector.shape_cast %get3A_298 : vector<1x16xf32> to vector<16xf32>
          %add3A_300 = arith.addf %get3A_295, %get3A_299 : vector<16xf32>
          %mul3A_301 = arith.constant 5.000000e-01 : f32
          %mul3A_302 = vector.broadcast %mul3A_301 : f32 to vector<16xf32>
          %mul3A_303 = arith.mulf %add3A_300, %mul3A_302 : vector<16xf32>
          %swap3A = arith.index_cast %scan3A_292 : i32 to index
          %swap3A_304 = arith.constant 0 : index
          %swap3A_305 = tpu.vector_load %arg11[%swap3A, %swap3A_304] {strides = array<i32>} : memref<64x128xf32, #tpu.memory_space<vmem>>, vector<1x16xf32>,
          %swap3A_306 = vector.shape_cast %swap3A_305 : vector<1x16xf32> to vector<16xf32>
          %swap3A_307 = vector.shape_cast %mul3A_303 : vector<16xf32> to vector<1x16xf32>
          tpu.vector_store %arg11[%swap3A, %swap3A_304], %swap3A_307 {strides = array<i32>} : memref<64x128xf32, #tpu.memory_space<vmem>>, vector<1x16xf32>,
          %get3A_308 = arith.index_cast %scan3A_292 : i32 to index
          %get3A_309 = arith.constant 16 : index
          %get3A_310 = tpu.vector_load %arg11[%get3A_308, %get3A_309] {strides = array<i32>} : memref<64x128xf32, #tpu.memory_space<vmem>>, vector<1x16xf32>,
          %get3A_311 = vector.shape_cast %get3A_310 : vector<1x16xf32> to vector<16xf32>
          %get3A_312 = arith.index_cast %scan3A_292 : i32 to index
          %get3A_313 = arith.constant 16 : index
          %get3A_314 = tpu.vector_load %arg13[%get3A_312, %get3A_313] {strides = array<i32>} : memref<64x128xf32, #tpu.memory_space<vmem>>, vector<1x16xf32>,
          %get3A_315 = vector.shape_cast %get3A_314 : vector<1x16xf32> to vector<16xf32>
          %add3A_316 = arith.addf %get3A_311, %get3A_315 : vector<16xf32>
          %mul3A_317 = arith.constant 5.000000e-01 : f32
          %mul3A_318 = vector.broadcast %mul3A_317 : f32 to vector<16xf32>
          %mul3A_319 = arith.mulf %add3A_316, %mul3A_318 : vector<16xf32>
          %swap3A_320 = arith.index_cast %scan3A_292 : i32 to index
          %swap3A_321 = arith.constant 16 : index
          %swap3A_322 = tpu.vector_load %arg11[%swap3A_320, %swap3A_321] {strides = array<i32>} : memref<64x128xf32, #tpu.memory_space<vmem>>, vector<1x16xf32>,
          %swap3A_323 = vector.shape_cast %swap3A_322 : vector<1x16xf32> to vector<16xf32>
          %swap3A_324 = vector.shape_cast %mul3A_319 : vector<16xf32> to vector<1x16xf32>
          tpu.vector_store %arg11[%swap3A_320, %swap3A_321], %swap3A_324 {strides = array<i32>} : memref<64x128xf32, #tpu.memory_space<vmem>>, vector<1x16xf32>,
          %get3A_325 = arith.index_cast %scan3A_292 : i32 to index
          %get3A_326 = arith.constant 32 : index
          %get3A_327 = tpu.vector_load %arg11[%get3A_325, %get3A_326] {strides = array<i32>} : memref<64x128xf32, #tpu.memory_space<vmem>>, vector<1x16xf32>,
          %get3A_328 = vector.shape_cast %get3A_327 : vector<1x16xf32> to vector<16xf32>
          %get3A_329 = arith.index_cast %scan3A_292 : i32 to index
          %get3A_330 = arith.constant 32 : index
          %get3A_331 = tpu.vector_load %arg13[%get3A_329, %get3A_330] {strides = array<i32>} : memref<64x128xf32, #tpu.memory_space<vmem>>, vector<1x16xf32>,
          %get3A_332 = vector.shape_cast %get3A_331 : vector<1x16xf32> to vector<16xf32>
          %add3A_333 = arith.addf %get3A_328, %get3A_332 : vector<16xf32>
          %mul3A_334 = arith.constant 5.000000e-01 : f32
          %mul3A_335 = vector.broadcast %mul3A_334 : f32 to vector<16xf32>
          %mul3A_336 = arith.mulf %add3A_333, %mul3A_335 : vector<16xf32>
          %swap3A_337 = arith.index_cast %scan3A_292 : i32 to index
          %swap3A_338 = arith.constant 32 : index
          %swap3A_339 = tpu.vector_load %arg11[%swap3A_337, %swap3A_338] {strides = array<i32>} : memref<64x128xf32, #tpu.memory_space<vmem>>, vector<1x16xf32>,
          %swap3A_340 = vector.shape_cast %swap3A_339 : vector<1x16xf32> to vector<16xf32>
          %swap3A_341 = vector.shape_cast %mul3A_336 : vector<16xf32> to vector<1x16xf32>
          tpu.vector_store %arg11[%swap3A_337, %swap3A_338], %swap3A_341 {strides = array<i32>} : memref<64x128xf32, #tpu.memory_space<vmem>>, vector<1x16xf32>,
          %get3A_342 = arith.index_cast %scan3A_292 : i32 to index
          %get3A_343 = arith.constant 48 : index
          %get3A_344 = tpu.vector_load %arg11[%get3A_342, %get3A_343] {strides = array<i32>} : memref<64x128xf32, #tpu.memory_space<vmem>>, vector<1x16xf32>,
          %get3A_345 = vector.shape_cast %get3A_344 : vector<1x16xf32> to vector<16xf32>
          %get3A_346 = arith.index_cast %scan3A_292 : i32 to index
          %get3A_347 = arith.constant 48 : index
          %get3A_348 = tpu.vector_load %arg13[%get3A_346, %get3A_347] {strides = array<i32>} : memref<64x128xf32, #tpu.memory_space<vmem>>, vector<1x16xf32>,
          %get3A_349 = vector.shape_cast %get3A_348 : vector<1x16xf32> to vector<16xf32>
          %add3A_350 = arith.addf %get3A_345, %get3A_349 : vector<16xf32>
          %mul3A_351 = arith.constant 5.000000e-01 : f32
          %mul3A_352 = vector.broadcast %mul3A_351 : f32 to vector<16xf32>
          %mul3A_353 = arith.mulf %add3A_350, %mul3A_352 : vector<16xf32>
          %swap3A_354 = arith.index_cast %scan3A_292 : i32 to index
          %swap3A_355 = arith.constant 48 : index
          %swap3A_356 = tpu.vector_load %arg11[%swap3A_354, %swap3A_355] {strides = array<i32>} : memref<64x128xf32, #tpu.memory_space<vmem>>, vector<1x16xf32>,
          %swap3A_357 = vector.shape_cast %swap3A_356 : vector<1x16xf32> to vector<16xf32>
          %swap3A_358 = vector.shape_cast %mul3A_353 : vector<16xf32> to vector<1x16xf32>
          tpu.vector_store %arg11[%swap3A_354, %swap3A_355], %swap3A_358 {strides = array<i32>} : memref<64x128xf32, #tpu.memory_space<vmem>>, vector<1x16xf32>,
          %get3A_359 = arith.index_cast %scan3A_292 : i32 to index
          %get3A_360 = arith.constant 64 : index
          %get3A_361 = tpu.vector_load %arg11[%get3A_359, %get3A_360] {strides = array<i32>} : memref<64x128xf32, #tpu.memory_space<vmem>>, vector<1x16xf32>,
          %get3A_362 = vector.shape_cast %get3A_361 : vector<1x16xf32> to vector<16xf32>
          %get3A_363 = arith.index_cast %scan3A_292 : i32 to index
          %get3A_364 = arith.constant 64 : index
          %get3A_365 = tpu.vector_load %arg13[%get3A_363, %get3A_364] {strides = array<i32>} : memref<64x128xf32, #tpu.memory_space<vmem>>, vector<1x16xf32>,
          %get3A_366 = vector.shape_cast %get3A_365 : vector<1x16xf32> to vector<16xf32>
          %add3A_367 = arith.addf %get3A_362, %get3A_366 : vector<16xf32>
          %mul3A_368 = arith.constant 5.000000e-01 : f32
          %mul3A_369 = vector.broadcast %mul3A_368 : f32 to vector<16xf32>
          %mul3A_370 = arith.mulf %add3A_367, %mul3A_369 : vector<16xf32>
          %swap3A_371 = arith.index_cast %scan3A_292 : i32 to index
          %swap3A_372 = arith.constant 64 : index
          %swap3A_373 = tpu.vector_load %arg11[%swap3A_371, %swap3A_372] {strides = array<i32>} : memref<64x128xf32, #tpu.memory_space<vmem>>, vector<1x16xf32>,
          %swap3A_374 = vector.shape_cast %swap3A_373 : vector<1x16xf32> to vector<16xf32>
          %swap3A_375 = vector.shape_cast %mul3A_370 : vector<16xf32> to vector<1x16xf32>
          tpu.vector_store %arg11[%swap3A_371, %swap3A_372], %swap3A_375 {strides = array<i32>} : memref<64x128xf32, #tpu.memory_space<vmem>>, vector<1x16xf32>,
          %get3A_376 = arith.index_cast %scan3A_292 : i32 to index
          %get3A_377 = arith.constant 80 : index
          %get3A_378 = tpu.vector_load %arg11[%get3A_376, %get3A_377] {strides = array<i32>} : memref<64x128xf32, #tpu.memory_space<vmem>>, vector<1x16xf32>,
          %get3A_379 = vector.shape_cast %get3A_378 : vector<1x16xf32> to vector<16xf32>
          %get3A_380 = arith.index_cast %scan3A_292 : i32 to index
          %get3A_381 = arith.constant 80 : index
          %get3A_382 = tpu.vector_load %arg13[%get3A_380, %get3A_381] {strides = array<i32>} : memref<64x128xf32, #tpu.memory_space<vmem>>, vector<1x16xf32>,
          %get3A_383 = vector.shape_cast %get3A_382 : vector<1x16xf32> to vector<16xf32>
          %add3A_384 = arith.addf %get3A_379, %get3A_383 : vector<16xf32>
          %mul3A_385 = arith.constant 5.000000e-01 : f32
          %mul3A_386 = vector.broadcast %mul3A_385 : f32 to vector<16xf32>
          %mul3A_387 = arith.mulf %add3A_384, %mul3A_386 : vector<16xf32>
          %swap3A_388 = arith.index_cast %scan3A_292 : i32 to index
          %swap3A_389 = arith.constant 80 : index
          %swap3A_390 = tpu.vector_load %arg11[%swap3A_388, %swap3A_389] {strides = array<i32>} : memref<64x128xf32, #tpu.memory_space<vmem>>, vector<1x16xf32>,
          %swap3A_391 = vector.shape_cast %swap3A_390 : vector<1x16xf32> to vector<16xf32>
          %swap3A_392 = vector.shape_cast %mul3A_387 : vector<16xf32> to vector<1x16xf32>
          tpu.vector_store %arg11[%swap3A_388, %swap3A_389], %swap3A_392 {strides = array<i32>} : memref<64x128xf32, #tpu.memory_space<vmem>>, vector<1x16xf32>,
          %get3A_393 = arith.index_cast %scan3A_292 : i32 to index
          %get3A_394 = arith.constant 96 : index
          %get3A_395 = tpu.vector_load %arg11[%get3A_393, %get3A_394] {strides = array<i32>} : memref<64x128xf32, #tpu.memory_space<vmem>>, vector<1x16xf32>,
          %get3A_396 = vector.shape_cast %get3A_395 : vector<1x16xf32> to vector<16xf32>
          %get3A_397 = arith.index_cast %scan3A_292 : i32 to index
          %get3A_398 = arith.constant 96 : index
          %get3A_399 = tpu.vector_load %arg13[%get3A_397, %get3A_398] {strides = array<i32>} : memref<64x128xf32, #tpu.memory_space<vmem>>, vector<1x16xf32>,
          %get3A_400 = vector.shape_cast %get3A_399 : vector<1x16xf32> to vector<16xf32>
          %add3A_401 = arith.addf %get3A_396, %get3A_400 : vector<16xf32>
          %mul3A_402 = arith.constant 5.000000e-01 : f32
          %mul3A_403 = vector.broadcast %mul3A_402 : f32 to vector<16xf32>
          %mul3A_404 = arith.mulf %add3A_401, %mul3A_403 : vector<16xf32>
          %swap3A_405 = arith.index_cast %scan3A_292 : i32 to index
          %swap3A_406 = arith.constant 96 : index
          %swap3A_407 = tpu.vector_load %arg11[%swap3A_405, %swap3A_406] {strides = array<i32>} : memref<64x128xf32, #tpu.memory_space<vmem>>, vector<1x16xf32>,
          %swap3A_408 = vector.shape_cast %swap3A_407 : vector<1x16xf32> to vector<16xf32>
          %swap3A_409 = vector.shape_cast %mul3A_404 : vector<16xf32> to vector<1x16xf32>
          tpu.vector_store %arg11[%swap3A_405, %swap3A_406], %swap3A_409 {strides = array<i32>} : memref<64x128xf32, #tpu.memory_space<vmem>>, vector<1x16xf32>,
          %get3A_410 = arith.index_cast %scan3A_292 : i32 to index
          %get3A_411 = arith.constant 112 : index
          %get3A_412 = tpu.vector_load %arg11[%get3A_410, %get3A_411] {strides = array<i32>} : memref<64x128xf32, #tpu.memory_space<vmem>>, vector<1x16xf32>,
          %get3A_413 = vector.shape_cast %get3A_412 : vector<1x16xf32> to vector<16xf32>
          %get3A_414 = arith.index_cast %scan3A_292 : i32 to index
          %get3A_415 = arith.constant 112 : index
          %get3A_416 = tpu.vector_load %arg13[%get3A_414, %get3A_415] {strides = array<i32>} : memref<64x128xf32, #tpu.memory_space<vmem>>, vector<1x16xf32>,
          %get3A_417 = vector.shape_cast %get3A_416 : vector<1x16xf32> to vector<16xf32>
          %add3A_418 = arith.addf %get3A_413, %get3A_417 : vector<16xf32>
          %mul3A_419 = arith.constant 5.000000e-01 : f32
          %mul3A_420 = vector.broadcast %mul3A_419 : f32 to vector<16xf32>
          %mul3A_421 = arith.mulf %add3A_418, %mul3A_420 : vector<16xf32>
          %swap3A_422 = arith.index_cast %scan3A_292 : i32 to index
          %swap3A_423 = arith.constant 112 : index
          %swap3A_424 = tpu.vector_load %arg11[%swap3A_422, %swap3A_423] {strides = array<i32>} : memref<64x128xf32, #tpu.memory_space<vmem>>, vector<1x16xf32>,
          %swap3A_425 = vector.shape_cast %swap3A_424 : vector<1x16xf32> to vector<16xf32>
          %swap3A_426 = vector.shape_cast %mul3A_421 : vector<16xf32> to vector<1x16xf32>
          tpu.vector_store %arg11[%swap3A_422, %swap3A_423], %swap3A_426 {strides = array<i32>} : memref<64x128xf32, #tpu.memory_space<vmem>>, vector<1x16xf32>,
        }
        %scan3A_279 = arith.constant 64 : i32
        %add3A_280 = arith.addi %add3A_53, %add3A_249 : i32
        %mul3A_281 = arith.constant 64 : i32
        %mul3A_282 = arith.muli %add3A_280, %mul3A_281 : i32
        %add3A_283 = arith.constant 10000 : i32
        %add3A_284 = arith.addi %add3A_283, %mul3A_282 : i32
        %dma_start3A_285 = arith.constant 1 : i32
        %dma_start3A_286 = arith.constant 0 : i32
        %dma_start3A_287 = tpu.memref_slice %arg5[%dma_start3A_285, %add3A_284, %dma_start3A_286] : memref<4x170000x128xf32, #tpu.memory_space<hbm>> -> memref<1x64x128xf32, #tpu.memory_space<hbm>>
        %dma_start3A_288 = tpu.memref_squeeze %dma_start3A_287 : memref<1x64x128xf32, #tpu.memory_space<hbm>> -> memref<64x128xf32, #tpu.memory_space<hbm>>
        %dma_start3A_289 = arith.constant 0 : i32
        %dma_start3A_290 = tpu.memref_slice %arg5[%dma_start3A_285, %add3A_284, %dma_start3A_289] : memref<4x170000x128xf32, #tpu.memory_space<hbm>> -> memref<1x64x128xf32, #tpu.memory_space<hbm>>
        %dma_start3A_291 = tpu.memref_squeeze %dma_start3A_290 : memref<1x64x128xf32, #tpu.memory_space<hbm>> -> memref<64x128xf32, #tpu.memory_space<hbm>>
        tpu.enqueue_dma source(%arg11 : memref<64x128xf32, #tpu.memory_space<vmem>>) target(%dma_start3A_291 : memref<64x128xf32, #tpu.memory_space<hbm>>) target_semaphore(%arg17 : memref<!tpu.dma_semaphore, #tpu.memory_space<semaphore_mem>>)
      } else {
      }
      %mul3A_254 = arith.constant 2 : i32
      %mul3A_255 = arith.muli %mul3A_254, %scan3A_245 : i32
      %add3A_256 = arith.constant 1 : i32
      %add3A_257 = arith.addi %mul3A_255, %add3A_256 : i32
      %lt3A_258 = arith.cmpi slt, %add3A_257, %add3A_49 : i32
      %convert_element_type3A_259 = arith.extui %lt3A_258 : i1 to i32
      %cond3A_260 = arith.constant 0 : i32
      %cond3A_261 = arith.cmpi ne, %convert_element_type3A_259, %cond3A_260 : i32
      scf.if %cond3A_261 {
        %add3A_262 = arith.constant 1 : i32
        %add3A_263 = arith.addi %add3A_257, %add3A_262 : i32
        %lt3A_264 = arith.cmpi slt, %add3A_263, %add3A_49 : i32
        %convert_element_type3A_265 = arith.extui %lt3A_264 : i1 to i32
        %cond3A_266 = arith.constant 0 : i32
        %cond3A_267 = arith.cmpi ne, %convert_element_type3A_265, %cond3A_266 : i32
        scf.if %cond3A_267 {
          %ge3A = arith.constant 1 : i32
          %ge3A_292 = arith.cmpi sge, %add3A_257, %ge3A : i32
          %convert_element_type3A_293 = arith.extui %ge3A_292 : i1 to i32
          %cond3A_294 = arith.constant 0 : i32
          %cond3A_295 = arith.cmpi ne, %convert_element_type3A_293, %cond3A_294 : i32
          scf.if %cond3A_295 {
            %dma_wait3A_309 = arith.constant 0 : i32
            %dma_wait3A_310 = arith.constant 10000 : i32
            %dma_wait3A_311 = arith.constant 0 : i32
            %dma_wait3A_312 = tpu.memref_slice %arg5[%dma_wait3A_309, %dma_wait3A_310, %dma_wait3A_311] : memref<4x170000x128xf32, #tpu.memory_space<hbm>> -> memref<1x64x128xf32, #tpu.memory_space<hbm>>
            %dma_wait3A_313 = tpu.memref_squeeze %dma_wait3A_312 : memref<1x64x128xf32, #tpu.memory_space<hbm>> -> memref<64x128xf32, #tpu.memory_space<hbm>>
            %dma_wait3A_314 = arith.constant 10000 : i32
            %dma_wait3A_315 = arith.constant 0 : i32
            %dma_wait3A_316 = tpu.memref_slice %arg5[%dma_wait3A_309, %dma_wait3A_314, %dma_wait3A_315] : memref<4x170000x128xf32, #tpu.memory_space<hbm>> -> memref<1x64x128xf32, #tpu.memory_space<hbm>>
            %dma_wait3A_317 = tpu.memref_squeeze %dma_wait3A_316 : memref<1x64x128xf32, #tpu.memory_space<hbm>> -> memref<64x128xf32, #tpu.memory_space<hbm>>
            tpu.wait_dma2 semaphore(%arg17 : memref<!tpu.dma_semaphore, #tpu.memory_space<semaphore_mem>>) src(%arg11 : memref<64x128xf32, #tpu.memory_space<vmem>>) dst(%dma_wait3A_317 : memref<64x128xf32, #tpu.memory_space<hbm>>)
          } else {
          }
          %add3A_296 = arith.addi %add3A_53, %add3A_257 : i32
          %add3A_297 = arith.constant 1 : i32
          %add3A_298 = arith.addi %add3A_296, %add3A_297 : i32
          %mul3A_299 = arith.constant 64 : i32
          %mul3A_300 = arith.muli %add3A_298, %mul3A_299 : i32
          "tpu.region"() ({
            %run_scoped3A = tpu.sem_alloc : memref<!tpu.dma_semaphore, #tpu.memory_space<semaphore_mem>>
            %dma_start3A_309 = tpu.memref_slice %arg3[%mul3A_300] : memref<160000xi32, #tpu.memory_space<hbm>> -> memref<64xi32, #tpu.memory_space<hbm>>
            %dma_start3A_310 = tpu.memref_slice %arg3[%mul3A_300] : memref<160000xi32, #tpu.memory_space<hbm>> -> memref<64xi32, #tpu.memory_space<hbm>>
            tpu.enqueue_dma source(%dma_start3A_310 : memref<64xi32, #tpu.memory_space<hbm>>) target(%arg7 : memref<64xi32, #tpu.memory_space<vmem>>) target_semaphore(%run_scoped3A : memref<!tpu.dma_semaphore, #tpu.memory_space<semaphore_mem>>)
            %dma_wait3A_311 = tpu.memref_slice %arg3[%mul3A_300] : memref<160000xi32, #tpu.memory_space<hbm>> -> memref<64xi32, #tpu.memory_space<hbm>>
            %dma_wait3A_312 = tpu.memref_slice %arg3[%mul3A_300] : memref<160000xi32, #tpu.memory_space<hbm>> -> memref<64xi32, #tpu.memory_space<hbm>>
            tpu.wait_dma2 semaphore(%run_scoped3A : memref<!tpu.dma_semaphore, #tpu.memory_space<semaphore_mem>>) src(%dma_wait3A_312 : memref<64xi32, #tpu.memory_space<hbm>>) dst(%arg7 : memref<64xi32, #tpu.memory_space<vmem>>)
            tpu.yield
          }) : () -> ()
          %mul3A_301 = arith.constant 64 : i32
          %mul3A_302 = arith.muli %add3A_298, %mul3A_301 : i32
          "tpu.region"() ({
            %run_scoped3A = tpu.sem_alloc : memref<!tpu.dma_semaphore, #tpu.memory_space<semaphore_mem>>
            %dma_start3A_309 = tpu.memref_slice %arg4[%mul3A_302] : memref<160000xi32, #tpu.memory_space<hbm>> -> memref<64xi32, #tpu.memory_space<hbm>>
            %dma_start3A_310 = tpu.memref_slice %arg4[%mul3A_302] : memref<160000xi32, #tpu.memory_space<hbm>> -> memref<64xi32, #tpu.memory_space<hbm>>
            tpu.enqueue_dma source(%dma_start3A_310 : memref<64xi32, #tpu.memory_space<hbm>>) target(%arg9 : memref<64xi32, #tpu.memory_space<vmem>>) target_semaphore(%run_scoped3A : memref<!tpu.dma_semaphore, #tpu.memory_space<semaphore_mem>>)
            %dma_wait3A_311 = tpu.memref_slice %arg4[%mul3A_302] : memref<160000xi32, #tpu.memory_space<hbm>> -> memref<64xi32, #tpu.memory_space<hbm>>
            %dma_wait3A_312 = tpu.memref_slice %arg4[%mul3A_302] : memref<160000xi32, #tpu.memory_space<hbm>> -> memref<64xi32, #tpu.memory_space<hbm>>
            tpu.wait_dma2 semaphore(%run_scoped3A : memref<!tpu.dma_semaphore, #tpu.memory_space<semaphore_mem>>) src(%dma_wait3A_312 : memref<64xi32, #tpu.memory_space<hbm>>) dst(%arg9 : memref<64xi32, #tpu.memory_space<vmem>>)
            tpu.yield
          }) : () -> ()
          %dma_start3A_303 = arith.constant 0 : i32
          %dma_start3A_304 = arith.constant 0 : i32
          %dma_start3A_305 = tpu.memref_slice %arg6[%dma_start3A_303, %dma_start3A_304] : memref<10000x128xf32, #tpu.memory_space<vmem_shared>> -> memref<10000x128xf32, #tpu.memory_space<vmem_shared>>
          tpu.enqueue_indirect_dma source(%dma_start3A_305 : memref<10000x128xf32, #tpu.memory_space<vmem_shared>>) target(%arg11 : memref<64x128xf32, #tpu.memory_space<vmem>>) offsets(%arg7 : memref<64xi32, #tpu.memory_space<vmem>>) semaphore(%arg15 : memref<!tpu.dma_semaphore, #tpu.memory_space<semaphore_mem>>)
          %dma_start3A_306 = arith.constant 0 : i32
          %dma_start3A_307 = arith.constant 0 : i32
          %dma_start3A_308 = tpu.memref_slice %arg6[%dma_start3A_306, %dma_start3A_307] : memref<10000x128xf32, #tpu.memory_space<vmem_shared>> -> memref<10000x128xf32, #tpu.memory_space<vmem_shared>>
          tpu.enqueue_indirect_dma source(%dma_start3A_308 : memref<10000x128xf32, #tpu.memory_space<vmem_shared>>) target(%arg13 : memref<64x128xf32, #tpu.memory_space<vmem>>) offsets(%arg9 : memref<64xi32, #tpu.memory_space<vmem>>) semaphore(%arg15 : memref<!tpu.dma_semaphore, #tpu.memory_space<semaphore_mem>>)
        } else {
        }
        %dma_wait3A_268 = arith.constant 0 : i32
        %dma_wait3A_269 = arith.constant 0 : i32
        %dma_wait3A_270 = tpu.memref_slice %arg6[%dma_wait3A_268, %dma_wait3A_269] : memref<10000x128xf32, #tpu.memory_space<vmem_shared>> -> memref<10000x128xf32, #tpu.memory_space<vmem_shared>>
        tpu.wait_indirect_dma semaphore(%arg16 : memref<!tpu.dma_semaphore, #tpu.memory_space<semaphore_mem>>) src(%dma_wait3A_270 : memref<10000x128xf32, #tpu.memory_space<vmem_shared>>) dst(%arg12 : memref<64x128xf32, #tpu.memory_space<vmem>>)
        %dma_wait3A_271 = arith.constant 0 : i32
        %dma_wait3A_272 = arith.constant 0 : i32
        %dma_wait3A_273 = tpu.memref_slice %arg6[%dma_wait3A_271, %dma_wait3A_272] : memref<10000x128xf32, #tpu.memory_space<vmem_shared>> -> memref<10000x128xf32, #tpu.memory_space<vmem_shared>>
        tpu.wait_indirect_dma semaphore(%arg16 : memref<!tpu.dma_semaphore, #tpu.memory_space<semaphore_mem>>) src(%dma_wait3A_273 : memref<10000x128xf32, #tpu.memory_space<vmem_shared>>) dst(%arg14 : memref<64x128xf32, #tpu.memory_space<vmem>>)
        %scan3A_274 = arith.constant 0 : i32
        %scan3A_275 = arith.constant 0 : i32
        %scan3A_276 = arith.constant 64 : i32
        %scan3A_277 = arith.addi %scan3A_275, %scan3A_276 : i32
        %scan3A_278 = arith.constant 1 : i32
        scf.for %scan3A_292 = %scan3A_275 to %scan3A_277 step %scan3A_278  : i32 {
          %get3A = arith.index_cast %scan3A_292 : i32 to index
          %get3A_293 = arith.constant 0 : index
          %get3A_294 = tpu.vector_load %arg12[%get3A, %get3A_293] {strides = array<i32>} : memref<64x128xf32, #tpu.memory_space<vmem>>, vector<1x16xf32>,
          %get3A_295 = vector.shape_cast %get3A_294 : vector<1x16xf32> to vector<16xf32>
          %get3A_296 = arith.index_cast %scan3A_292 : i32 to index
          %get3A_297 = arith.constant 0 : index
          %get3A_298 = tpu.vector_load %arg14[%get3A_296, %get3A_297] {strides = array<i32>} : memref<64x128xf32, #tpu.memory_space<vmem>>, vector<1x16xf32>,
          %get3A_299 = vector.shape_cast %get3A_298 : vector<1x16xf32> to vector<16xf32>
          %add3A_300 = arith.addf %get3A_295, %get3A_299 : vector<16xf32>
          %mul3A_301 = arith.constant 5.000000e-01 : f32
          %mul3A_302 = vector.broadcast %mul3A_301 : f32 to vector<16xf32>
          %mul3A_303 = arith.mulf %add3A_300, %mul3A_302 : vector<16xf32>
          %swap3A = arith.index_cast %scan3A_292 : i32 to index
          %swap3A_304 = arith.constant 0 : index
          %swap3A_305 = tpu.vector_load %arg12[%swap3A, %swap3A_304] {strides = array<i32>} : memref<64x128xf32, #tpu.memory_space<vmem>>, vector<1x16xf32>,
          %swap3A_306 = vector.shape_cast %swap3A_305 : vector<1x16xf32> to vector<16xf32>
          %swap3A_307 = vector.shape_cast %mul3A_303 : vector<16xf32> to vector<1x16xf32>
          tpu.vector_store %arg12[%swap3A, %swap3A_304], %swap3A_307 {strides = array<i32>} : memref<64x128xf32, #tpu.memory_space<vmem>>, vector<1x16xf32>,
          %get3A_308 = arith.index_cast %scan3A_292 : i32 to index
          %get3A_309 = arith.constant 16 : index
          %get3A_310 = tpu.vector_load %arg12[%get3A_308, %get3A_309] {strides = array<i32>} : memref<64x128xf32, #tpu.memory_space<vmem>>, vector<1x16xf32>,
          %get3A_311 = vector.shape_cast %get3A_310 : vector<1x16xf32> to vector<16xf32>
          %get3A_312 = arith.index_cast %scan3A_292 : i32 to index
          %get3A_313 = arith.constant 16 : index
          %get3A_314 = tpu.vector_load %arg14[%get3A_312, %get3A_313] {strides = array<i32>} : memref<64x128xf32, #tpu.memory_space<vmem>>, vector<1x16xf32>,
          %get3A_315 = vector.shape_cast %get3A_314 : vector<1x16xf32> to vector<16xf32>
          %add3A_316 = arith.addf %get3A_311, %get3A_315 : vector<16xf32>
          %mul3A_317 = arith.constant 5.000000e-01 : f32
          %mul3A_318 = vector.broadcast %mul3A_317 : f32 to vector<16xf32>
          %mul3A_319 = arith.mulf %add3A_316, %mul3A_318 : vector<16xf32>
          %swap3A_320 = arith.index_cast %scan3A_292 : i32 to index
          %swap3A_321 = arith.constant 16 : index
          %swap3A_322 = tpu.vector_load %arg12[%swap3A_320, %swap3A_321] {strides = array<i32>} : memref<64x128xf32, #tpu.memory_space<vmem>>, vector<1x16xf32>,
          %swap3A_323 = vector.shape_cast %swap3A_322 : vector<1x16xf32> to vector<16xf32>
          %swap3A_324 = vector.shape_cast %mul3A_319 : vector<16xf32> to vector<1x16xf32>
          tpu.vector_store %arg12[%swap3A_320, %swap3A_321], %swap3A_324 {strides = array<i32>} : memref<64x128xf32, #tpu.memory_space<vmem>>, vector<1x16xf32>,
          %get3A_325 = arith.index_cast %scan3A_292 : i32 to index
          %get3A_326 = arith.constant 32 : index
          %get3A_327 = tpu.vector_load %arg12[%get3A_325, %get3A_326] {strides = array<i32>} : memref<64x128xf32, #tpu.memory_space<vmem>>, vector<1x16xf32>,
          %get3A_328 = vector.shape_cast %get3A_327 : vector<1x16xf32> to vector<16xf32>
          %get3A_329 = arith.index_cast %scan3A_292 : i32 to index
          %get3A_330 = arith.constant 32 : index
          %get3A_331 = tpu.vector_load %arg14[%get3A_329, %get3A_330] {strides = array<i32>} : memref<64x128xf32, #tpu.memory_space<vmem>>, vector<1x16xf32>,
          %get3A_332 = vector.shape_cast %get3A_331 : vector<1x16xf32> to vector<16xf32>
          %add3A_333 = arith.addf %get3A_328, %get3A_332 : vector<16xf32>
          %mul3A_334 = arith.constant 5.000000e-01 : f32
          %mul3A_335 = vector.broadcast %mul3A_334 : f32 to vector<16xf32>
          %mul3A_336 = arith.mulf %add3A_333, %mul3A_335 : vector<16xf32>
          %swap3A_337 = arith.index_cast %scan3A_292 : i32 to index
          %swap3A_338 = arith.constant 32 : index
          %swap3A_339 = tpu.vector_load %arg12[%swap3A_337, %swap3A_338] {strides = array<i32>} : memref<64x128xf32, #tpu.memory_space<vmem>>, vector<1x16xf32>,
          %swap3A_340 = vector.shape_cast %swap3A_339 : vector<1x16xf32> to vector<16xf32>
          %swap3A_341 = vector.shape_cast %mul3A_336 : vector<16xf32> to vector<1x16xf32>
          tpu.vector_store %arg12[%swap3A_337, %swap3A_338], %swap3A_341 {strides = array<i32>} : memref<64x128xf32, #tpu.memory_space<vmem>>, vector<1x16xf32>,
          %get3A_342 = arith.index_cast %scan3A_292 : i32 to index
          %get3A_343 = arith.constant 48 : index
          %get3A_344 = tpu.vector_load %arg12[%get3A_342, %get3A_343] {strides = array<i32>} : memref<64x128xf32, #tpu.memory_space<vmem>>, vector<1x16xf32>,
          %get3A_345 = vector.shape_cast %get3A_344 : vector<1x16xf32> to vector<16xf32>
          %get3A_346 = arith.index_cast %scan3A_292 : i32 to index
          %get3A_347 = arith.constant 48 : index
          %get3A_348 = tpu.vector_load %arg14[%get3A_346, %get3A_347] {strides = array<i32>} : memref<64x128xf32, #tpu.memory_space<vmem>>, vector<1x16xf32>,
          %get3A_349 = vector.shape_cast %get3A_348 : vector<1x16xf32> to vector<16xf32>
          %add3A_350 = arith.addf %get3A_345, %get3A_349 : vector<16xf32>
          %mul3A_351 = arith.constant 5.000000e-01 : f32
          %mul3A_352 = vector.broadcast %mul3A_351 : f32 to vector<16xf32>
          %mul3A_353 = arith.mulf %add3A_350, %mul3A_352 : vector<16xf32>
          %swap3A_354 = arith.index_cast %scan3A_292 : i32 to index
          %swap3A_355 = arith.constant 48 : index
          %swap3A_356 = tpu.vector_load %arg12[%swap3A_354, %swap3A_355] {strides = array<i32>} : memref<64x128xf32, #tpu.memory_space<vmem>>, vector<1x16xf32>,
          %swap3A_357 = vector.shape_cast %swap3A_356 : vector<1x16xf32> to vector<16xf32>
          %swap3A_358 = vector.shape_cast %mul3A_353 : vector<16xf32> to vector<1x16xf32>
          tpu.vector_store %arg12[%swap3A_354, %swap3A_355], %swap3A_358 {strides = array<i32>} : memref<64x128xf32, #tpu.memory_space<vmem>>, vector<1x16xf32>,
          %get3A_359 = arith.index_cast %scan3A_292 : i32 to index
          %get3A_360 = arith.constant 64 : index
          %get3A_361 = tpu.vector_load %arg12[%get3A_359, %get3A_360] {strides = array<i32>} : memref<64x128xf32, #tpu.memory_space<vmem>>, vector<1x16xf32>,
          %get3A_362 = vector.shape_cast %get3A_361 : vector<1x16xf32> to vector<16xf32>
          %get3A_363 = arith.index_cast %scan3A_292 : i32 to index
          %get3A_364 = arith.constant 64 : index
          %get3A_365 = tpu.vector_load %arg14[%get3A_363, %get3A_364] {strides = array<i32>} : memref<64x128xf32, #tpu.memory_space<vmem>>, vector<1x16xf32>,
          %get3A_366 = vector.shape_cast %get3A_365 : vector<1x16xf32> to vector<16xf32>
          %add3A_367 = arith.addf %get3A_362, %get3A_366 : vector<16xf32>
          %mul3A_368 = arith.constant 5.000000e-01 : f32
          %mul3A_369 = vector.broadcast %mul3A_368 : f32 to vector<16xf32>
          %mul3A_370 = arith.mulf %add3A_367, %mul3A_369 : vector<16xf32>
          %swap3A_371 = arith.index_cast %scan3A_292 : i32 to index
          %swap3A_372 = arith.constant 64 : index
          %swap3A_373 = tpu.vector_load %arg12[%swap3A_371, %swap3A_372] {strides = array<i32>} : memref<64x128xf32, #tpu.memory_space<vmem>>, vector<1x16xf32>,
          %swap3A_374 = vector.shape_cast %swap3A_373 : vector<1x16xf32> to vector<16xf32>
          %swap3A_375 = vector.shape_cast %mul3A_370 : vector<16xf32> to vector<1x16xf32>
          tpu.vector_store %arg12[%swap3A_371, %swap3A_372], %swap3A_375 {strides = array<i32>} : memref<64x128xf32, #tpu.memory_space<vmem>>, vector<1x16xf32>,
          %get3A_376 = arith.index_cast %scan3A_292 : i32 to index
          %get3A_377 = arith.constant 80 : index
          %get3A_378 = tpu.vector_load %arg12[%get3A_376, %get3A_377] {strides = array<i32>} : memref<64x128xf32, #tpu.memory_space<vmem>>, vector<1x16xf32>,
          %get3A_379 = vector.shape_cast %get3A_378 : vector<1x16xf32> to vector<16xf32>
          %get3A_380 = arith.index_cast %scan3A_292 : i32 to index
          %get3A_381 = arith.constant 80 : index
          %get3A_382 = tpu.vector_load %arg14[%get3A_380, %get3A_381] {strides = array<i32>} : memref<64x128xf32, #tpu.memory_space<vmem>>, vector<1x16xf32>,
          %get3A_383 = vector.shape_cast %get3A_382 : vector<1x16xf32> to vector<16xf32>
          %add3A_384 = arith.addf %get3A_379, %get3A_383 : vector<16xf32>
          %mul3A_385 = arith.constant 5.000000e-01 : f32
          %mul3A_386 = vector.broadcast %mul3A_385 : f32 to vector<16xf32>
          %mul3A_387 = arith.mulf %add3A_384, %mul3A_386 : vector<16xf32>
          %swap3A_388 = arith.index_cast %scan3A_292 : i32 to index
          %swap3A_389 = arith.constant 80 : index
          %swap3A_390 = tpu.vector_load %arg12[%swap3A_388, %swap3A_389] {strides = array<i32>} : memref<64x128xf32, #tpu.memory_space<vmem>>, vector<1x16xf32>,
          %swap3A_391 = vector.shape_cast %swap3A_390 : vector<1x16xf32> to vector<16xf32>
          %swap3A_392 = vector.shape_cast %mul3A_387 : vector<16xf32> to vector<1x16xf32>
          tpu.vector_store %arg12[%swap3A_388, %swap3A_389], %swap3A_392 {strides = array<i32>} : memref<64x128xf32, #tpu.memory_space<vmem>>, vector<1x16xf32>,
          %get3A_393 = arith.index_cast %scan3A_292 : i32 to index
          %get3A_394 = arith.constant 96 : index
          %get3A_395 = tpu.vector_load %arg12[%get3A_393, %get3A_394] {strides = array<i32>} : memref<64x128xf32, #tpu.memory_space<vmem>>, vector<1x16xf32>,
          %get3A_396 = vector.shape_cast %get3A_395 : vector<1x16xf32> to vector<16xf32>
          %get3A_397 = arith.index_cast %scan3A_292 : i32 to index
          %get3A_398 = arith.constant 96 : index
          %get3A_399 = tpu.vector_load %arg14[%get3A_397, %get3A_398] {strides = array<i32>} : memref<64x128xf32, #tpu.memory_space<vmem>>, vector<1x16xf32>,
          %get3A_400 = vector.shape_cast %get3A_399 : vector<1x16xf32> to vector<16xf32>
          %add3A_401 = arith.addf %get3A_396, %get3A_400 : vector<16xf32>
          %mul3A_402 = arith.constant 5.000000e-01 : f32
          %mul3A_403 = vector.broadcast %mul3A_402 : f32 to vector<16xf32>
          %mul3A_404 = arith.mulf %add3A_401, %mul3A_403 : vector<16xf32>
          %swap3A_405 = arith.index_cast %scan3A_292 : i32 to index
          %swap3A_406 = arith.constant 96 : index
          %swap3A_407 = tpu.vector_load %arg12[%swap3A_405, %swap3A_406] {strides = array<i32>} : memref<64x128xf32, #tpu.memory_space<vmem>>, vector<1x16xf32>,
          %swap3A_408 = vector.shape_cast %swap3A_407 : vector<1x16xf32> to vector<16xf32>
          %swap3A_409 = vector.shape_cast %mul3A_404 : vector<16xf32> to vector<1x16xf32>
          tpu.vector_store %arg12[%swap3A_405, %swap3A_406], %swap3A_409 {strides = array<i32>} : memref<64x128xf32, #tpu.memory_space<vmem>>, vector<1x16xf32>,
          %get3A_410 = arith.index_cast %scan3A_292 : i32 to index
          %get3A_411 = arith.constant 112 : index
          %get3A_412 = tpu.vector_load %arg12[%get3A_410, %get3A_411] {strides = array<i32>} : memref<64x128xf32, #tpu.memory_space<vmem>>, vector<1x16xf32>,
          %get3A_413 = vector.shape_cast %get3A_412 : vector<1x16xf32> to vector<16xf32>
          %get3A_414 = arith.index_cast %scan3A_292 : i32 to index
          %get3A_415 = arith.constant 112 : index
          %get3A_416 = tpu.vector_load %arg14[%get3A_414, %get3A_415] {strides = array<i32>} : memref<64x128xf32, #tpu.memory_space<vmem>>, vector<1x16xf32>,
          %get3A_417 = vector.shape_cast %get3A_416 : vector<1x16xf32> to vector<16xf32>
          %add3A_418 = arith.addf %get3A_413, %get3A_417 : vector<16xf32>
          %mul3A_419 = arith.constant 5.000000e-01 : f32
          %mul3A_420 = vector.broadcast %mul3A_419 : f32 to vector<16xf32>
          %mul3A_421 = arith.mulf %add3A_418, %mul3A_420 : vector<16xf32>
          %swap3A_422 = arith.index_cast %scan3A_292 : i32 to index
          %swap3A_423 = arith.constant 112 : index
          %swap3A_424 = tpu.vector_load %arg12[%swap3A_422, %swap3A_423] {strides = array<i32>} : memref<64x128xf32, #tpu.memory_space<vmem>>, vector<1x16xf32>,
          %swap3A_425 = vector.shape_cast %swap3A_424 : vector<1x16xf32> to vector<16xf32>
          %swap3A_426 = vector.shape_cast %mul3A_421 : vector<16xf32> to vector<1x16xf32>
          tpu.vector_store %arg12[%swap3A_422, %swap3A_423], %swap3A_426 {strides = array<i32>} : memref<64x128xf32, #tpu.memory_space<vmem>>, vector<1x16xf32>,
        }
        %scan3A_279 = arith.constant 64 : i32
        %add3A_280 = arith.addi %add3A_53, %add3A_257 : i32
        %mul3A_281 = arith.constant 64 : i32
        %mul3A_282 = arith.muli %add3A_280, %mul3A_281 : i32
        %add3A_283 = arith.constant 10000 : i32
        %add3A_284 = arith.addi %add3A_283, %mul3A_282 : i32
        %dma_start3A_285 = arith.constant 1 : i32
        %dma_start3A_286 = arith.constant 0 : i32
        %dma_start3A_287 = tpu.memref_slice %arg5[%dma_start3A_285, %add3A_284, %dma_start3A_286] : memref<4x170000x128xf32, #tpu.memory_space<hbm>> -> memref<1x64x128xf32, #tpu.memory_space<hbm>>
        %dma_start3A_288 = tpu.memref_squeeze %dma_start3A_287 : memref<1x64x128xf32, #tpu.memory_space<hbm>> -> memref<64x128xf32, #tpu.memory_space<hbm>>
        %dma_start3A_289 = arith.constant 0 : i32
        %dma_start3A_290 = tpu.memref_slice %arg5[%dma_start3A_285, %add3A_284, %dma_start3A_289] : memref<4x170000x128xf32, #tpu.memory_space<hbm>> -> memref<1x64x128xf32, #tpu.memory_space<hbm>>
        %dma_start3A_291 = tpu.memref_squeeze %dma_start3A_290 : memref<1x64x128xf32, #tpu.memory_space<hbm>> -> memref<64x128xf32, #tpu.memory_space<hbm>>
        tpu.enqueue_dma source(%arg12 : memref<64x128xf32, #tpu.memory_space<vmem>>) target(%dma_start3A_291 : memref<64x128xf32, #tpu.memory_space<hbm>>) target_semaphore(%arg18 : memref<!tpu.dma_semaphore, #tpu.memory_space<semaphore_mem>>)
      } else {
      }
    }
    %scan3A_123 = arith.constant 40 : i32
    %dma_wait3A_124 = arith.constant 0 : i32
    %dma_wait3A_125 = arith.constant 10000 : i32
    %dma_wait3A_126 = arith.constant 0 : i32
    %dma_wait3A_127 = tpu.memref_slice %arg5[%dma_wait3A_124, %dma_wait3A_125, %dma_wait3A_126] : memref<4x170000x128xf32, #tpu.memory_space<hbm>> -> memref<1x64x128xf32, #tpu.memory_space<hbm>>
    %dma_wait3A_128 = tpu.memref_squeeze %dma_wait3A_127 : memref<1x64x128xf32, #tpu.memory_space<hbm>> -> memref<64x128xf32, #tpu.memory_space<hbm>>
    %dma_wait3A_129 = arith.constant 10000 : i32
    %dma_wait3A_130 = arith.constant 0 : i32
    %dma_wait3A_131 = tpu.memref_slice %arg5[%dma_wait3A_124, %dma_wait3A_129, %dma_wait3A_130] : memref<4x170000x128xf32, #tpu.memory_space<hbm>> -> memref<1x64x128xf32, #tpu.memory_space<hbm>>
    %dma_wait3A_132 = tpu.memref_squeeze %dma_wait3A_131 : memref<1x64x128xf32, #tpu.memory_space<hbm>> -> memref<64x128xf32, #tpu.memory_space<hbm>>
    tpu.wait_dma2 semaphore(%arg17 : memref<!tpu.dma_semaphore, #tpu.memory_space<semaphore_mem>>) src(%arg11 : memref<64x128xf32, #tpu.memory_space<vmem>>) dst(%dma_wait3A_132 : memref<64x128xf32, #tpu.memory_space<hbm>>)
    %dma_wait3A_133 = arith.constant 0 : i32
    %dma_wait3A_134 = arith.constant 10000 : i32
    %dma_wait3A_135 = arith.constant 0 : i32
    %dma_wait3A_136 = tpu.memref_slice %arg5[%dma_wait3A_133, %dma_wait3A_134, %dma_wait3A_135] : memref<4x170000x128xf32, #tpu.memory_space<hbm>> -> memref<1x64x128xf32, #tpu.memory_space<hbm>>
    %dma_wait3A_137 = tpu.memref_squeeze %dma_wait3A_136 : memref<1x64x128xf32, #tpu.memory_space<hbm>> -> memref<64x128xf32, #tpu.memory_space<hbm>>
    %dma_wait3A_138 = arith.constant 10000 : i32
    %dma_wait3A_139 = arith.constant 0 : i32
    %dma_wait3A_140 = tpu.memref_slice %arg5[%dma_wait3A_133, %dma_wait3A_138, %dma_wait3A_139] : memref<4x170000x128xf32, #tpu.memory_space<hbm>> -> memref<1x64x128xf32, #tpu.memory_space<hbm>>
    %dma_wait3A_141 = tpu.memref_squeeze %dma_wait3A_140 : memref<1x64x128xf32, #tpu.memory_space<hbm>> -> memref<64x128xf32, #tpu.memory_space<hbm>>
    tpu.wait_dma2 semaphore(%arg18 : memref<!tpu.dma_semaphore, #tpu.memory_space<semaphore_mem>>) src(%arg12 : memref<64x128xf32, #tpu.memory_space<vmem>>) dst(%dma_wait3A_141 : memref<64x128xf32, #tpu.memory_space<hbm>>)
    %barrier3A_142 = arith.constant 0 : index
    tpu.barrier barrier_id(%barrier3A_142)
    %lt3A_143 = arith.constant 15 : i32
    %lt3A_144 = arith.cmpi slt, %arg1, %lt3A_143 : i32
    %convert_element_type3A_145 = arith.extui %lt3A_144 : i1 to i32
    %cond3A_146 = arith.constant 0 : i32
    %cond3A_147 = arith.cmpi ne, %convert_element_type3A_145, %cond3A_146 : i32
    scf.if %cond3A_147 {
      %mul3A_245 = arith.constant 640 : i32
      %mul3A_246 = arith.muli %arg1, %mul3A_245 : i32
      %add3A_247 = arith.constant 20000 : i32
      %add3A_248 = arith.addi %add3A_247, %mul3A_246 : i32
      %mul3A_249 = arith.constant 640 : i32
      %mul3A_250 = arith.muli %arg1, %mul3A_249 : i32
      "tpu.region"() ({
        %run_scoped3A = tpu.sem_alloc : memref<!tpu.dma_semaphore, #tpu.memory_space<semaphore_mem>>
        %dma_start3A_251 = arith.constant 0 : i32
        %dma_start3A_252 = tpu.memref_slice %arg6[%mul3A_250, %dma_start3A_251] : memref<10000x128xf32, #tpu.memory_space<vmem_shared>> -> memref<640x128xf32, #tpu.memory_space<vmem_shared>>
        %dma_start3A_253 = arith.constant 0 : i32
        %dma_start3A_254 = tpu.memref_slice %arg2[%add3A_248, %dma_start3A_253] : memref<40000x128xf32, #tpu.memory_space<hbm>> -> memref<640x128xf32, #tpu.memory_space<hbm>>
        tpu.enqueue_dma source(%dma_start3A_254 : memref<640x128xf32, #tpu.memory_space<hbm>>) target(%dma_start3A_252 : memref<640x128xf32, #tpu.memory_space<vmem_shared>>) target_semaphore(%run_scoped3A : memref<!tpu.dma_semaphore, #tpu.memory_space<semaphore_mem>>)
        %dma_wait3A_255 = arith.constant 0 : i32
        %dma_wait3A_256 = tpu.memref_slice %arg6[%mul3A_250, %dma_wait3A_255] : memref<10000x128xf32, #tpu.memory_space<vmem_shared>> -> memref<640x128xf32, #tpu.memory_space<vmem_shared>>
        %dma_wait3A_257 = arith.constant 0 : i32
        %dma_wait3A_258 = tpu.memref_slice %arg2[%add3A_248, %dma_wait3A_257] : memref<40000x128xf32, #tpu.memory_space<hbm>> -> memref<640x128xf32, #tpu.memory_space<hbm>>
        tpu.wait_dma2 semaphore(%run_scoped3A : memref<!tpu.dma_semaphore, #tpu.memory_space<semaphore_mem>>) src(%dma_wait3A_258 : memref<640x128xf32, #tpu.memory_space<hbm>>) dst(%dma_wait3A_256 : memref<640x128xf32, #tpu.memory_space<vmem_shared>>)
        tpu.yield
      }) : () -> ()
    } else {
    }
    %eq3A_148 = arith.constant 15 : i32
    %eq3A_149 = arith.cmpi eq, %arg1, %eq3A_148 : i32
    %convert_element_type3A_150 = arith.extui %eq3A_149 : i1 to i32
    %cond3A_151 = arith.constant 0 : i32
    %cond3A_152 = arith.cmpi ne, %convert_element_type3A_150, %cond3A_151 : i32
    scf.if %cond3A_152 {
      "tpu.region"() ({
        %run_scoped3A = tpu.sem_alloc : memref<!tpu.dma_semaphore, #tpu.memory_space<semaphore_mem>>
        %dma_start3A_245 = arith.constant 9600 : i32
        %dma_start3A_246 = arith.constant 0 : i32
        %dma_start3A_247 = tpu.memref_slice %arg6[%dma_start3A_245, %dma_start3A_246] : memref<10000x128xf32, #tpu.memory_space<vmem_shared>> -> memref<400x128xf32, #tpu.memory_space<vmem_shared>>
        %dma_start3A_248 = arith.constant 29600 : i32
        %dma_start3A_249 = arith.constant 0 : i32
        %dma_start3A_250 = tpu.memref_slice %arg2[%dma_start3A_248, %dma_start3A_249] : memref<40000x128xf32, #tpu.memory_space<hbm>> -> memref<400x128xf32, #tpu.memory_space<hbm>>
        tpu.enqueue_dma source(%dma_start3A_250 : memref<400x128xf32, #tpu.memory_space<hbm>>) target(%dma_start3A_247 : memref<400x128xf32, #tpu.memory_space<vmem_shared>>) target_semaphore(%run_scoped3A : memref<!tpu.dma_semaphore, #tpu.memory_space<semaphore_mem>>)
        %dma_wait3A_251 = arith.constant 9600 : i32
        %dma_wait3A_252 = arith.constant 0 : i32
        %dma_wait3A_253 = tpu.memref_slice %arg6[%dma_wait3A_251, %dma_wait3A_252] : memref<10000x128xf32, #tpu.memory_space<vmem_shared>> -> memref<400x128xf32, #tpu.memory_space<vmem_shared>>
        %dma_wait3A_254 = arith.constant 29600 : i32
        %dma_wait3A_255 = arith.constant 0 : i32
        %dma_wait3A_256 = tpu.memref_slice %arg2[%dma_wait3A_254, %dma_wait3A_255] : memref<40000x128xf32, #tpu.memory_space<hbm>> -> memref<400x128xf32, #tpu.memory_space<hbm>>
        tpu.wait_dma2 semaphore(%run_scoped3A : memref<!tpu.dma_semaphore, #tpu.memory_space<semaphore_mem>>) src(%dma_wait3A_256 : memref<400x128xf32, #tpu.memory_space<hbm>>) dst(%dma_wait3A_253 : memref<400x128xf32, #tpu.memory_space<vmem_shared>>)
        tpu.yield
      }) : () -> ()
    } else {
    }
    %barrier3A_153 = arith.constant 0 : index
    tpu.barrier barrier_id(%barrier3A_153)
    %mul3A_154 = arith.constant 64 : i32
    %mul3A_155 = arith.muli %add3A_53, %mul3A_154 : i32
    "tpu.region"() ({
      %run_scoped3A = tpu.sem_alloc : memref<!tpu.dma_semaphore, #tpu.memory_space<semaphore_mem>>
      %dma_start3A_245 = tpu.memref_slice %arg3[%mul3A_155] : memref<160000xi32, #tpu.memory_space<hbm>> -> memref<64xi32, #tpu.memory_space<hbm>>
      %dma_start3A_246 = tpu.memref_slice %arg3[%mul3A_155] : memref<160000xi32, #tpu.memory_space<hbm>> -> memref<64xi32, #tpu.memory_space<hbm>>
      tpu.enqueue_dma source(%dma_start3A_246 : memref<64xi32, #tpu.memory_space<hbm>>) target(%arg7 : memref<64xi32, #tpu.memory_space<vmem>>) target_semaphore(%run_scoped3A : memref<!tpu.dma_semaphore, #tpu.memory_space<semaphore_mem>>)
      %dma_wait3A_247 = tpu.memref_slice %arg3[%mul3A_155] : memref<160000xi32, #tpu.memory_space<hbm>> -> memref<64xi32, #tpu.memory_space<hbm>>
      %dma_wait3A_248 = tpu.memref_slice %arg3[%mul3A_155] : memref<160000xi32, #tpu.memory_space<hbm>> -> memref<64xi32, #tpu.memory_space<hbm>>
      tpu.wait_dma2 semaphore(%run_scoped3A : memref<!tpu.dma_semaphore, #tpu.memory_space<semaphore_mem>>) src(%dma_wait3A_248 : memref<64xi32, #tpu.memory_space<hbm>>) dst(%arg7 : memref<64xi32, #tpu.memory_space<vmem>>)
      tpu.yield
    }) : () -> ()
    %mul3A_156 = arith.constant 64 : i32
    %mul3A_157 = arith.muli %add3A_53, %mul3A_156 : i32
    "tpu.region"() ({
      %run_scoped3A = tpu.sem_alloc : memref<!tpu.dma_semaphore, #tpu.memory_space<semaphore_mem>>
      %dma_start3A_245 = tpu.memref_slice %arg4[%mul3A_157] : memref<160000xi32, #tpu.memory_space<hbm>> -> memref<64xi32, #tpu.memory_space<hbm>>
      %dma_start3A_246 = tpu.memref_slice %arg4[%mul3A_157] : memref<160000xi32, #tpu.memory_space<hbm>> -> memref<64xi32, #tpu.memory_space<hbm>>
      tpu.enqueue_dma source(%dma_start3A_246 : memref<64xi32, #tpu.memory_space<hbm>>) target(%arg9 : memref<64xi32, #tpu.memory_space<vmem>>) target_semaphore(%run_scoped3A : memref<!tpu.dma_semaphore, #tpu.memory_space<semaphore_mem>>)
      %dma_wait3A_247 = tpu.memref_slice %arg4[%mul3A_157] : memref<160000xi32, #tpu.memory_space<hbm>> -> memref<64xi32, #tpu.memory_space<hbm>>
      %dma_wait3A_248 = tpu.memref_slice %arg4[%mul3A_157] : memref<160000xi32, #tpu.memory_space<hbm>> -> memref<64xi32, #tpu.memory_space<hbm>>
      tpu.wait_dma2 semaphore(%run_scoped3A : memref<!tpu.dma_semaphore, #tpu.memory_space<semaphore_mem>>) src(%dma_wait3A_248 : memref<64xi32, #tpu.memory_space<hbm>>) dst(%arg9 : memref<64xi32, #tpu.memory_space<vmem>>)
      tpu.yield
    }) : () -> ()
    %dma_start3A_158 = arith.constant 0 : i32
    %dma_start3A_159 = arith.constant 0 : i32
    %dma_start3A_160 = tpu.memref_slice %arg6[%dma_start3A_158, %dma_start3A_159] : memref<10000x128xf32, #tpu.memory_space<vmem_shared>> -> memref<10000x128xf32, #tpu.memory_space<vmem_shared>>
    tpu.enqueue_indirect_dma source(%dma_start3A_160 : memref<10000x128xf32, #tpu.memory_space<vmem_shared>>) target(%arg11 : memref<64x128xf32, #tpu.memory_space<vmem>>) offsets(%arg7 : memref<64xi32, #tpu.memory_space<vmem>>) semaphore(%arg15 : memref<!tpu.dma_semaphore, #tpu.memory_space<semaphore_mem>>)
    %dma_start3A_161 = arith.constant 0 : i32
    %dma_start3A_162 = arith.constant 0 : i32
    %dma_start3A_163 = tpu.memref_slice %arg6[%dma_start3A_161, %dma_start3A_162] : memref<10000x128xf32, #tpu.memory_space<vmem_shared>> -> memref<10000x128xf32, #tpu.memory_space<vmem_shared>>
    tpu.enqueue_indirect_dma source(%dma_start3A_163 : memref<10000x128xf32, #tpu.memory_space<vmem_shared>>) target(%arg13 : memref<64x128xf32, #tpu.memory_space<vmem>>) offsets(%arg9 : memref<64xi32, #tpu.memory_space<vmem>>) semaphore(%arg15 : memref<!tpu.dma_semaphore, #tpu.memory_space<semaphore_mem>>)
    %scan3A_164 = arith.constant 0 : i32
    %scan3A_165 = arith.constant 0 : i32
    %scan3A_166 = arith.constant 40 : i32
    %scan3A_167 = arith.addi %scan3A_165, %scan3A_166 : i32
    %scan3A_168 = arith.constant 1 : i32
    scf.for %scan3A_245 = %scan3A_165 to %scan3A_167 step %scan3A_168  : i32 {
      %mul3A_246 = arith.constant 2 : i32
      %mul3A_247 = arith.muli %mul3A_246, %scan3A_245 : i32
      %add3A_248 = arith.constant 0 : i32
      %add3A_249 = arith.addi %mul3A_247, %add3A_248 : i32
      %lt3A_250 = arith.cmpi slt, %add3A_249, %add3A_49 : i32
      %convert_element_type3A_251 = arith.extui %lt3A_250 : i1 to i32
      %cond3A_252 = arith.constant 0 : i32
      %cond3A_253 = arith.cmpi ne, %convert_element_type3A_251, %cond3A_252 : i32
      scf.if %cond3A_253 {
        %add3A_262 = arith.constant 1 : i32
        %add3A_263 = arith.addi %add3A_249, %add3A_262 : i32
        %lt3A_264 = arith.cmpi slt, %add3A_263, %add3A_49 : i32
        %convert_element_type3A_265 = arith.extui %lt3A_264 : i1 to i32
        %cond3A_266 = arith.constant 0 : i32
        %cond3A_267 = arith.cmpi ne, %convert_element_type3A_265, %cond3A_266 : i32
        scf.if %cond3A_267 {
          %ge3A = arith.constant 1 : i32
          %ge3A_292 = arith.cmpi sge, %add3A_249, %ge3A : i32
          %convert_element_type3A_293 = arith.extui %ge3A_292 : i1 to i32
          %cond3A_294 = arith.constant 0 : i32
          %cond3A_295 = arith.cmpi ne, %convert_element_type3A_293, %cond3A_294 : i32
          scf.if %cond3A_295 {
            %dma_wait3A_309 = arith.constant 0 : i32
            %dma_wait3A_310 = arith.constant 10000 : i32
            %dma_wait3A_311 = arith.constant 0 : i32
            %dma_wait3A_312 = tpu.memref_slice %arg5[%dma_wait3A_309, %dma_wait3A_310, %dma_wait3A_311] : memref<4x170000x128xf32, #tpu.memory_space<hbm>> -> memref<1x64x128xf32, #tpu.memory_space<hbm>>
            %dma_wait3A_313 = tpu.memref_squeeze %dma_wait3A_312 : memref<1x64x128xf32, #tpu.memory_space<hbm>> -> memref<64x128xf32, #tpu.memory_space<hbm>>
            %dma_wait3A_314 = arith.constant 10000 : i32
            %dma_wait3A_315 = arith.constant 0 : i32
            %dma_wait3A_316 = tpu.memref_slice %arg5[%dma_wait3A_309, %dma_wait3A_314, %dma_wait3A_315] : memref<4x170000x128xf32, #tpu.memory_space<hbm>> -> memref<1x64x128xf32, #tpu.memory_space<hbm>>
            %dma_wait3A_317 = tpu.memref_squeeze %dma_wait3A_316 : memref<1x64x128xf32, #tpu.memory_space<hbm>> -> memref<64x128xf32, #tpu.memory_space<hbm>>
            tpu.wait_dma2 semaphore(%arg18 : memref<!tpu.dma_semaphore, #tpu.memory_space<semaphore_mem>>) src(%arg12 : memref<64x128xf32, #tpu.memory_space<vmem>>) dst(%dma_wait3A_317 : memref<64x128xf32, #tpu.memory_space<hbm>>)
          } else {
          }
          %add3A_296 = arith.addi %add3A_53, %add3A_249 : i32
          %add3A_297 = arith.constant 1 : i32
          %add3A_298 = arith.addi %add3A_296, %add3A_297 : i32
          %mul3A_299 = arith.constant 64 : i32
          %mul3A_300 = arith.muli %add3A_298, %mul3A_299 : i32
          "tpu.region"() ({
            %run_scoped3A = tpu.sem_alloc : memref<!tpu.dma_semaphore, #tpu.memory_space<semaphore_mem>>
            %dma_start3A_309 = tpu.memref_slice %arg3[%mul3A_300] : memref<160000xi32, #tpu.memory_space<hbm>> -> memref<64xi32, #tpu.memory_space<hbm>>
            %dma_start3A_310 = tpu.memref_slice %arg3[%mul3A_300] : memref<160000xi32, #tpu.memory_space<hbm>> -> memref<64xi32, #tpu.memory_space<hbm>>
            tpu.enqueue_dma source(%dma_start3A_310 : memref<64xi32, #tpu.memory_space<hbm>>) target(%arg8 : memref<64xi32, #tpu.memory_space<vmem>>) target_semaphore(%run_scoped3A : memref<!tpu.dma_semaphore, #tpu.memory_space<semaphore_mem>>)
            %dma_wait3A_311 = tpu.memref_slice %arg3[%mul3A_300] : memref<160000xi32, #tpu.memory_space<hbm>> -> memref<64xi32, #tpu.memory_space<hbm>>
            %dma_wait3A_312 = tpu.memref_slice %arg3[%mul3A_300] : memref<160000xi32, #tpu.memory_space<hbm>> -> memref<64xi32, #tpu.memory_space<hbm>>
            tpu.wait_dma2 semaphore(%run_scoped3A : memref<!tpu.dma_semaphore, #tpu.memory_space<semaphore_mem>>) src(%dma_wait3A_312 : memref<64xi32, #tpu.memory_space<hbm>>) dst(%arg8 : memref<64xi32, #tpu.memory_space<vmem>>)
            tpu.yield
          }) : () -> ()
          %mul3A_301 = arith.constant 64 : i32
          %mul3A_302 = arith.muli %add3A_298, %mul3A_301 : i32
          "tpu.region"() ({
            %run_scoped3A = tpu.sem_alloc : memref<!tpu.dma_semaphore, #tpu.memory_space<semaphore_mem>>
            %dma_start3A_309 = tpu.memref_slice %arg4[%mul3A_302] : memref<160000xi32, #tpu.memory_space<hbm>> -> memref<64xi32, #tpu.memory_space<hbm>>
            %dma_start3A_310 = tpu.memref_slice %arg4[%mul3A_302] : memref<160000xi32, #tpu.memory_space<hbm>> -> memref<64xi32, #tpu.memory_space<hbm>>
            tpu.enqueue_dma source(%dma_start3A_310 : memref<64xi32, #tpu.memory_space<hbm>>) target(%arg10 : memref<64xi32, #tpu.memory_space<vmem>>) target_semaphore(%run_scoped3A : memref<!tpu.dma_semaphore, #tpu.memory_space<semaphore_mem>>)
            %dma_wait3A_311 = tpu.memref_slice %arg4[%mul3A_302] : memref<160000xi32, #tpu.memory_space<hbm>> -> memref<64xi32, #tpu.memory_space<hbm>>
            %dma_wait3A_312 = tpu.memref_slice %arg4[%mul3A_302] : memref<160000xi32, #tpu.memory_space<hbm>> -> memref<64xi32, #tpu.memory_space<hbm>>
            tpu.wait_dma2 semaphore(%run_scoped3A : memref<!tpu.dma_semaphore, #tpu.memory_space<semaphore_mem>>) src(%dma_wait3A_312 : memref<64xi32, #tpu.memory_space<hbm>>) dst(%arg10 : memref<64xi32, #tpu.memory_space<vmem>>)
            tpu.yield
          }) : () -> ()
          %dma_start3A_303 = arith.constant 0 : i32
          %dma_start3A_304 = arith.constant 0 : i32
          %dma_start3A_305 = tpu.memref_slice %arg6[%dma_start3A_303, %dma_start3A_304] : memref<10000x128xf32, #tpu.memory_space<vmem_shared>> -> memref<10000x128xf32, #tpu.memory_space<vmem_shared>>
          tpu.enqueue_indirect_dma source(%dma_start3A_305 : memref<10000x128xf32, #tpu.memory_space<vmem_shared>>) target(%arg12 : memref<64x128xf32, #tpu.memory_space<vmem>>) offsets(%arg8 : memref<64xi32, #tpu.memory_space<vmem>>) semaphore(%arg16 : memref<!tpu.dma_semaphore, #tpu.memory_space<semaphore_mem>>)
          %dma_start3A_306 = arith.constant 0 : i32
          %dma_start3A_307 = arith.constant 0 : i32
          %dma_start3A_308 = tpu.memref_slice %arg6[%dma_start3A_306, %dma_start3A_307] : memref<10000x128xf32, #tpu.memory_space<vmem_shared>> -> memref<10000x128xf32, #tpu.memory_space<vmem_shared>>
          tpu.enqueue_indirect_dma source(%dma_start3A_308 : memref<10000x128xf32, #tpu.memory_space<vmem_shared>>) target(%arg14 : memref<64x128xf32, #tpu.memory_space<vmem>>) offsets(%arg10 : memref<64xi32, #tpu.memory_space<vmem>>) semaphore(%arg16 : memref<!tpu.dma_semaphore, #tpu.memory_space<semaphore_mem>>)
        } else {
        }
        %dma_wait3A_268 = arith.constant 0 : i32
        %dma_wait3A_269 = arith.constant 0 : i32
        %dma_wait3A_270 = tpu.memref_slice %arg6[%dma_wait3A_268, %dma_wait3A_269] : memref<10000x128xf32, #tpu.memory_space<vmem_shared>> -> memref<10000x128xf32, #tpu.memory_space<vmem_shared>>
        tpu.wait_indirect_dma semaphore(%arg15 : memref<!tpu.dma_semaphore, #tpu.memory_space<semaphore_mem>>) src(%dma_wait3A_270 : memref<10000x128xf32, #tpu.memory_space<vmem_shared>>) dst(%arg11 : memref<64x128xf32, #tpu.memory_space<vmem>>)
        %dma_wait3A_271 = arith.constant 0 : i32
        %dma_wait3A_272 = arith.constant 0 : i32
        %dma_wait3A_273 = tpu.memref_slice %arg6[%dma_wait3A_271, %dma_wait3A_272] : memref<10000x128xf32, #tpu.memory_space<vmem_shared>> -> memref<10000x128xf32, #tpu.memory_space<vmem_shared>>
        tpu.wait_indirect_dma semaphore(%arg15 : memref<!tpu.dma_semaphore, #tpu.memory_space<semaphore_mem>>) src(%dma_wait3A_273 : memref<10000x128xf32, #tpu.memory_space<vmem_shared>>) dst(%arg13 : memref<64x128xf32, #tpu.memory_space<vmem>>)
        %scan3A_274 = arith.constant 0 : i32
        %scan3A_275 = arith.constant 0 : i32
        %scan3A_276 = arith.constant 64 : i32
        %scan3A_277 = arith.addi %scan3A_275, %scan3A_276 : i32
        %scan3A_278 = arith.constant 1 : i32
        scf.for %scan3A_292 = %scan3A_275 to %scan3A_277 step %scan3A_278  : i32 {
          %get3A = arith.index_cast %scan3A_292 : i32 to index
          %get3A_293 = arith.constant 0 : index
          %get3A_294 = tpu.vector_load %arg11[%get3A, %get3A_293] {strides = array<i32>} : memref<64x128xf32, #tpu.memory_space<vmem>>, vector<1x16xf32>,
          %get3A_295 = vector.shape_cast %get3A_294 : vector<1x16xf32> to vector<16xf32>
          %get3A_296 = arith.index_cast %scan3A_292 : i32 to index
          %get3A_297 = arith.constant 0 : index
          %get3A_298 = tpu.vector_load %arg13[%get3A_296, %get3A_297] {strides = array<i32>} : memref<64x128xf32, #tpu.memory_space<vmem>>, vector<1x16xf32>,
          %get3A_299 = vector.shape_cast %get3A_298 : vector<1x16xf32> to vector<16xf32>
          %add3A_300 = arith.addf %get3A_295, %get3A_299 : vector<16xf32>
          %mul3A_301 = arith.constant 5.000000e-01 : f32
          %mul3A_302 = vector.broadcast %mul3A_301 : f32 to vector<16xf32>
          %mul3A_303 = arith.mulf %add3A_300, %mul3A_302 : vector<16xf32>
          %swap3A = arith.index_cast %scan3A_292 : i32 to index
          %swap3A_304 = arith.constant 0 : index
          %swap3A_305 = tpu.vector_load %arg11[%swap3A, %swap3A_304] {strides = array<i32>} : memref<64x128xf32, #tpu.memory_space<vmem>>, vector<1x16xf32>,
          %swap3A_306 = vector.shape_cast %swap3A_305 : vector<1x16xf32> to vector<16xf32>
          %swap3A_307 = vector.shape_cast %mul3A_303 : vector<16xf32> to vector<1x16xf32>
          tpu.vector_store %arg11[%swap3A, %swap3A_304], %swap3A_307 {strides = array<i32>} : memref<64x128xf32, #tpu.memory_space<vmem>>, vector<1x16xf32>,
          %get3A_308 = arith.index_cast %scan3A_292 : i32 to index
          %get3A_309 = arith.constant 16 : index
          %get3A_310 = tpu.vector_load %arg11[%get3A_308, %get3A_309] {strides = array<i32>} : memref<64x128xf32, #tpu.memory_space<vmem>>, vector<1x16xf32>,
          %get3A_311 = vector.shape_cast %get3A_310 : vector<1x16xf32> to vector<16xf32>
          %get3A_312 = arith.index_cast %scan3A_292 : i32 to index
          %get3A_313 = arith.constant 16 : index
          %get3A_314 = tpu.vector_load %arg13[%get3A_312, %get3A_313] {strides = array<i32>} : memref<64x128xf32, #tpu.memory_space<vmem>>, vector<1x16xf32>,
          %get3A_315 = vector.shape_cast %get3A_314 : vector<1x16xf32> to vector<16xf32>
          %add3A_316 = arith.addf %get3A_311, %get3A_315 : vector<16xf32>
          %mul3A_317 = arith.constant 5.000000e-01 : f32
          %mul3A_318 = vector.broadcast %mul3A_317 : f32 to vector<16xf32>
          %mul3A_319 = arith.mulf %add3A_316, %mul3A_318 : vector<16xf32>
          %swap3A_320 = arith.index_cast %scan3A_292 : i32 to index
          %swap3A_321 = arith.constant 16 : index
          %swap3A_322 = tpu.vector_load %arg11[%swap3A_320, %swap3A_321] {strides = array<i32>} : memref<64x128xf32, #tpu.memory_space<vmem>>, vector<1x16xf32>,
          %swap3A_323 = vector.shape_cast %swap3A_322 : vector<1x16xf32> to vector<16xf32>
          %swap3A_324 = vector.shape_cast %mul3A_319 : vector<16xf32> to vector<1x16xf32>
          tpu.vector_store %arg11[%swap3A_320, %swap3A_321], %swap3A_324 {strides = array<i32>} : memref<64x128xf32, #tpu.memory_space<vmem>>, vector<1x16xf32>,
          %get3A_325 = arith.index_cast %scan3A_292 : i32 to index
          %get3A_326 = arith.constant 32 : index
          %get3A_327 = tpu.vector_load %arg11[%get3A_325, %get3A_326] {strides = array<i32>} : memref<64x128xf32, #tpu.memory_space<vmem>>, vector<1x16xf32>,
          %get3A_328 = vector.shape_cast %get3A_327 : vector<1x16xf32> to vector<16xf32>
          %get3A_329 = arith.index_cast %scan3A_292 : i32 to index
          %get3A_330 = arith.constant 32 : index
          %get3A_331 = tpu.vector_load %arg13[%get3A_329, %get3A_330] {strides = array<i32>} : memref<64x128xf32, #tpu.memory_space<vmem>>, vector<1x16xf32>,
          %get3A_332 = vector.shape_cast %get3A_331 : vector<1x16xf32> to vector<16xf32>
          %add3A_333 = arith.addf %get3A_328, %get3A_332 : vector<16xf32>
          %mul3A_334 = arith.constant 5.000000e-01 : f32
          %mul3A_335 = vector.broadcast %mul3A_334 : f32 to vector<16xf32>
          %mul3A_336 = arith.mulf %add3A_333, %mul3A_335 : vector<16xf32>
          %swap3A_337 = arith.index_cast %scan3A_292 : i32 to index
          %swap3A_338 = arith.constant 32 : index
          %swap3A_339 = tpu.vector_load %arg11[%swap3A_337, %swap3A_338] {strides = array<i32>} : memref<64x128xf32, #tpu.memory_space<vmem>>, vector<1x16xf32>,
          %swap3A_340 = vector.shape_cast %swap3A_339 : vector<1x16xf32> to vector<16xf32>
          %swap3A_341 = vector.shape_cast %mul3A_336 : vector<16xf32> to vector<1x16xf32>
          tpu.vector_store %arg11[%swap3A_337, %swap3A_338], %swap3A_341 {strides = array<i32>} : memref<64x128xf32, #tpu.memory_space<vmem>>, vector<1x16xf32>,
          %get3A_342 = arith.index_cast %scan3A_292 : i32 to index
          %get3A_343 = arith.constant 48 : index
          %get3A_344 = tpu.vector_load %arg11[%get3A_342, %get3A_343] {strides = array<i32>} : memref<64x128xf32, #tpu.memory_space<vmem>>, vector<1x16xf32>,
          %get3A_345 = vector.shape_cast %get3A_344 : vector<1x16xf32> to vector<16xf32>
          %get3A_346 = arith.index_cast %scan3A_292 : i32 to index
          %get3A_347 = arith.constant 48 : index
          %get3A_348 = tpu.vector_load %arg13[%get3A_346, %get3A_347] {strides = array<i32>} : memref<64x128xf32, #tpu.memory_space<vmem>>, vector<1x16xf32>,
          %get3A_349 = vector.shape_cast %get3A_348 : vector<1x16xf32> to vector<16xf32>
          %add3A_350 = arith.addf %get3A_345, %get3A_349 : vector<16xf32>
          %mul3A_351 = arith.constant 5.000000e-01 : f32
          %mul3A_352 = vector.broadcast %mul3A_351 : f32 to vector<16xf32>
          %mul3A_353 = arith.mulf %add3A_350, %mul3A_352 : vector<16xf32>
          %swap3A_354 = arith.index_cast %scan3A_292 : i32 to index
          %swap3A_355 = arith.constant 48 : index
          %swap3A_356 = tpu.vector_load %arg11[%swap3A_354, %swap3A_355] {strides = array<i32>} : memref<64x128xf32, #tpu.memory_space<vmem>>, vector<1x16xf32>,
          %swap3A_357 = vector.shape_cast %swap3A_356 : vector<1x16xf32> to vector<16xf32>
          %swap3A_358 = vector.shape_cast %mul3A_353 : vector<16xf32> to vector<1x16xf32>
          tpu.vector_store %arg11[%swap3A_354, %swap3A_355], %swap3A_358 {strides = array<i32>} : memref<64x128xf32, #tpu.memory_space<vmem>>, vector<1x16xf32>,
          %get3A_359 = arith.index_cast %scan3A_292 : i32 to index
          %get3A_360 = arith.constant 64 : index
          %get3A_361 = tpu.vector_load %arg11[%get3A_359, %get3A_360] {strides = array<i32>} : memref<64x128xf32, #tpu.memory_space<vmem>>, vector<1x16xf32>,
          %get3A_362 = vector.shape_cast %get3A_361 : vector<1x16xf32> to vector<16xf32>
          %get3A_363 = arith.index_cast %scan3A_292 : i32 to index
          %get3A_364 = arith.constant 64 : index
          %get3A_365 = tpu.vector_load %arg13[%get3A_363, %get3A_364] {strides = array<i32>} : memref<64x128xf32, #tpu.memory_space<vmem>>, vector<1x16xf32>,
          %get3A_366 = vector.shape_cast %get3A_365 : vector<1x16xf32> to vector<16xf32>
          %add3A_367 = arith.addf %get3A_362, %get3A_366 : vector<16xf32>
          %mul3A_368 = arith.constant 5.000000e-01 : f32
          %mul3A_369 = vector.broadcast %mul3A_368 : f32 to vector<16xf32>
          %mul3A_370 = arith.mulf %add3A_367, %mul3A_369 : vector<16xf32>
          %swap3A_371 = arith.index_cast %scan3A_292 : i32 to index
          %swap3A_372 = arith.constant 64 : index
          %swap3A_373 = tpu.vector_load %arg11[%swap3A_371, %swap3A_372] {strides = array<i32>} : memref<64x128xf32, #tpu.memory_space<vmem>>, vector<1x16xf32>,
          %swap3A_374 = vector.shape_cast %swap3A_373 : vector<1x16xf32> to vector<16xf32>
          %swap3A_375 = vector.shape_cast %mul3A_370 : vector<16xf32> to vector<1x16xf32>
          tpu.vector_store %arg11[%swap3A_371, %swap3A_372], %swap3A_375 {strides = array<i32>} : memref<64x128xf32, #tpu.memory_space<vmem>>, vector<1x16xf32>,
          %get3A_376 = arith.index_cast %scan3A_292 : i32 to index
          %get3A_377 = arith.constant 80 : index
          %get3A_378 = tpu.vector_load %arg11[%get3A_376, %get3A_377] {strides = array<i32>} : memref<64x128xf32, #tpu.memory_space<vmem>>, vector<1x16xf32>,
          %get3A_379 = vector.shape_cast %get3A_378 : vector<1x16xf32> to vector<16xf32>
          %get3A_380 = arith.index_cast %scan3A_292 : i32 to index
          %get3A_381 = arith.constant 80 : index
          %get3A_382 = tpu.vector_load %arg13[%get3A_380, %get3A_381] {strides = array<i32>} : memref<64x128xf32, #tpu.memory_space<vmem>>, vector<1x16xf32>,
          %get3A_383 = vector.shape_cast %get3A_382 : vector<1x16xf32> to vector<16xf32>
          %add3A_384 = arith.addf %get3A_379, %get3A_383 : vector<16xf32>
          %mul3A_385 = arith.constant 5.000000e-01 : f32
          %mul3A_386 = vector.broadcast %mul3A_385 : f32 to vector<16xf32>
          %mul3A_387 = arith.mulf %add3A_384, %mul3A_386 : vector<16xf32>
          %swap3A_388 = arith.index_cast %scan3A_292 : i32 to index
          %swap3A_389 = arith.constant 80 : index
          %swap3A_390 = tpu.vector_load %arg11[%swap3A_388, %swap3A_389] {strides = array<i32>} : memref<64x128xf32, #tpu.memory_space<vmem>>, vector<1x16xf32>,
          %swap3A_391 = vector.shape_cast %swap3A_390 : vector<1x16xf32> to vector<16xf32>
          %swap3A_392 = vector.shape_cast %mul3A_387 : vector<16xf32> to vector<1x16xf32>
          tpu.vector_store %arg11[%swap3A_388, %swap3A_389], %swap3A_392 {strides = array<i32>} : memref<64x128xf32, #tpu.memory_space<vmem>>, vector<1x16xf32>,
          %get3A_393 = arith.index_cast %scan3A_292 : i32 to index
          %get3A_394 = arith.constant 96 : index
          %get3A_395 = tpu.vector_load %arg11[%get3A_393, %get3A_394] {strides = array<i32>} : memref<64x128xf32, #tpu.memory_space<vmem>>, vector<1x16xf32>,
          %get3A_396 = vector.shape_cast %get3A_395 : vector<1x16xf32> to vector<16xf32>
          %get3A_397 = arith.index_cast %scan3A_292 : i32 to index
          %get3A_398 = arith.constant 96 : index
          %get3A_399 = tpu.vector_load %arg13[%get3A_397, %get3A_398] {strides = array<i32>} : memref<64x128xf32, #tpu.memory_space<vmem>>, vector<1x16xf32>,
          %get3A_400 = vector.shape_cast %get3A_399 : vector<1x16xf32> to vector<16xf32>
          %add3A_401 = arith.addf %get3A_396, %get3A_400 : vector<16xf32>
          %mul3A_402 = arith.constant 5.000000e-01 : f32
          %mul3A_403 = vector.broadcast %mul3A_402 : f32 to vector<16xf32>
          %mul3A_404 = arith.mulf %add3A_401, %mul3A_403 : vector<16xf32>
          %swap3A_405 = arith.index_cast %scan3A_292 : i32 to index
          %swap3A_406 = arith.constant 96 : index
          %swap3A_407 = tpu.vector_load %arg11[%swap3A_405, %swap3A_406] {strides = array<i32>} : memref<64x128xf32, #tpu.memory_space<vmem>>, vector<1x16xf32>,
          %swap3A_408 = vector.shape_cast %swap3A_407 : vector<1x16xf32> to vector<16xf32>
          %swap3A_409 = vector.shape_cast %mul3A_404 : vector<16xf32> to vector<1x16xf32>
          tpu.vector_store %arg11[%swap3A_405, %swap3A_406], %swap3A_409 {strides = array<i32>} : memref<64x128xf32, #tpu.memory_space<vmem>>, vector<1x16xf32>,
          %get3A_410 = arith.index_cast %scan3A_292 : i32 to index
          %get3A_411 = arith.constant 112 : index
          %get3A_412 = tpu.vector_load %arg11[%get3A_410, %get3A_411] {strides = array<i32>} : memref<64x128xf32, #tpu.memory_space<vmem>>, vector<1x16xf32>,
          %get3A_413 = vector.shape_cast %get3A_412 : vector<1x16xf32> to vector<16xf32>
          %get3A_414 = arith.index_cast %scan3A_292 : i32 to index
          %get3A_415 = arith.constant 112 : index
          %get3A_416 = tpu.vector_load %arg13[%get3A_414, %get3A_415] {strides = array<i32>} : memref<64x128xf32, #tpu.memory_space<vmem>>, vector<1x16xf32>,
          %get3A_417 = vector.shape_cast %get3A_416 : vector<1x16xf32> to vector<16xf32>
          %add3A_418 = arith.addf %get3A_413, %get3A_417 : vector<16xf32>
          %mul3A_419 = arith.constant 5.000000e-01 : f32
          %mul3A_420 = vector.broadcast %mul3A_419 : f32 to vector<16xf32>
          %mul3A_421 = arith.mulf %add3A_418, %mul3A_420 : vector<16xf32>
          %swap3A_422 = arith.index_cast %scan3A_292 : i32 to index
          %swap3A_423 = arith.constant 112 : index
          %swap3A_424 = tpu.vector_load %arg11[%swap3A_422, %swap3A_423] {strides = array<i32>} : memref<64x128xf32, #tpu.memory_space<vmem>>, vector<1x16xf32>,
          %swap3A_425 = vector.shape_cast %swap3A_424 : vector<1x16xf32> to vector<16xf32>
          %swap3A_426 = vector.shape_cast %mul3A_421 : vector<16xf32> to vector<1x16xf32>
          tpu.vector_store %arg11[%swap3A_422, %swap3A_423], %swap3A_426 {strides = array<i32>} : memref<64x128xf32, #tpu.memory_space<vmem>>, vector<1x16xf32>,
        }
        %scan3A_279 = arith.constant 64 : i32
        %add3A_280 = arith.addi %add3A_53, %add3A_249 : i32
        %mul3A_281 = arith.constant 64 : i32
        %mul3A_282 = arith.muli %add3A_280, %mul3A_281 : i32
        %add3A_283 = arith.constant 10000 : i32
        %add3A_284 = arith.addi %add3A_283, %mul3A_282 : i32
        %dma_start3A_285 = arith.constant 2 : i32
        %dma_start3A_286 = arith.constant 0 : i32
        %dma_start3A_287 = tpu.memref_slice %arg5[%dma_start3A_285, %add3A_284, %dma_start3A_286] : memref<4x170000x128xf32, #tpu.memory_space<hbm>> -> memref<1x64x128xf32, #tpu.memory_space<hbm>>
        %dma_start3A_288 = tpu.memref_squeeze %dma_start3A_287 : memref<1x64x128xf32, #tpu.memory_space<hbm>> -> memref<64x128xf32, #tpu.memory_space<hbm>>
        %dma_start3A_289 = arith.constant 0 : i32
        %dma_start3A_290 = tpu.memref_slice %arg5[%dma_start3A_285, %add3A_284, %dma_start3A_289] : memref<4x170000x128xf32, #tpu.memory_space<hbm>> -> memref<1x64x128xf32, #tpu.memory_space<hbm>>
        %dma_start3A_291 = tpu.memref_squeeze %dma_start3A_290 : memref<1x64x128xf32, #tpu.memory_space<hbm>> -> memref<64x128xf32, #tpu.memory_space<hbm>>
        tpu.enqueue_dma source(%arg11 : memref<64x128xf32, #tpu.memory_space<vmem>>) target(%dma_start3A_291 : memref<64x128xf32, #tpu.memory_space<hbm>>) target_semaphore(%arg17 : memref<!tpu.dma_semaphore, #tpu.memory_space<semaphore_mem>>)
      } else {
      }
      %mul3A_254 = arith.constant 2 : i32
      %mul3A_255 = arith.muli %mul3A_254, %scan3A_245 : i32
      %add3A_256 = arith.constant 1 : i32
      %add3A_257 = arith.addi %mul3A_255, %add3A_256 : i32
      %lt3A_258 = arith.cmpi slt, %add3A_257, %add3A_49 : i32
      %convert_element_type3A_259 = arith.extui %lt3A_258 : i1 to i32
      %cond3A_260 = arith.constant 0 : i32
      %cond3A_261 = arith.cmpi ne, %convert_element_type3A_259, %cond3A_260 : i32
      scf.if %cond3A_261 {
        %add3A_262 = arith.constant 1 : i32
        %add3A_263 = arith.addi %add3A_257, %add3A_262 : i32
        %lt3A_264 = arith.cmpi slt, %add3A_263, %add3A_49 : i32
        %convert_element_type3A_265 = arith.extui %lt3A_264 : i1 to i32
        %cond3A_266 = arith.constant 0 : i32
        %cond3A_267 = arith.cmpi ne, %convert_element_type3A_265, %cond3A_266 : i32
        scf.if %cond3A_267 {
          %ge3A = arith.constant 1 : i32
          %ge3A_292 = arith.cmpi sge, %add3A_257, %ge3A : i32
          %convert_element_type3A_293 = arith.extui %ge3A_292 : i1 to i32
          %cond3A_294 = arith.constant 0 : i32
          %cond3A_295 = arith.cmpi ne, %convert_element_type3A_293, %cond3A_294 : i32
          scf.if %cond3A_295 {
            %dma_wait3A_309 = arith.constant 0 : i32
            %dma_wait3A_310 = arith.constant 10000 : i32
            %dma_wait3A_311 = arith.constant 0 : i32
            %dma_wait3A_312 = tpu.memref_slice %arg5[%dma_wait3A_309, %dma_wait3A_310, %dma_wait3A_311] : memref<4x170000x128xf32, #tpu.memory_space<hbm>> -> memref<1x64x128xf32, #tpu.memory_space<hbm>>
            %dma_wait3A_313 = tpu.memref_squeeze %dma_wait3A_312 : memref<1x64x128xf32, #tpu.memory_space<hbm>> -> memref<64x128xf32, #tpu.memory_space<hbm>>
            %dma_wait3A_314 = arith.constant 10000 : i32
            %dma_wait3A_315 = arith.constant 0 : i32
            %dma_wait3A_316 = tpu.memref_slice %arg5[%dma_wait3A_309, %dma_wait3A_314, %dma_wait3A_315] : memref<4x170000x128xf32, #tpu.memory_space<hbm>> -> memref<1x64x128xf32, #tpu.memory_space<hbm>>
            %dma_wait3A_317 = tpu.memref_squeeze %dma_wait3A_316 : memref<1x64x128xf32, #tpu.memory_space<hbm>> -> memref<64x128xf32, #tpu.memory_space<hbm>>
            tpu.wait_dma2 semaphore(%arg17 : memref<!tpu.dma_semaphore, #tpu.memory_space<semaphore_mem>>) src(%arg11 : memref<64x128xf32, #tpu.memory_space<vmem>>) dst(%dma_wait3A_317 : memref<64x128xf32, #tpu.memory_space<hbm>>)
          } else {
          }
          %add3A_296 = arith.addi %add3A_53, %add3A_257 : i32
          %add3A_297 = arith.constant 1 : i32
          %add3A_298 = arith.addi %add3A_296, %add3A_297 : i32
          %mul3A_299 = arith.constant 64 : i32
          %mul3A_300 = arith.muli %add3A_298, %mul3A_299 : i32
          "tpu.region"() ({
            %run_scoped3A = tpu.sem_alloc : memref<!tpu.dma_semaphore, #tpu.memory_space<semaphore_mem>>
            %dma_start3A_309 = tpu.memref_slice %arg3[%mul3A_300] : memref<160000xi32, #tpu.memory_space<hbm>> -> memref<64xi32, #tpu.memory_space<hbm>>
            %dma_start3A_310 = tpu.memref_slice %arg3[%mul3A_300] : memref<160000xi32, #tpu.memory_space<hbm>> -> memref<64xi32, #tpu.memory_space<hbm>>
            tpu.enqueue_dma source(%dma_start3A_310 : memref<64xi32, #tpu.memory_space<hbm>>) target(%arg7 : memref<64xi32, #tpu.memory_space<vmem>>) target_semaphore(%run_scoped3A : memref<!tpu.dma_semaphore, #tpu.memory_space<semaphore_mem>>)
            %dma_wait3A_311 = tpu.memref_slice %arg3[%mul3A_300] : memref<160000xi32, #tpu.memory_space<hbm>> -> memref<64xi32, #tpu.memory_space<hbm>>
            %dma_wait3A_312 = tpu.memref_slice %arg3[%mul3A_300] : memref<160000xi32, #tpu.memory_space<hbm>> -> memref<64xi32, #tpu.memory_space<hbm>>
            tpu.wait_dma2 semaphore(%run_scoped3A : memref<!tpu.dma_semaphore, #tpu.memory_space<semaphore_mem>>) src(%dma_wait3A_312 : memref<64xi32, #tpu.memory_space<hbm>>) dst(%arg7 : memref<64xi32, #tpu.memory_space<vmem>>)
            tpu.yield
          }) : () -> ()
          %mul3A_301 = arith.constant 64 : i32
          %mul3A_302 = arith.muli %add3A_298, %mul3A_301 : i32
          "tpu.region"() ({
            %run_scoped3A = tpu.sem_alloc : memref<!tpu.dma_semaphore, #tpu.memory_space<semaphore_mem>>
            %dma_start3A_309 = tpu.memref_slice %arg4[%mul3A_302] : memref<160000xi32, #tpu.memory_space<hbm>> -> memref<64xi32, #tpu.memory_space<hbm>>
            %dma_start3A_310 = tpu.memref_slice %arg4[%mul3A_302] : memref<160000xi32, #tpu.memory_space<hbm>> -> memref<64xi32, #tpu.memory_space<hbm>>
            tpu.enqueue_dma source(%dma_start3A_310 : memref<64xi32, #tpu.memory_space<hbm>>) target(%arg9 : memref<64xi32, #tpu.memory_space<vmem>>) target_semaphore(%run_scoped3A : memref<!tpu.dma_semaphore, #tpu.memory_space<semaphore_mem>>)
            %dma_wait3A_311 = tpu.memref_slice %arg4[%mul3A_302] : memref<160000xi32, #tpu.memory_space<hbm>> -> memref<64xi32, #tpu.memory_space<hbm>>
            %dma_wait3A_312 = tpu.memref_slice %arg4[%mul3A_302] : memref<160000xi32, #tpu.memory_space<hbm>> -> memref<64xi32, #tpu.memory_space<hbm>>
            tpu.wait_dma2 semaphore(%run_scoped3A : memref<!tpu.dma_semaphore, #tpu.memory_space<semaphore_mem>>) src(%dma_wait3A_312 : memref<64xi32, #tpu.memory_space<hbm>>) dst(%arg9 : memref<64xi32, #tpu.memory_space<vmem>>)
            tpu.yield
          }) : () -> ()
          %dma_start3A_303 = arith.constant 0 : i32
          %dma_start3A_304 = arith.constant 0 : i32
          %dma_start3A_305 = tpu.memref_slice %arg6[%dma_start3A_303, %dma_start3A_304] : memref<10000x128xf32, #tpu.memory_space<vmem_shared>> -> memref<10000x128xf32, #tpu.memory_space<vmem_shared>>
          tpu.enqueue_indirect_dma source(%dma_start3A_305 : memref<10000x128xf32, #tpu.memory_space<vmem_shared>>) target(%arg11 : memref<64x128xf32, #tpu.memory_space<vmem>>) offsets(%arg7 : memref<64xi32, #tpu.memory_space<vmem>>) semaphore(%arg15 : memref<!tpu.dma_semaphore, #tpu.memory_space<semaphore_mem>>)
          %dma_start3A_306 = arith.constant 0 : i32
          %dma_start3A_307 = arith.constant 0 : i32
          %dma_start3A_308 = tpu.memref_slice %arg6[%dma_start3A_306, %dma_start3A_307] : memref<10000x128xf32, #tpu.memory_space<vmem_shared>> -> memref<10000x128xf32, #tpu.memory_space<vmem_shared>>
          tpu.enqueue_indirect_dma source(%dma_start3A_308 : memref<10000x128xf32, #tpu.memory_space<vmem_shared>>) target(%arg13 : memref<64x128xf32, #tpu.memory_space<vmem>>) offsets(%arg9 : memref<64xi32, #tpu.memory_space<vmem>>) semaphore(%arg15 : memref<!tpu.dma_semaphore, #tpu.memory_space<semaphore_mem>>)
        } else {
        }
        %dma_wait3A_268 = arith.constant 0 : i32
        %dma_wait3A_269 = arith.constant 0 : i32
        %dma_wait3A_270 = tpu.memref_slice %arg6[%dma_wait3A_268, %dma_wait3A_269] : memref<10000x128xf32, #tpu.memory_space<vmem_shared>> -> memref<10000x128xf32, #tpu.memory_space<vmem_shared>>
        tpu.wait_indirect_dma semaphore(%arg16 : memref<!tpu.dma_semaphore, #tpu.memory_space<semaphore_mem>>) src(%dma_wait3A_270 : memref<10000x128xf32, #tpu.memory_space<vmem_shared>>) dst(%arg12 : memref<64x128xf32, #tpu.memory_space<vmem>>)
        %dma_wait3A_271 = arith.constant 0 : i32
        %dma_wait3A_272 = arith.constant 0 : i32
        %dma_wait3A_273 = tpu.memref_slice %arg6[%dma_wait3A_271, %dma_wait3A_272] : memref<10000x128xf32, #tpu.memory_space<vmem_shared>> -> memref<10000x128xf32, #tpu.memory_space<vmem_shared>>
        tpu.wait_indirect_dma semaphore(%arg16 : memref<!tpu.dma_semaphore, #tpu.memory_space<semaphore_mem>>) src(%dma_wait3A_273 : memref<10000x128xf32, #tpu.memory_space<vmem_shared>>) dst(%arg14 : memref<64x128xf32, #tpu.memory_space<vmem>>)
        %scan3A_274 = arith.constant 0 : i32
        %scan3A_275 = arith.constant 0 : i32
        %scan3A_276 = arith.constant 64 : i32
        %scan3A_277 = arith.addi %scan3A_275, %scan3A_276 : i32
        %scan3A_278 = arith.constant 1 : i32
        scf.for %scan3A_292 = %scan3A_275 to %scan3A_277 step %scan3A_278  : i32 {
          %get3A = arith.index_cast %scan3A_292 : i32 to index
          %get3A_293 = arith.constant 0 : index
          %get3A_294 = tpu.vector_load %arg12[%get3A, %get3A_293] {strides = array<i32>} : memref<64x128xf32, #tpu.memory_space<vmem>>, vector<1x16xf32>,
          %get3A_295 = vector.shape_cast %get3A_294 : vector<1x16xf32> to vector<16xf32>
          %get3A_296 = arith.index_cast %scan3A_292 : i32 to index
          %get3A_297 = arith.constant 0 : index
          %get3A_298 = tpu.vector_load %arg14[%get3A_296, %get3A_297] {strides = array<i32>} : memref<64x128xf32, #tpu.memory_space<vmem>>, vector<1x16xf32>,
          %get3A_299 = vector.shape_cast %get3A_298 : vector<1x16xf32> to vector<16xf32>
          %add3A_300 = arith.addf %get3A_295, %get3A_299 : vector<16xf32>
          %mul3A_301 = arith.constant 5.000000e-01 : f32
          %mul3A_302 = vector.broadcast %mul3A_301 : f32 to vector<16xf32>
          %mul3A_303 = arith.mulf %add3A_300, %mul3A_302 : vector<16xf32>
          %swap3A = arith.index_cast %scan3A_292 : i32 to index
          %swap3A_304 = arith.constant 0 : index
          %swap3A_305 = tpu.vector_load %arg12[%swap3A, %swap3A_304] {strides = array<i32>} : memref<64x128xf32, #tpu.memory_space<vmem>>, vector<1x16xf32>,
          %swap3A_306 = vector.shape_cast %swap3A_305 : vector<1x16xf32> to vector<16xf32>
          %swap3A_307 = vector.shape_cast %mul3A_303 : vector<16xf32> to vector<1x16xf32>
          tpu.vector_store %arg12[%swap3A, %swap3A_304], %swap3A_307 {strides = array<i32>} : memref<64x128xf32, #tpu.memory_space<vmem>>, vector<1x16xf32>,
          %get3A_308 = arith.index_cast %scan3A_292 : i32 to index
          %get3A_309 = arith.constant 16 : index
          %get3A_310 = tpu.vector_load %arg12[%get3A_308, %get3A_309] {strides = array<i32>} : memref<64x128xf32, #tpu.memory_space<vmem>>, vector<1x16xf32>,
          %get3A_311 = vector.shape_cast %get3A_310 : vector<1x16xf32> to vector<16xf32>
          %get3A_312 = arith.index_cast %scan3A_292 : i32 to index
          %get3A_313 = arith.constant 16 : index
          %get3A_314 = tpu.vector_load %arg14[%get3A_312, %get3A_313] {strides = array<i32>} : memref<64x128xf32, #tpu.memory_space<vmem>>, vector<1x16xf32>,
          %get3A_315 = vector.shape_cast %get3A_314 : vector<1x16xf32> to vector<16xf32>
          %add3A_316 = arith.addf %get3A_311, %get3A_315 : vector<16xf32>
          %mul3A_317 = arith.constant 5.000000e-01 : f32
          %mul3A_318 = vector.broadcast %mul3A_317 : f32 to vector<16xf32>
          %mul3A_319 = arith.mulf %add3A_316, %mul3A_318 : vector<16xf32>
          %swap3A_320 = arith.index_cast %scan3A_292 : i32 to index
          %swap3A_321 = arith.constant 16 : index
          %swap3A_322 = tpu.vector_load %arg12[%swap3A_320, %swap3A_321] {strides = array<i32>} : memref<64x128xf32, #tpu.memory_space<vmem>>, vector<1x16xf32>,
          %swap3A_323 = vector.shape_cast %swap3A_322 : vector<1x16xf32> to vector<16xf32>
          %swap3A_324 = vector.shape_cast %mul3A_319 : vector<16xf32> to vector<1x16xf32>
          tpu.vector_store %arg12[%swap3A_320, %swap3A_321], %swap3A_324 {strides = array<i32>} : memref<64x128xf32, #tpu.memory_space<vmem>>, vector<1x16xf32>,
          %get3A_325 = arith.index_cast %scan3A_292 : i32 to index
          %get3A_326 = arith.constant 32 : index
          %get3A_327 = tpu.vector_load %arg12[%get3A_325, %get3A_326] {strides = array<i32>} : memref<64x128xf32, #tpu.memory_space<vmem>>, vector<1x16xf32>,
          %get3A_328 = vector.shape_cast %get3A_327 : vector<1x16xf32> to vector<16xf32>
          %get3A_329 = arith.index_cast %scan3A_292 : i32 to index
          %get3A_330 = arith.constant 32 : index
          %get3A_331 = tpu.vector_load %arg14[%get3A_329, %get3A_330] {strides = array<i32>} : memref<64x128xf32, #tpu.memory_space<vmem>>, vector<1x16xf32>,
          %get3A_332 = vector.shape_cast %get3A_331 : vector<1x16xf32> to vector<16xf32>
          %add3A_333 = arith.addf %get3A_328, %get3A_332 : vector<16xf32>
          %mul3A_334 = arith.constant 5.000000e-01 : f32
          %mul3A_335 = vector.broadcast %mul3A_334 : f32 to vector<16xf32>
          %mul3A_336 = arith.mulf %add3A_333, %mul3A_335 : vector<16xf32>
          %swap3A_337 = arith.index_cast %scan3A_292 : i32 to index
          %swap3A_338 = arith.constant 32 : index
          %swap3A_339 = tpu.vector_load %arg12[%swap3A_337, %swap3A_338] {strides = array<i32>} : memref<64x128xf32, #tpu.memory_space<vmem>>, vector<1x16xf32>,
          %swap3A_340 = vector.shape_cast %swap3A_339 : vector<1x16xf32> to vector<16xf32>
          %swap3A_341 = vector.shape_cast %mul3A_336 : vector<16xf32> to vector<1x16xf32>
          tpu.vector_store %arg12[%swap3A_337, %swap3A_338], %swap3A_341 {strides = array<i32>} : memref<64x128xf32, #tpu.memory_space<vmem>>, vector<1x16xf32>,
          %get3A_342 = arith.index_cast %scan3A_292 : i32 to index
          %get3A_343 = arith.constant 48 : index
          %get3A_344 = tpu.vector_load %arg12[%get3A_342, %get3A_343] {strides = array<i32>} : memref<64x128xf32, #tpu.memory_space<vmem>>, vector<1x16xf32>,
          %get3A_345 = vector.shape_cast %get3A_344 : vector<1x16xf32> to vector<16xf32>
          %get3A_346 = arith.index_cast %scan3A_292 : i32 to index
          %get3A_347 = arith.constant 48 : index
          %get3A_348 = tpu.vector_load %arg14[%get3A_346, %get3A_347] {strides = array<i32>} : memref<64x128xf32, #tpu.memory_space<vmem>>, vector<1x16xf32>,
          %get3A_349 = vector.shape_cast %get3A_348 : vector<1x16xf32> to vector<16xf32>
          %add3A_350 = arith.addf %get3A_345, %get3A_349 : vector<16xf32>
          %mul3A_351 = arith.constant 5.000000e-01 : f32
          %mul3A_352 = vector.broadcast %mul3A_351 : f32 to vector<16xf32>
          %mul3A_353 = arith.mulf %add3A_350, %mul3A_352 : vector<16xf32>
          %swap3A_354 = arith.index_cast %scan3A_292 : i32 to index
          %swap3A_355 = arith.constant 48 : index
          %swap3A_356 = tpu.vector_load %arg12[%swap3A_354, %swap3A_355] {strides = array<i32>} : memref<64x128xf32, #tpu.memory_space<vmem>>, vector<1x16xf32>,
          %swap3A_357 = vector.shape_cast %swap3A_356 : vector<1x16xf32> to vector<16xf32>
          %swap3A_358 = vector.shape_cast %mul3A_353 : vector<16xf32> to vector<1x16xf32>
          tpu.vector_store %arg12[%swap3A_354, %swap3A_355], %swap3A_358 {strides = array<i32>} : memref<64x128xf32, #tpu.memory_space<vmem>>, vector<1x16xf32>,
          %get3A_359 = arith.index_cast %scan3A_292 : i32 to index
          %get3A_360 = arith.constant 64 : index
          %get3A_361 = tpu.vector_load %arg12[%get3A_359, %get3A_360] {strides = array<i32>} : memref<64x128xf32, #tpu.memory_space<vmem>>, vector<1x16xf32>,
          %get3A_362 = vector.shape_cast %get3A_361 : vector<1x16xf32> to vector<16xf32>
          %get3A_363 = arith.index_cast %scan3A_292 : i32 to index
          %get3A_364 = arith.constant 64 : index
          %get3A_365 = tpu.vector_load %arg14[%get3A_363, %get3A_364] {strides = array<i32>} : memref<64x128xf32, #tpu.memory_space<vmem>>, vector<1x16xf32>,
          %get3A_366 = vector.shape_cast %get3A_365 : vector<1x16xf32> to vector<16xf32>
          %add3A_367 = arith.addf %get3A_362, %get3A_366 : vector<16xf32>
          %mul3A_368 = arith.constant 5.000000e-01 : f32
          %mul3A_369 = vector.broadcast %mul3A_368 : f32 to vector<16xf32>
          %mul3A_370 = arith.mulf %add3A_367, %mul3A_369 : vector<16xf32>
          %swap3A_371 = arith.index_cast %scan3A_292 : i32 to index
          %swap3A_372 = arith.constant 64 : index
          %swap3A_373 = tpu.vector_load %arg12[%swap3A_371, %swap3A_372] {strides = array<i32>} : memref<64x128xf32, #tpu.memory_space<vmem>>, vector<1x16xf32>,
          %swap3A_374 = vector.shape_cast %swap3A_373 : vector<1x16xf32> to vector<16xf32>
          %swap3A_375 = vector.shape_cast %mul3A_370 : vector<16xf32> to vector<1x16xf32>
          tpu.vector_store %arg12[%swap3A_371, %swap3A_372], %swap3A_375 {strides = array<i32>} : memref<64x128xf32, #tpu.memory_space<vmem>>, vector<1x16xf32>,
          %get3A_376 = arith.index_cast %scan3A_292 : i32 to index
          %get3A_377 = arith.constant 80 : index
          %get3A_378 = tpu.vector_load %arg12[%get3A_376, %get3A_377] {strides = array<i32>} : memref<64x128xf32, #tpu.memory_space<vmem>>, vector<1x16xf32>,
          %get3A_379 = vector.shape_cast %get3A_378 : vector<1x16xf32> to vector<16xf32>
          %get3A_380 = arith.index_cast %scan3A_292 : i32 to index
          %get3A_381 = arith.constant 80 : index
          %get3A_382 = tpu.vector_load %arg14[%get3A_380, %get3A_381] {strides = array<i32>} : memref<64x128xf32, #tpu.memory_space<vmem>>, vector<1x16xf32>,
          %get3A_383 = vector.shape_cast %get3A_382 : vector<1x16xf32> to vector<16xf32>
          %add3A_384 = arith.addf %get3A_379, %get3A_383 : vector<16xf32>
          %mul3A_385 = arith.constant 5.000000e-01 : f32
          %mul3A_386 = vector.broadcast %mul3A_385 : f32 to vector<16xf32>
          %mul3A_387 = arith.mulf %add3A_384, %mul3A_386 : vector<16xf32>
          %swap3A_388 = arith.index_cast %scan3A_292 : i32 to index
          %swap3A_389 = arith.constant 80 : index
          %swap3A_390 = tpu.vector_load %arg12[%swap3A_388, %swap3A_389] {strides = array<i32>} : memref<64x128xf32, #tpu.memory_space<vmem>>, vector<1x16xf32>,
          %swap3A_391 = vector.shape_cast %swap3A_390 : vector<1x16xf32> to vector<16xf32>
          %swap3A_392 = vector.shape_cast %mul3A_387 : vector<16xf32> to vector<1x16xf32>
          tpu.vector_store %arg12[%swap3A_388, %swap3A_389], %swap3A_392 {strides = array<i32>} : memref<64x128xf32, #tpu.memory_space<vmem>>, vector<1x16xf32>,
          %get3A_393 = arith.index_cast %scan3A_292 : i32 to index
          %get3A_394 = arith.constant 96 : index
          %get3A_395 = tpu.vector_load %arg12[%get3A_393, %get3A_394] {strides = array<i32>} : memref<64x128xf32, #tpu.memory_space<vmem>>, vector<1x16xf32>,
          %get3A_396 = vector.shape_cast %get3A_395 : vector<1x16xf32> to vector<16xf32>
          %get3A_397 = arith.index_cast %scan3A_292 : i32 to index
          %get3A_398 = arith.constant 96 : index
          %get3A_399 = tpu.vector_load %arg14[%get3A_397, %get3A_398] {strides = array<i32>} : memref<64x128xf32, #tpu.memory_space<vmem>>, vector<1x16xf32>,
          %get3A_400 = vector.shape_cast %get3A_399 : vector<1x16xf32> to vector<16xf32>
          %add3A_401 = arith.addf %get3A_396, %get3A_400 : vector<16xf32>
          %mul3A_402 = arith.constant 5.000000e-01 : f32
          %mul3A_403 = vector.broadcast %mul3A_402 : f32 to vector<16xf32>
          %mul3A_404 = arith.mulf %add3A_401, %mul3A_403 : vector<16xf32>
          %swap3A_405 = arith.index_cast %scan3A_292 : i32 to index
          %swap3A_406 = arith.constant 96 : index
          %swap3A_407 = tpu.vector_load %arg12[%swap3A_405, %swap3A_406] {strides = array<i32>} : memref<64x128xf32, #tpu.memory_space<vmem>>, vector<1x16xf32>,
          %swap3A_408 = vector.shape_cast %swap3A_407 : vector<1x16xf32> to vector<16xf32>
          %swap3A_409 = vector.shape_cast %mul3A_404 : vector<16xf32> to vector<1x16xf32>
          tpu.vector_store %arg12[%swap3A_405, %swap3A_406], %swap3A_409 {strides = array<i32>} : memref<64x128xf32, #tpu.memory_space<vmem>>, vector<1x16xf32>,
          %get3A_410 = arith.index_cast %scan3A_292 : i32 to index
          %get3A_411 = arith.constant 112 : index
          %get3A_412 = tpu.vector_load %arg12[%get3A_410, %get3A_411] {strides = array<i32>} : memref<64x128xf32, #tpu.memory_space<vmem>>, vector<1x16xf32>,
          %get3A_413 = vector.shape_cast %get3A_412 : vector<1x16xf32> to vector<16xf32>
          %get3A_414 = arith.index_cast %scan3A_292 : i32 to index
          %get3A_415 = arith.constant 112 : index
          %get3A_416 = tpu.vector_load %arg14[%get3A_414, %get3A_415] {strides = array<i32>} : memref<64x128xf32, #tpu.memory_space<vmem>>, vector<1x16xf32>,
          %get3A_417 = vector.shape_cast %get3A_416 : vector<1x16xf32> to vector<16xf32>
          %add3A_418 = arith.addf %get3A_413, %get3A_417 : vector<16xf32>
          %mul3A_419 = arith.constant 5.000000e-01 : f32
          %mul3A_420 = vector.broadcast %mul3A_419 : f32 to vector<16xf32>
          %mul3A_421 = arith.mulf %add3A_418, %mul3A_420 : vector<16xf32>
          %swap3A_422 = arith.index_cast %scan3A_292 : i32 to index
          %swap3A_423 = arith.constant 112 : index
          %swap3A_424 = tpu.vector_load %arg12[%swap3A_422, %swap3A_423] {strides = array<i32>} : memref<64x128xf32, #tpu.memory_space<vmem>>, vector<1x16xf32>,
          %swap3A_425 = vector.shape_cast %swap3A_424 : vector<1x16xf32> to vector<16xf32>
          %swap3A_426 = vector.shape_cast %mul3A_421 : vector<16xf32> to vector<1x16xf32>
          tpu.vector_store %arg12[%swap3A_422, %swap3A_423], %swap3A_426 {strides = array<i32>} : memref<64x128xf32, #tpu.memory_space<vmem>>, vector<1x16xf32>,
        }
        %scan3A_279 = arith.constant 64 : i32
        %add3A_280 = arith.addi %add3A_53, %add3A_257 : i32
        %mul3A_281 = arith.constant 64 : i32
        %mul3A_282 = arith.muli %add3A_280, %mul3A_281 : i32
        %add3A_283 = arith.constant 10000 : i32
        %add3A_284 = arith.addi %add3A_283, %mul3A_282 : i32
        %dma_start3A_285 = arith.constant 2 : i32
        %dma_start3A_286 = arith.constant 0 : i32
        %dma_start3A_287 = tpu.memref_slice %arg5[%dma_start3A_285, %add3A_284, %dma_start3A_286] : memref<4x170000x128xf32, #tpu.memory_space<hbm>> -> memref<1x64x128xf32, #tpu.memory_space<hbm>>
        %dma_start3A_288 = tpu.memref_squeeze %dma_start3A_287 : memref<1x64x128xf32, #tpu.memory_space<hbm>> -> memref<64x128xf32, #tpu.memory_space<hbm>>
        %dma_start3A_289 = arith.constant 0 : i32
        %dma_start3A_290 = tpu.memref_slice %arg5[%dma_start3A_285, %add3A_284, %dma_start3A_289] : memref<4x170000x128xf32, #tpu.memory_space<hbm>> -> memref<1x64x128xf32, #tpu.memory_space<hbm>>
        %dma_start3A_291 = tpu.memref_squeeze %dma_start3A_290 : memref<1x64x128xf32, #tpu.memory_space<hbm>> -> memref<64x128xf32, #tpu.memory_space<hbm>>
        tpu.enqueue_dma source(%arg12 : memref<64x128xf32, #tpu.memory_space<vmem>>) target(%dma_start3A_291 : memref<64x128xf32, #tpu.memory_space<hbm>>) target_semaphore(%arg18 : memref<!tpu.dma_semaphore, #tpu.memory_space<semaphore_mem>>)
      } else {
      }
    }
    %scan3A_169 = arith.constant 40 : i32
    %dma_wait3A_170 = arith.constant 0 : i32
    %dma_wait3A_171 = arith.constant 10000 : i32
    %dma_wait3A_172 = arith.constant 0 : i32
    %dma_wait3A_173 = tpu.memref_slice %arg5[%dma_wait3A_170, %dma_wait3A_171, %dma_wait3A_172] : memref<4x170000x128xf32, #tpu.memory_space<hbm>> -> memref<1x64x128xf32, #tpu.memory_space<hbm>>
    %dma_wait3A_174 = tpu.memref_squeeze %dma_wait3A_173 : memref<1x64x128xf32, #tpu.memory_space<hbm>> -> memref<64x128xf32, #tpu.memory_space<hbm>>
    %dma_wait3A_175 = arith.constant 10000 : i32
    %dma_wait3A_176 = arith.constant 0 : i32
    %dma_wait3A_177 = tpu.memref_slice %arg5[%dma_wait3A_170, %dma_wait3A_175, %dma_wait3A_176] : memref<4x170000x128xf32, #tpu.memory_space<hbm>> -> memref<1x64x128xf32, #tpu.memory_space<hbm>>
    %dma_wait3A_178 = tpu.memref_squeeze %dma_wait3A_177 : memref<1x64x128xf32, #tpu.memory_space<hbm>> -> memref<64x128xf32, #tpu.memory_space<hbm>>
    tpu.wait_dma2 semaphore(%arg17 : memref<!tpu.dma_semaphore, #tpu.memory_space<semaphore_mem>>) src(%arg11 : memref<64x128xf32, #tpu.memory_space<vmem>>) dst(%dma_wait3A_178 : memref<64x128xf32, #tpu.memory_space<hbm>>)
    %dma_wait3A_179 = arith.constant 0 : i32
    %dma_wait3A_180 = arith.constant 10000 : i32
    %dma_wait3A_181 = arith.constant 0 : i32
    %dma_wait3A_182 = tpu.memref_slice %arg5[%dma_wait3A_179, %dma_wait3A_180, %dma_wait3A_181] : memref<4x170000x128xf32, #tpu.memory_space<hbm>> -> memref<1x64x128xf32, #tpu.memory_space<hbm>>
    %dma_wait3A_183 = tpu.memref_squeeze %dma_wait3A_182 : memref<1x64x128xf32, #tpu.memory_space<hbm>> -> memref<64x128xf32, #tpu.memory_space<hbm>>
    %dma_wait3A_184 = arith.constant 10000 : i32
    %dma_wait3A_185 = arith.constant 0 : i32
    %dma_wait3A_186 = tpu.memref_slice %arg5[%dma_wait3A_179, %dma_wait3A_184, %dma_wait3A_185] : memref<4x170000x128xf32, #tpu.memory_space<hbm>> -> memref<1x64x128xf32, #tpu.memory_space<hbm>>
    %dma_wait3A_187 = tpu.memref_squeeze %dma_wait3A_186 : memref<1x64x128xf32, #tpu.memory_space<hbm>> -> memref<64x128xf32, #tpu.memory_space<hbm>>
    tpu.wait_dma2 semaphore(%arg18 : memref<!tpu.dma_semaphore, #tpu.memory_space<semaphore_mem>>) src(%arg12 : memref<64x128xf32, #tpu.memory_space<vmem>>) dst(%dma_wait3A_187 : memref<64x128xf32, #tpu.memory_space<hbm>>)
    %barrier3A_188 = arith.constant 0 : index
    tpu.barrier barrier_id(%barrier3A_188)
    %lt3A_189 = arith.constant 15 : i32
    %lt3A_190 = arith.cmpi slt, %arg1, %lt3A_189 : i32
    %convert_element_type3A_191 = arith.extui %lt3A_190 : i1 to i32
    %cond3A_192 = arith.constant 0 : i32
    %cond3A_193 = arith.cmpi ne, %convert_element_type3A_191, %cond3A_192 : i32
    scf.if %cond3A_193 {
      %mul3A_245 = arith.constant 640 : i32
      %mul3A_246 = arith.muli %arg1, %mul3A_245 : i32
      %add3A_247 = arith.constant 30000 : i32
      %add3A_248 = arith.addi %add3A_247, %mul3A_246 : i32
      %mul3A_249 = arith.constant 640 : i32
      %mul3A_250 = arith.muli %arg1, %mul3A_249 : i32
      "tpu.region"() ({
        %run_scoped3A = tpu.sem_alloc : memref<!tpu.dma_semaphore, #tpu.memory_space<semaphore_mem>>
        %dma_start3A_251 = arith.constant 0 : i32
        %dma_start3A_252 = tpu.memref_slice %arg6[%mul3A_250, %dma_start3A_251] : memref<10000x128xf32, #tpu.memory_space<vmem_shared>> -> memref<640x128xf32, #tpu.memory_space<vmem_shared>>
        %dma_start3A_253 = arith.constant 0 : i32
        %dma_start3A_254 = tpu.memref_slice %arg2[%add3A_248, %dma_start3A_253] : memref<40000x128xf32, #tpu.memory_space<hbm>> -> memref<640x128xf32, #tpu.memory_space<hbm>>
        tpu.enqueue_dma source(%dma_start3A_254 : memref<640x128xf32, #tpu.memory_space<hbm>>) target(%dma_start3A_252 : memref<640x128xf32, #tpu.memory_space<vmem_shared>>) target_semaphore(%run_scoped3A : memref<!tpu.dma_semaphore, #tpu.memory_space<semaphore_mem>>)
        %dma_wait3A_255 = arith.constant 0 : i32
        %dma_wait3A_256 = tpu.memref_slice %arg6[%mul3A_250, %dma_wait3A_255] : memref<10000x128xf32, #tpu.memory_space<vmem_shared>> -> memref<640x128xf32, #tpu.memory_space<vmem_shared>>
        %dma_wait3A_257 = arith.constant 0 : i32
        %dma_wait3A_258 = tpu.memref_slice %arg2[%add3A_248, %dma_wait3A_257] : memref<40000x128xf32, #tpu.memory_space<hbm>> -> memref<640x128xf32, #tpu.memory_space<hbm>>
        tpu.wait_dma2 semaphore(%run_scoped3A : memref<!tpu.dma_semaphore, #tpu.memory_space<semaphore_mem>>) src(%dma_wait3A_258 : memref<640x128xf32, #tpu.memory_space<hbm>>) dst(%dma_wait3A_256 : memref<640x128xf32, #tpu.memory_space<vmem_shared>>)
        tpu.yield
      }) : () -> ()
    } else {
    }
    %eq3A_194 = arith.constant 15 : i32
    %eq3A_195 = arith.cmpi eq, %arg1, %eq3A_194 : i32
    %convert_element_type3A_196 = arith.extui %eq3A_195 : i1 to i32
    %cond3A_197 = arith.constant 0 : i32
    %cond3A_198 = arith.cmpi ne, %convert_element_type3A_196, %cond3A_197 : i32
    scf.if %cond3A_198 {
      "tpu.region"() ({
        %run_scoped3A = tpu.sem_alloc : memref<!tpu.dma_semaphore, #tpu.memory_space<semaphore_mem>>
        %dma_start3A_245 = arith.constant 9600 : i32
        %dma_start3A_246 = arith.constant 0 : i32
        %dma_start3A_247 = tpu.memref_slice %arg6[%dma_start3A_245, %dma_start3A_246] : memref<10000x128xf32, #tpu.memory_space<vmem_shared>> -> memref<400x128xf32, #tpu.memory_space<vmem_shared>>
        %dma_start3A_248 = arith.constant 39600 : i32
        %dma_start3A_249 = arith.constant 0 : i32
        %dma_start3A_250 = tpu.memref_slice %arg2[%dma_start3A_248, %dma_start3A_249] : memref<40000x128xf32, #tpu.memory_space<hbm>> -> memref<400x128xf32, #tpu.memory_space<hbm>>
        tpu.enqueue_dma source(%dma_start3A_250 : memref<400x128xf32, #tpu.memory_space<hbm>>) target(%dma_start3A_247 : memref<400x128xf32, #tpu.memory_space<vmem_shared>>) target_semaphore(%run_scoped3A : memref<!tpu.dma_semaphore, #tpu.memory_space<semaphore_mem>>)
        %dma_wait3A_251 = arith.constant 9600 : i32
        %dma_wait3A_252 = arith.constant 0 : i32
        %dma_wait3A_253 = tpu.memref_slice %arg6[%dma_wait3A_251, %dma_wait3A_252] : memref<10000x128xf32, #tpu.memory_space<vmem_shared>> -> memref<400x128xf32, #tpu.memory_space<vmem_shared>>
        %dma_wait3A_254 = arith.constant 39600 : i32
        %dma_wait3A_255 = arith.constant 0 : i32
        %dma_wait3A_256 = tpu.memref_slice %arg2[%dma_wait3A_254, %dma_wait3A_255] : memref<40000x128xf32, #tpu.memory_space<hbm>> -> memref<400x128xf32, #tpu.memory_space<hbm>>
        tpu.wait_dma2 semaphore(%run_scoped3A : memref<!tpu.dma_semaphore, #tpu.memory_space<semaphore_mem>>) src(%dma_wait3A_256 : memref<400x128xf32, #tpu.memory_space<hbm>>) dst(%dma_wait3A_253 : memref<400x128xf32, #tpu.memory_space<vmem_shared>>)
        tpu.yield
      }) : () -> ()
    } else {
    }
    %barrier3A_199 = arith.constant 0 : index
    tpu.barrier barrier_id(%barrier3A_199)
    %mul3A_200 = arith.constant 64 : i32
    %mul3A_201 = arith.muli %add3A_53, %mul3A_200 : i32
    "tpu.region"() ({
      %run_scoped3A = tpu.sem_alloc : memref<!tpu.dma_semaphore, #tpu.memory_space<semaphore_mem>>
      %dma_start3A_245 = tpu.memref_slice %arg3[%mul3A_201] : memref<160000xi32, #tpu.memory_space<hbm>> -> memref<64xi32, #tpu.memory_space<hbm>>
      %dma_start3A_246 = tpu.memref_slice %arg3[%mul3A_201] : memref<160000xi32, #tpu.memory_space<hbm>> -> memref<64xi32, #tpu.memory_space<hbm>>
      tpu.enqueue_dma source(%dma_start3A_246 : memref<64xi32, #tpu.memory_space<hbm>>) target(%arg7 : memref<64xi32, #tpu.memory_space<vmem>>) target_semaphore(%run_scoped3A : memref<!tpu.dma_semaphore, #tpu.memory_space<semaphore_mem>>)
      %dma_wait3A_247 = tpu.memref_slice %arg3[%mul3A_201] : memref<160000xi32, #tpu.memory_space<hbm>> -> memref<64xi32, #tpu.memory_space<hbm>>
      %dma_wait3A_248 = tpu.memref_slice %arg3[%mul3A_201] : memref<160000xi32, #tpu.memory_space<hbm>> -> memref<64xi32, #tpu.memory_space<hbm>>
      tpu.wait_dma2 semaphore(%run_scoped3A : memref<!tpu.dma_semaphore, #tpu.memory_space<semaphore_mem>>) src(%dma_wait3A_248 : memref<64xi32, #tpu.memory_space<hbm>>) dst(%arg7 : memref<64xi32, #tpu.memory_space<vmem>>)
      tpu.yield
    }) : () -> ()
    %mul3A_202 = arith.constant 64 : i32
    %mul3A_203 = arith.muli %add3A_53, %mul3A_202 : i32
    "tpu.region"() ({
      %run_scoped3A = tpu.sem_alloc : memref<!tpu.dma_semaphore, #tpu.memory_space<semaphore_mem>>
      %dma_start3A_245 = tpu.memref_slice %arg4[%mul3A_203] : memref<160000xi32, #tpu.memory_space<hbm>> -> memref<64xi32, #tpu.memory_space<hbm>>
      %dma_start3A_246 = tpu.memref_slice %arg4[%mul3A_203] : memref<160000xi32, #tpu.memory_space<hbm>> -> memref<64xi32, #tpu.memory_space<hbm>>
      tpu.enqueue_dma source(%dma_start3A_246 : memref<64xi32, #tpu.memory_space<hbm>>) target(%arg9 : memref<64xi32, #tpu.memory_space<vmem>>) target_semaphore(%run_scoped3A : memref<!tpu.dma_semaphore, #tpu.memory_space<semaphore_mem>>)
      %dma_wait3A_247 = tpu.memref_slice %arg4[%mul3A_203] : memref<160000xi32, #tpu.memory_space<hbm>> -> memref<64xi32, #tpu.memory_space<hbm>>
      %dma_wait3A_248 = tpu.memref_slice %arg4[%mul3A_203] : memref<160000xi32, #tpu.memory_space<hbm>> -> memref<64xi32, #tpu.memory_space<hbm>>
      tpu.wait_dma2 semaphore(%run_scoped3A : memref<!tpu.dma_semaphore, #tpu.memory_space<semaphore_mem>>) src(%dma_wait3A_248 : memref<64xi32, #tpu.memory_space<hbm>>) dst(%arg9 : memref<64xi32, #tpu.memory_space<vmem>>)
      tpu.yield
    }) : () -> ()
    %dma_start3A_204 = arith.constant 0 : i32
    %dma_start3A_205 = arith.constant 0 : i32
    %dma_start3A_206 = tpu.memref_slice %arg6[%dma_start3A_204, %dma_start3A_205] : memref<10000x128xf32, #tpu.memory_space<vmem_shared>> -> memref<10000x128xf32, #tpu.memory_space<vmem_shared>>
    tpu.enqueue_indirect_dma source(%dma_start3A_206 : memref<10000x128xf32, #tpu.memory_space<vmem_shared>>) target(%arg11 : memref<64x128xf32, #tpu.memory_space<vmem>>) offsets(%arg7 : memref<64xi32, #tpu.memory_space<vmem>>) semaphore(%arg15 : memref<!tpu.dma_semaphore, #tpu.memory_space<semaphore_mem>>)
    %dma_start3A_207 = arith.constant 0 : i32
    %dma_start3A_208 = arith.constant 0 : i32
    %dma_start3A_209 = tpu.memref_slice %arg6[%dma_start3A_207, %dma_start3A_208] : memref<10000x128xf32, #tpu.memory_space<vmem_shared>> -> memref<10000x128xf32, #tpu.memory_space<vmem_shared>>
    tpu.enqueue_indirect_dma source(%dma_start3A_209 : memref<10000x128xf32, #tpu.memory_space<vmem_shared>>) target(%arg13 : memref<64x128xf32, #tpu.memory_space<vmem>>) offsets(%arg9 : memref<64xi32, #tpu.memory_space<vmem>>) semaphore(%arg15 : memref<!tpu.dma_semaphore, #tpu.memory_space<semaphore_mem>>)
    %scan3A_210 = arith.constant 0 : i32
    %scan3A_211 = arith.constant 0 : i32
    %scan3A_212 = arith.constant 40 : i32
    %scan3A_213 = arith.addi %scan3A_211, %scan3A_212 : i32
    %scan3A_214 = arith.constant 1 : i32
    scf.for %scan3A_245 = %scan3A_211 to %scan3A_213 step %scan3A_214  : i32 {
      %mul3A_246 = arith.constant 2 : i32
      %mul3A_247 = arith.muli %mul3A_246, %scan3A_245 : i32
      %add3A_248 = arith.constant 0 : i32
      %add3A_249 = arith.addi %mul3A_247, %add3A_248 : i32
      %lt3A_250 = arith.cmpi slt, %add3A_249, %add3A_49 : i32
      %convert_element_type3A_251 = arith.extui %lt3A_250 : i1 to i32
      %cond3A_252 = arith.constant 0 : i32
      %cond3A_253 = arith.cmpi ne, %convert_element_type3A_251, %cond3A_252 : i32
      scf.if %cond3A_253 {
        %add3A_262 = arith.constant 1 : i32
        %add3A_263 = arith.addi %add3A_249, %add3A_262 : i32
        %lt3A_264 = arith.cmpi slt, %add3A_263, %add3A_49 : i32
        %convert_element_type3A_265 = arith.extui %lt3A_264 : i1 to i32
        %cond3A_266 = arith.constant 0 : i32
        %cond3A_267 = arith.cmpi ne, %convert_element_type3A_265, %cond3A_266 : i32
        scf.if %cond3A_267 {
          %ge3A = arith.constant 1 : i32
          %ge3A_292 = arith.cmpi sge, %add3A_249, %ge3A : i32
          %convert_element_type3A_293 = arith.extui %ge3A_292 : i1 to i32
          %cond3A_294 = arith.constant 0 : i32
          %cond3A_295 = arith.cmpi ne, %convert_element_type3A_293, %cond3A_294 : i32
          scf.if %cond3A_295 {
            %dma_wait3A_309 = arith.constant 0 : i32
            %dma_wait3A_310 = arith.constant 10000 : i32
            %dma_wait3A_311 = arith.constant 0 : i32
            %dma_wait3A_312 = tpu.memref_slice %arg5[%dma_wait3A_309, %dma_wait3A_310, %dma_wait3A_311] : memref<4x170000x128xf32, #tpu.memory_space<hbm>> -> memref<1x64x128xf32, #tpu.memory_space<hbm>>
            %dma_wait3A_313 = tpu.memref_squeeze %dma_wait3A_312 : memref<1x64x128xf32, #tpu.memory_space<hbm>> -> memref<64x128xf32, #tpu.memory_space<hbm>>
            %dma_wait3A_314 = arith.constant 10000 : i32
            %dma_wait3A_315 = arith.constant 0 : i32
            %dma_wait3A_316 = tpu.memref_slice %arg5[%dma_wait3A_309, %dma_wait3A_314, %dma_wait3A_315] : memref<4x170000x128xf32, #tpu.memory_space<hbm>> -> memref<1x64x128xf32, #tpu.memory_space<hbm>>
            %dma_wait3A_317 = tpu.memref_squeeze %dma_wait3A_316 : memref<1x64x128xf32, #tpu.memory_space<hbm>> -> memref<64x128xf32, #tpu.memory_space<hbm>>
            tpu.wait_dma2 semaphore(%arg18 : memref<!tpu.dma_semaphore, #tpu.memory_space<semaphore_mem>>) src(%arg12 : memref<64x128xf32, #tpu.memory_space<vmem>>) dst(%dma_wait3A_317 : memref<64x128xf32, #tpu.memory_space<hbm>>)
          } else {
          }
          %add3A_296 = arith.addi %add3A_53, %add3A_249 : i32
          %add3A_297 = arith.constant 1 : i32
          %add3A_298 = arith.addi %add3A_296, %add3A_297 : i32
          %mul3A_299 = arith.constant 64 : i32
          %mul3A_300 = arith.muli %add3A_298, %mul3A_299 : i32
          "tpu.region"() ({
            %run_scoped3A = tpu.sem_alloc : memref<!tpu.dma_semaphore, #tpu.memory_space<semaphore_mem>>
            %dma_start3A_309 = tpu.memref_slice %arg3[%mul3A_300] : memref<160000xi32, #tpu.memory_space<hbm>> -> memref<64xi32, #tpu.memory_space<hbm>>
            %dma_start3A_310 = tpu.memref_slice %arg3[%mul3A_300] : memref<160000xi32, #tpu.memory_space<hbm>> -> memref<64xi32, #tpu.memory_space<hbm>>
            tpu.enqueue_dma source(%dma_start3A_310 : memref<64xi32, #tpu.memory_space<hbm>>) target(%arg8 : memref<64xi32, #tpu.memory_space<vmem>>) target_semaphore(%run_scoped3A : memref<!tpu.dma_semaphore, #tpu.memory_space<semaphore_mem>>)
            %dma_wait3A_311 = tpu.memref_slice %arg3[%mul3A_300] : memref<160000xi32, #tpu.memory_space<hbm>> -> memref<64xi32, #tpu.memory_space<hbm>>
            %dma_wait3A_312 = tpu.memref_slice %arg3[%mul3A_300] : memref<160000xi32, #tpu.memory_space<hbm>> -> memref<64xi32, #tpu.memory_space<hbm>>
            tpu.wait_dma2 semaphore(%run_scoped3A : memref<!tpu.dma_semaphore, #tpu.memory_space<semaphore_mem>>) src(%dma_wait3A_312 : memref<64xi32, #tpu.memory_space<hbm>>) dst(%arg8 : memref<64xi32, #tpu.memory_space<vmem>>)
            tpu.yield
          }) : () -> ()
          %mul3A_301 = arith.constant 64 : i32
          %mul3A_302 = arith.muli %add3A_298, %mul3A_301 : i32
          "tpu.region"() ({
            %run_scoped3A = tpu.sem_alloc : memref<!tpu.dma_semaphore, #tpu.memory_space<semaphore_mem>>
            %dma_start3A_309 = tpu.memref_slice %arg4[%mul3A_302] : memref<160000xi32, #tpu.memory_space<hbm>> -> memref<64xi32, #tpu.memory_space<hbm>>
            %dma_start3A_310 = tpu.memref_slice %arg4[%mul3A_302] : memref<160000xi32, #tpu.memory_space<hbm>> -> memref<64xi32, #tpu.memory_space<hbm>>
            tpu.enqueue_dma source(%dma_start3A_310 : memref<64xi32, #tpu.memory_space<hbm>>) target(%arg10 : memref<64xi32, #tpu.memory_space<vmem>>) target_semaphore(%run_scoped3A : memref<!tpu.dma_semaphore, #tpu.memory_space<semaphore_mem>>)
            %dma_wait3A_311 = tpu.memref_slice %arg4[%mul3A_302] : memref<160000xi32, #tpu.memory_space<hbm>> -> memref<64xi32, #tpu.memory_space<hbm>>
            %dma_wait3A_312 = tpu.memref_slice %arg4[%mul3A_302] : memref<160000xi32, #tpu.memory_space<hbm>> -> memref<64xi32, #tpu.memory_space<hbm>>
            tpu.wait_dma2 semaphore(%run_scoped3A : memref<!tpu.dma_semaphore, #tpu.memory_space<semaphore_mem>>) src(%dma_wait3A_312 : memref<64xi32, #tpu.memory_space<hbm>>) dst(%arg10 : memref<64xi32, #tpu.memory_space<vmem>>)
            tpu.yield
          }) : () -> ()
          %dma_start3A_303 = arith.constant 0 : i32
          %dma_start3A_304 = arith.constant 0 : i32
          %dma_start3A_305 = tpu.memref_slice %arg6[%dma_start3A_303, %dma_start3A_304] : memref<10000x128xf32, #tpu.memory_space<vmem_shared>> -> memref<10000x128xf32, #tpu.memory_space<vmem_shared>>
          tpu.enqueue_indirect_dma source(%dma_start3A_305 : memref<10000x128xf32, #tpu.memory_space<vmem_shared>>) target(%arg12 : memref<64x128xf32, #tpu.memory_space<vmem>>) offsets(%arg8 : memref<64xi32, #tpu.memory_space<vmem>>) semaphore(%arg16 : memref<!tpu.dma_semaphore, #tpu.memory_space<semaphore_mem>>)
          %dma_start3A_306 = arith.constant 0 : i32
          %dma_start3A_307 = arith.constant 0 : i32
          %dma_start3A_308 = tpu.memref_slice %arg6[%dma_start3A_306, %dma_start3A_307] : memref<10000x128xf32, #tpu.memory_space<vmem_shared>> -> memref<10000x128xf32, #tpu.memory_space<vmem_shared>>
          tpu.enqueue_indirect_dma source(%dma_start3A_308 : memref<10000x128xf32, #tpu.memory_space<vmem_shared>>) target(%arg14 : memref<64x128xf32, #tpu.memory_space<vmem>>) offsets(%arg10 : memref<64xi32, #tpu.memory_space<vmem>>) semaphore(%arg16 : memref<!tpu.dma_semaphore, #tpu.memory_space<semaphore_mem>>)
        } else {
        }
        %dma_wait3A_268 = arith.constant 0 : i32
        %dma_wait3A_269 = arith.constant 0 : i32
        %dma_wait3A_270 = tpu.memref_slice %arg6[%dma_wait3A_268, %dma_wait3A_269] : memref<10000x128xf32, #tpu.memory_space<vmem_shared>> -> memref<10000x128xf32, #tpu.memory_space<vmem_shared>>
        tpu.wait_indirect_dma semaphore(%arg15 : memref<!tpu.dma_semaphore, #tpu.memory_space<semaphore_mem>>) src(%dma_wait3A_270 : memref<10000x128xf32, #tpu.memory_space<vmem_shared>>) dst(%arg11 : memref<64x128xf32, #tpu.memory_space<vmem>>)
        %dma_wait3A_271 = arith.constant 0 : i32
        %dma_wait3A_272 = arith.constant 0 : i32
        %dma_wait3A_273 = tpu.memref_slice %arg6[%dma_wait3A_271, %dma_wait3A_272] : memref<10000x128xf32, #tpu.memory_space<vmem_shared>> -> memref<10000x128xf32, #tpu.memory_space<vmem_shared>>
        tpu.wait_indirect_dma semaphore(%arg15 : memref<!tpu.dma_semaphore, #tpu.memory_space<semaphore_mem>>) src(%dma_wait3A_273 : memref<10000x128xf32, #tpu.memory_space<vmem_shared>>) dst(%arg13 : memref<64x128xf32, #tpu.memory_space<vmem>>)
        %scan3A_274 = arith.constant 0 : i32
        %scan3A_275 = arith.constant 0 : i32
        %scan3A_276 = arith.constant 64 : i32
        %scan3A_277 = arith.addi %scan3A_275, %scan3A_276 : i32
        %scan3A_278 = arith.constant 1 : i32
        scf.for %scan3A_292 = %scan3A_275 to %scan3A_277 step %scan3A_278  : i32 {
          %get3A = arith.index_cast %scan3A_292 : i32 to index
          %get3A_293 = arith.constant 0 : index
          %get3A_294 = tpu.vector_load %arg11[%get3A, %get3A_293] {strides = array<i32>} : memref<64x128xf32, #tpu.memory_space<vmem>>, vector<1x16xf32>,
          %get3A_295 = vector.shape_cast %get3A_294 : vector<1x16xf32> to vector<16xf32>
          %get3A_296 = arith.index_cast %scan3A_292 : i32 to index
          %get3A_297 = arith.constant 0 : index
          %get3A_298 = tpu.vector_load %arg13[%get3A_296, %get3A_297] {strides = array<i32>} : memref<64x128xf32, #tpu.memory_space<vmem>>, vector<1x16xf32>,
          %get3A_299 = vector.shape_cast %get3A_298 : vector<1x16xf32> to vector<16xf32>
          %add3A_300 = arith.addf %get3A_295, %get3A_299 : vector<16xf32>
          %mul3A_301 = arith.constant 5.000000e-01 : f32
          %mul3A_302 = vector.broadcast %mul3A_301 : f32 to vector<16xf32>
          %mul3A_303 = arith.mulf %add3A_300, %mul3A_302 : vector<16xf32>
          %swap3A = arith.index_cast %scan3A_292 : i32 to index
          %swap3A_304 = arith.constant 0 : index
          %swap3A_305 = tpu.vector_load %arg11[%swap3A, %swap3A_304] {strides = array<i32>} : memref<64x128xf32, #tpu.memory_space<vmem>>, vector<1x16xf32>,
          %swap3A_306 = vector.shape_cast %swap3A_305 : vector<1x16xf32> to vector<16xf32>
          %swap3A_307 = vector.shape_cast %mul3A_303 : vector<16xf32> to vector<1x16xf32>
          tpu.vector_store %arg11[%swap3A, %swap3A_304], %swap3A_307 {strides = array<i32>} : memref<64x128xf32, #tpu.memory_space<vmem>>, vector<1x16xf32>,
          %get3A_308 = arith.index_cast %scan3A_292 : i32 to index
          %get3A_309 = arith.constant 16 : index
          %get3A_310 = tpu.vector_load %arg11[%get3A_308, %get3A_309] {strides = array<i32>} : memref<64x128xf32, #tpu.memory_space<vmem>>, vector<1x16xf32>,
          %get3A_311 = vector.shape_cast %get3A_310 : vector<1x16xf32> to vector<16xf32>
          %get3A_312 = arith.index_cast %scan3A_292 : i32 to index
          %get3A_313 = arith.constant 16 : index
          %get3A_314 = tpu.vector_load %arg13[%get3A_312, %get3A_313] {strides = array<i32>} : memref<64x128xf32, #tpu.memory_space<vmem>>, vector<1x16xf32>,
          %get3A_315 = vector.shape_cast %get3A_314 : vector<1x16xf32> to vector<16xf32>
          %add3A_316 = arith.addf %get3A_311, %get3A_315 : vector<16xf32>
          %mul3A_317 = arith.constant 5.000000e-01 : f32
          %mul3A_318 = vector.broadcast %mul3A_317 : f32 to vector<16xf32>
          %mul3A_319 = arith.mulf %add3A_316, %mul3A_318 : vector<16xf32>
          %swap3A_320 = arith.index_cast %scan3A_292 : i32 to index
          %swap3A_321 = arith.constant 16 : index
          %swap3A_322 = tpu.vector_load %arg11[%swap3A_320, %swap3A_321] {strides = array<i32>} : memref<64x128xf32, #tpu.memory_space<vmem>>, vector<1x16xf32>,
          %swap3A_323 = vector.shape_cast %swap3A_322 : vector<1x16xf32> to vector<16xf32>
          %swap3A_324 = vector.shape_cast %mul3A_319 : vector<16xf32> to vector<1x16xf32>
          tpu.vector_store %arg11[%swap3A_320, %swap3A_321], %swap3A_324 {strides = array<i32>} : memref<64x128xf32, #tpu.memory_space<vmem>>, vector<1x16xf32>,
          %get3A_325 = arith.index_cast %scan3A_292 : i32 to index
          %get3A_326 = arith.constant 32 : index
          %get3A_327 = tpu.vector_load %arg11[%get3A_325, %get3A_326] {strides = array<i32>} : memref<64x128xf32, #tpu.memory_space<vmem>>, vector<1x16xf32>,
          %get3A_328 = vector.shape_cast %get3A_327 : vector<1x16xf32> to vector<16xf32>
          %get3A_329 = arith.index_cast %scan3A_292 : i32 to index
          %get3A_330 = arith.constant 32 : index
          %get3A_331 = tpu.vector_load %arg13[%get3A_329, %get3A_330] {strides = array<i32>} : memref<64x128xf32, #tpu.memory_space<vmem>>, vector<1x16xf32>,
          %get3A_332 = vector.shape_cast %get3A_331 : vector<1x16xf32> to vector<16xf32>
          %add3A_333 = arith.addf %get3A_328, %get3A_332 : vector<16xf32>
          %mul3A_334 = arith.constant 5.000000e-01 : f32
          %mul3A_335 = vector.broadcast %mul3A_334 : f32 to vector<16xf32>
          %mul3A_336 = arith.mulf %add3A_333, %mul3A_335 : vector<16xf32>
          %swap3A_337 = arith.index_cast %scan3A_292 : i32 to index
          %swap3A_338 = arith.constant 32 : index
          %swap3A_339 = tpu.vector_load %arg11[%swap3A_337, %swap3A_338] {strides = array<i32>} : memref<64x128xf32, #tpu.memory_space<vmem>>, vector<1x16xf32>,
          %swap3A_340 = vector.shape_cast %swap3A_339 : vector<1x16xf32> to vector<16xf32>
          %swap3A_341 = vector.shape_cast %mul3A_336 : vector<16xf32> to vector<1x16xf32>
          tpu.vector_store %arg11[%swap3A_337, %swap3A_338], %swap3A_341 {strides = array<i32>} : memref<64x128xf32, #tpu.memory_space<vmem>>, vector<1x16xf32>,
          %get3A_342 = arith.index_cast %scan3A_292 : i32 to index
          %get3A_343 = arith.constant 48 : index
          %get3A_344 = tpu.vector_load %arg11[%get3A_342, %get3A_343] {strides = array<i32>} : memref<64x128xf32, #tpu.memory_space<vmem>>, vector<1x16xf32>,
          %get3A_345 = vector.shape_cast %get3A_344 : vector<1x16xf32> to vector<16xf32>
          %get3A_346 = arith.index_cast %scan3A_292 : i32 to index
          %get3A_347 = arith.constant 48 : index
          %get3A_348 = tpu.vector_load %arg13[%get3A_346, %get3A_347] {strides = array<i32>} : memref<64x128xf32, #tpu.memory_space<vmem>>, vector<1x16xf32>,
          %get3A_349 = vector.shape_cast %get3A_348 : vector<1x16xf32> to vector<16xf32>
          %add3A_350 = arith.addf %get3A_345, %get3A_349 : vector<16xf32>
          %mul3A_351 = arith.constant 5.000000e-01 : f32
          %mul3A_352 = vector.broadcast %mul3A_351 : f32 to vector<16xf32>
          %mul3A_353 = arith.mulf %add3A_350, %mul3A_352 : vector<16xf32>
          %swap3A_354 = arith.index_cast %scan3A_292 : i32 to index
          %swap3A_355 = arith.constant 48 : index
          %swap3A_356 = tpu.vector_load %arg11[%swap3A_354, %swap3A_355] {strides = array<i32>} : memref<64x128xf32, #tpu.memory_space<vmem>>, vector<1x16xf32>,
          %swap3A_357 = vector.shape_cast %swap3A_356 : vector<1x16xf32> to vector<16xf32>
          %swap3A_358 = vector.shape_cast %mul3A_353 : vector<16xf32> to vector<1x16xf32>
          tpu.vector_store %arg11[%swap3A_354, %swap3A_355], %swap3A_358 {strides = array<i32>} : memref<64x128xf32, #tpu.memory_space<vmem>>, vector<1x16xf32>,
          %get3A_359 = arith.index_cast %scan3A_292 : i32 to index
          %get3A_360 = arith.constant 64 : index
          %get3A_361 = tpu.vector_load %arg11[%get3A_359, %get3A_360] {strides = array<i32>} : memref<64x128xf32, #tpu.memory_space<vmem>>, vector<1x16xf32>,
          %get3A_362 = vector.shape_cast %get3A_361 : vector<1x16xf32> to vector<16xf32>
          %get3A_363 = arith.index_cast %scan3A_292 : i32 to index
          %get3A_364 = arith.constant 64 : index
          %get3A_365 = tpu.vector_load %arg13[%get3A_363, %get3A_364] {strides = array<i32>} : memref<64x128xf32, #tpu.memory_space<vmem>>, vector<1x16xf32>,
          %get3A_366 = vector.shape_cast %get3A_365 : vector<1x16xf32> to vector<16xf32>
          %add3A_367 = arith.addf %get3A_362, %get3A_366 : vector<16xf32>
          %mul3A_368 = arith.constant 5.000000e-01 : f32
          %mul3A_369 = vector.broadcast %mul3A_368 : f32 to vector<16xf32>
          %mul3A_370 = arith.mulf %add3A_367, %mul3A_369 : vector<16xf32>
          %swap3A_371 = arith.index_cast %scan3A_292 : i32 to index
          %swap3A_372 = arith.constant 64 : index
          %swap3A_373 = tpu.vector_load %arg11[%swap3A_371, %swap3A_372] {strides = array<i32>} : memref<64x128xf32, #tpu.memory_space<vmem>>, vector<1x16xf32>,
          %swap3A_374 = vector.shape_cast %swap3A_373 : vector<1x16xf32> to vector<16xf32>
          %swap3A_375 = vector.shape_cast %mul3A_370 : vector<16xf32> to vector<1x16xf32>
          tpu.vector_store %arg11[%swap3A_371, %swap3A_372], %swap3A_375 {strides = array<i32>} : memref<64x128xf32, #tpu.memory_space<vmem>>, vector<1x16xf32>,
          %get3A_376 = arith.index_cast %scan3A_292 : i32 to index
          %get3A_377 = arith.constant 80 : index
          %get3A_378 = tpu.vector_load %arg11[%get3A_376, %get3A_377] {strides = array<i32>} : memref<64x128xf32, #tpu.memory_space<vmem>>, vector<1x16xf32>,
          %get3A_379 = vector.shape_cast %get3A_378 : vector<1x16xf32> to vector<16xf32>
          %get3A_380 = arith.index_cast %scan3A_292 : i32 to index
          %get3A_381 = arith.constant 80 : index
          %get3A_382 = tpu.vector_load %arg13[%get3A_380, %get3A_381] {strides = array<i32>} : memref<64x128xf32, #tpu.memory_space<vmem>>, vector<1x16xf32>,
          %get3A_383 = vector.shape_cast %get3A_382 : vector<1x16xf32> to vector<16xf32>
          %add3A_384 = arith.addf %get3A_379, %get3A_383 : vector<16xf32>
          %mul3A_385 = arith.constant 5.000000e-01 : f32
          %mul3A_386 = vector.broadcast %mul3A_385 : f32 to vector<16xf32>
          %mul3A_387 = arith.mulf %add3A_384, %mul3A_386 : vector<16xf32>
          %swap3A_388 = arith.index_cast %scan3A_292 : i32 to index
          %swap3A_389 = arith.constant 80 : index
          %swap3A_390 = tpu.vector_load %arg11[%swap3A_388, %swap3A_389] {strides = array<i32>} : memref<64x128xf32, #tpu.memory_space<vmem>>, vector<1x16xf32>,
          %swap3A_391 = vector.shape_cast %swap3A_390 : vector<1x16xf32> to vector<16xf32>
          %swap3A_392 = vector.shape_cast %mul3A_387 : vector<16xf32> to vector<1x16xf32>
          tpu.vector_store %arg11[%swap3A_388, %swap3A_389], %swap3A_392 {strides = array<i32>} : memref<64x128xf32, #tpu.memory_space<vmem>>, vector<1x16xf32>,
          %get3A_393 = arith.index_cast %scan3A_292 : i32 to index
          %get3A_394 = arith.constant 96 : index
          %get3A_395 = tpu.vector_load %arg11[%get3A_393, %get3A_394] {strides = array<i32>} : memref<64x128xf32, #tpu.memory_space<vmem>>, vector<1x16xf32>,
          %get3A_396 = vector.shape_cast %get3A_395 : vector<1x16xf32> to vector<16xf32>
          %get3A_397 = arith.index_cast %scan3A_292 : i32 to index
          %get3A_398 = arith.constant 96 : index
          %get3A_399 = tpu.vector_load %arg13[%get3A_397, %get3A_398] {strides = array<i32>} : memref<64x128xf32, #tpu.memory_space<vmem>>, vector<1x16xf32>,
          %get3A_400 = vector.shape_cast %get3A_399 : vector<1x16xf32> to vector<16xf32>
          %add3A_401 = arith.addf %get3A_396, %get3A_400 : vector<16xf32>
          %mul3A_402 = arith.constant 5.000000e-01 : f32
          %mul3A_403 = vector.broadcast %mul3A_402 : f32 to vector<16xf32>
          %mul3A_404 = arith.mulf %add3A_401, %mul3A_403 : vector<16xf32>
          %swap3A_405 = arith.index_cast %scan3A_292 : i32 to index
          %swap3A_406 = arith.constant 96 : index
          %swap3A_407 = tpu.vector_load %arg11[%swap3A_405, %swap3A_406] {strides = array<i32>} : memref<64x128xf32, #tpu.memory_space<vmem>>, vector<1x16xf32>,
          %swap3A_408 = vector.shape_cast %swap3A_407 : vector<1x16xf32> to vector<16xf32>
          %swap3A_409 = vector.shape_cast %mul3A_404 : vector<16xf32> to vector<1x16xf32>
          tpu.vector_store %arg11[%swap3A_405, %swap3A_406], %swap3A_409 {strides = array<i32>} : memref<64x128xf32, #tpu.memory_space<vmem>>, vector<1x16xf32>,
          %get3A_410 = arith.index_cast %scan3A_292 : i32 to index
          %get3A_411 = arith.constant 112 : index
          %get3A_412 = tpu.vector_load %arg11[%get3A_410, %get3A_411] {strides = array<i32>} : memref<64x128xf32, #tpu.memory_space<vmem>>, vector<1x16xf32>,
          %get3A_413 = vector.shape_cast %get3A_412 : vector<1x16xf32> to vector<16xf32>
          %get3A_414 = arith.index_cast %scan3A_292 : i32 to index
          %get3A_415 = arith.constant 112 : index
          %get3A_416 = tpu.vector_load %arg13[%get3A_414, %get3A_415] {strides = array<i32>} : memref<64x128xf32, #tpu.memory_space<vmem>>, vector<1x16xf32>,
          %get3A_417 = vector.shape_cast %get3A_416 : vector<1x16xf32> to vector<16xf32>
          %add3A_418 = arith.addf %get3A_413, %get3A_417 : vector<16xf32>
          %mul3A_419 = arith.constant 5.000000e-01 : f32
          %mul3A_420 = vector.broadcast %mul3A_419 : f32 to vector<16xf32>
          %mul3A_421 = arith.mulf %add3A_418, %mul3A_420 : vector<16xf32>
          %swap3A_422 = arith.index_cast %scan3A_292 : i32 to index
          %swap3A_423 = arith.constant 112 : index
          %swap3A_424 = tpu.vector_load %arg11[%swap3A_422, %swap3A_423] {strides = array<i32>} : memref<64x128xf32, #tpu.memory_space<vmem>>, vector<1x16xf32>,
          %swap3A_425 = vector.shape_cast %swap3A_424 : vector<1x16xf32> to vector<16xf32>
          %swap3A_426 = vector.shape_cast %mul3A_421 : vector<16xf32> to vector<1x16xf32>
          tpu.vector_store %arg11[%swap3A_422, %swap3A_423], %swap3A_426 {strides = array<i32>} : memref<64x128xf32, #tpu.memory_space<vmem>>, vector<1x16xf32>,
        }
        %scan3A_279 = arith.constant 64 : i32
        %add3A_280 = arith.addi %add3A_53, %add3A_249 : i32
        %mul3A_281 = arith.constant 64 : i32
        %mul3A_282 = arith.muli %add3A_280, %mul3A_281 : i32
        %add3A_283 = arith.constant 10000 : i32
        %add3A_284 = arith.addi %add3A_283, %mul3A_282 : i32
        %dma_start3A_285 = arith.constant 3 : i32
        %dma_start3A_286 = arith.constant 0 : i32
        %dma_start3A_287 = tpu.memref_slice %arg5[%dma_start3A_285, %add3A_284, %dma_start3A_286] : memref<4x170000x128xf32, #tpu.memory_space<hbm>> -> memref<1x64x128xf32, #tpu.memory_space<hbm>>
        %dma_start3A_288 = tpu.memref_squeeze %dma_start3A_287 : memref<1x64x128xf32, #tpu.memory_space<hbm>> -> memref<64x128xf32, #tpu.memory_space<hbm>>
        %dma_start3A_289 = arith.constant 0 : i32
        %dma_start3A_290 = tpu.memref_slice %arg5[%dma_start3A_285, %add3A_284, %dma_start3A_289] : memref<4x170000x128xf32, #tpu.memory_space<hbm>> -> memref<1x64x128xf32, #tpu.memory_space<hbm>>
        %dma_start3A_291 = tpu.memref_squeeze %dma_start3A_290 : memref<1x64x128xf32, #tpu.memory_space<hbm>> -> memref<64x128xf32, #tpu.memory_space<hbm>>
        tpu.enqueue_dma source(%arg11 : memref<64x128xf32, #tpu.memory_space<vmem>>) target(%dma_start3A_291 : memref<64x128xf32, #tpu.memory_space<hbm>>) target_semaphore(%arg17 : memref<!tpu.dma_semaphore, #tpu.memory_space<semaphore_mem>>)
      } else {
      }
      %mul3A_254 = arith.constant 2 : i32
      %mul3A_255 = arith.muli %mul3A_254, %scan3A_245 : i32
      %add3A_256 = arith.constant 1 : i32
      %add3A_257 = arith.addi %mul3A_255, %add3A_256 : i32
      %lt3A_258 = arith.cmpi slt, %add3A_257, %add3A_49 : i32
      %convert_element_type3A_259 = arith.extui %lt3A_258 : i1 to i32
      %cond3A_260 = arith.constant 0 : i32
      %cond3A_261 = arith.cmpi ne, %convert_element_type3A_259, %cond3A_260 : i32
      scf.if %cond3A_261 {
        %add3A_262 = arith.constant 1 : i32
        %add3A_263 = arith.addi %add3A_257, %add3A_262 : i32
        %lt3A_264 = arith.cmpi slt, %add3A_263, %add3A_49 : i32
        %convert_element_type3A_265 = arith.extui %lt3A_264 : i1 to i32
        %cond3A_266 = arith.constant 0 : i32
        %cond3A_267 = arith.cmpi ne, %convert_element_type3A_265, %cond3A_266 : i32
        scf.if %cond3A_267 {
          %ge3A = arith.constant 1 : i32
          %ge3A_292 = arith.cmpi sge, %add3A_257, %ge3A : i32
          %convert_element_type3A_293 = arith.extui %ge3A_292 : i1 to i32
          %cond3A_294 = arith.constant 0 : i32
          %cond3A_295 = arith.cmpi ne, %convert_element_type3A_293, %cond3A_294 : i32
          scf.if %cond3A_295 {
            %dma_wait3A_309 = arith.constant 0 : i32
            %dma_wait3A_310 = arith.constant 10000 : i32
            %dma_wait3A_311 = arith.constant 0 : i32
            %dma_wait3A_312 = tpu.memref_slice %arg5[%dma_wait3A_309, %dma_wait3A_310, %dma_wait3A_311] : memref<4x170000x128xf32, #tpu.memory_space<hbm>> -> memref<1x64x128xf32, #tpu.memory_space<hbm>>
            %dma_wait3A_313 = tpu.memref_squeeze %dma_wait3A_312 : memref<1x64x128xf32, #tpu.memory_space<hbm>> -> memref<64x128xf32, #tpu.memory_space<hbm>>
            %dma_wait3A_314 = arith.constant 10000 : i32
            %dma_wait3A_315 = arith.constant 0 : i32
            %dma_wait3A_316 = tpu.memref_slice %arg5[%dma_wait3A_309, %dma_wait3A_314, %dma_wait3A_315] : memref<4x170000x128xf32, #tpu.memory_space<hbm>> -> memref<1x64x128xf32, #tpu.memory_space<hbm>>
            %dma_wait3A_317 = tpu.memref_squeeze %dma_wait3A_316 : memref<1x64x128xf32, #tpu.memory_space<hbm>> -> memref<64x128xf32, #tpu.memory_space<hbm>>
            tpu.wait_dma2 semaphore(%arg17 : memref<!tpu.dma_semaphore, #tpu.memory_space<semaphore_mem>>) src(%arg11 : memref<64x128xf32, #tpu.memory_space<vmem>>) dst(%dma_wait3A_317 : memref<64x128xf32, #tpu.memory_space<hbm>>)
          } else {
          }
          %add3A_296 = arith.addi %add3A_53, %add3A_257 : i32
          %add3A_297 = arith.constant 1 : i32
          %add3A_298 = arith.addi %add3A_296, %add3A_297 : i32
          %mul3A_299 = arith.constant 64 : i32
          %mul3A_300 = arith.muli %add3A_298, %mul3A_299 : i32
          "tpu.region"() ({
            %run_scoped3A = tpu.sem_alloc : memref<!tpu.dma_semaphore, #tpu.memory_space<semaphore_mem>>
            %dma_start3A_309 = tpu.memref_slice %arg3[%mul3A_300] : memref<160000xi32, #tpu.memory_space<hbm>> -> memref<64xi32, #tpu.memory_space<hbm>>
            %dma_start3A_310 = tpu.memref_slice %arg3[%mul3A_300] : memref<160000xi32, #tpu.memory_space<hbm>> -> memref<64xi32, #tpu.memory_space<hbm>>
            tpu.enqueue_dma source(%dma_start3A_310 : memref<64xi32, #tpu.memory_space<hbm>>) target(%arg7 : memref<64xi32, #tpu.memory_space<vmem>>) target_semaphore(%run_scoped3A : memref<!tpu.dma_semaphore, #tpu.memory_space<semaphore_mem>>)
            %dma_wait3A_311 = tpu.memref_slice %arg3[%mul3A_300] : memref<160000xi32, #tpu.memory_space<hbm>> -> memref<64xi32, #tpu.memory_space<hbm>>
            %dma_wait3A_312 = tpu.memref_slice %arg3[%mul3A_300] : memref<160000xi32, #tpu.memory_space<hbm>> -> memref<64xi32, #tpu.memory_space<hbm>>
            tpu.wait_dma2 semaphore(%run_scoped3A : memref<!tpu.dma_semaphore, #tpu.memory_space<semaphore_mem>>) src(%dma_wait3A_312 : memref<64xi32, #tpu.memory_space<hbm>>) dst(%arg7 : memref<64xi32, #tpu.memory_space<vmem>>)
            tpu.yield
          }) : () -> ()
          %mul3A_301 = arith.constant 64 : i32
          %mul3A_302 = arith.muli %add3A_298, %mul3A_301 : i32
          "tpu.region"() ({
            %run_scoped3A = tpu.sem_alloc : memref<!tpu.dma_semaphore, #tpu.memory_space<semaphore_mem>>
            %dma_start3A_309 = tpu.memref_slice %arg4[%mul3A_302] : memref<160000xi32, #tpu.memory_space<hbm>> -> memref<64xi32, #tpu.memory_space<hbm>>
            %dma_start3A_310 = tpu.memref_slice %arg4[%mul3A_302] : memref<160000xi32, #tpu.memory_space<hbm>> -> memref<64xi32, #tpu.memory_space<hbm>>
            tpu.enqueue_dma source(%dma_start3A_310 : memref<64xi32, #tpu.memory_space<hbm>>) target(%arg9 : memref<64xi32, #tpu.memory_space<vmem>>) target_semaphore(%run_scoped3A : memref<!tpu.dma_semaphore, #tpu.memory_space<semaphore_mem>>)
            %dma_wait3A_311 = tpu.memref_slice %arg4[%mul3A_302] : memref<160000xi32, #tpu.memory_space<hbm>> -> memref<64xi32, #tpu.memory_space<hbm>>
            %dma_wait3A_312 = tpu.memref_slice %arg4[%mul3A_302] : memref<160000xi32, #tpu.memory_space<hbm>> -> memref<64xi32, #tpu.memory_space<hbm>>
            tpu.wait_dma2 semaphore(%run_scoped3A : memref<!tpu.dma_semaphore, #tpu.memory_space<semaphore_mem>>) src(%dma_wait3A_312 : memref<64xi32, #tpu.memory_space<hbm>>) dst(%arg9 : memref<64xi32, #tpu.memory_space<vmem>>)
            tpu.yield
          }) : () -> ()
          %dma_start3A_303 = arith.constant 0 : i32
          %dma_start3A_304 = arith.constant 0 : i32
          %dma_start3A_305 = tpu.memref_slice %arg6[%dma_start3A_303, %dma_start3A_304] : memref<10000x128xf32, #tpu.memory_space<vmem_shared>> -> memref<10000x128xf32, #tpu.memory_space<vmem_shared>>
          tpu.enqueue_indirect_dma source(%dma_start3A_305 : memref<10000x128xf32, #tpu.memory_space<vmem_shared>>) target(%arg11 : memref<64x128xf32, #tpu.memory_space<vmem>>) offsets(%arg7 : memref<64xi32, #tpu.memory_space<vmem>>) semaphore(%arg15 : memref<!tpu.dma_semaphore, #tpu.memory_space<semaphore_mem>>)
          %dma_start3A_306 = arith.constant 0 : i32
          %dma_start3A_307 = arith.constant 0 : i32
          %dma_start3A_308 = tpu.memref_slice %arg6[%dma_start3A_306, %dma_start3A_307] : memref<10000x128xf32, #tpu.memory_space<vmem_shared>> -> memref<10000x128xf32, #tpu.memory_space<vmem_shared>>
          tpu.enqueue_indirect_dma source(%dma_start3A_308 : memref<10000x128xf32, #tpu.memory_space<vmem_shared>>) target(%arg13 : memref<64x128xf32, #tpu.memory_space<vmem>>) offsets(%arg9 : memref<64xi32, #tpu.memory_space<vmem>>) semaphore(%arg15 : memref<!tpu.dma_semaphore, #tpu.memory_space<semaphore_mem>>)
        } else {
        }
        %dma_wait3A_268 = arith.constant 0 : i32
        %dma_wait3A_269 = arith.constant 0 : i32
        %dma_wait3A_270 = tpu.memref_slice %arg6[%dma_wait3A_268, %dma_wait3A_269] : memref<10000x128xf32, #tpu.memory_space<vmem_shared>> -> memref<10000x128xf32, #tpu.memory_space<vmem_shared>>
        tpu.wait_indirect_dma semaphore(%arg16 : memref<!tpu.dma_semaphore, #tpu.memory_space<semaphore_mem>>) src(%dma_wait3A_270 : memref<10000x128xf32, #tpu.memory_space<vmem_shared>>) dst(%arg12 : memref<64x128xf32, #tpu.memory_space<vmem>>)
        %dma_wait3A_271 = arith.constant 0 : i32
        %dma_wait3A_272 = arith.constant 0 : i32
        %dma_wait3A_273 = tpu.memref_slice %arg6[%dma_wait3A_271, %dma_wait3A_272] : memref<10000x128xf32, #tpu.memory_space<vmem_shared>> -> memref<10000x128xf32, #tpu.memory_space<vmem_shared>>
        tpu.wait_indirect_dma semaphore(%arg16 : memref<!tpu.dma_semaphore, #tpu.memory_space<semaphore_mem>>) src(%dma_wait3A_273 : memref<10000x128xf32, #tpu.memory_space<vmem_shared>>) dst(%arg14 : memref<64x128xf32, #tpu.memory_space<vmem>>)
        %scan3A_274 = arith.constant 0 : i32
        %scan3A_275 = arith.constant 0 : i32
        %scan3A_276 = arith.constant 64 : i32
        %scan3A_277 = arith.addi %scan3A_275, %scan3A_276 : i32
        %scan3A_278 = arith.constant 1 : i32
        scf.for %scan3A_292 = %scan3A_275 to %scan3A_277 step %scan3A_278  : i32 {
          %get3A = arith.index_cast %scan3A_292 : i32 to index
          %get3A_293 = arith.constant 0 : index
          %get3A_294 = tpu.vector_load %arg12[%get3A, %get3A_293] {strides = array<i32>} : memref<64x128xf32, #tpu.memory_space<vmem>>, vector<1x16xf32>,
          %get3A_295 = vector.shape_cast %get3A_294 : vector<1x16xf32> to vector<16xf32>
          %get3A_296 = arith.index_cast %scan3A_292 : i32 to index
          %get3A_297 = arith.constant 0 : index
          %get3A_298 = tpu.vector_load %arg14[%get3A_296, %get3A_297] {strides = array<i32>} : memref<64x128xf32, #tpu.memory_space<vmem>>, vector<1x16xf32>,
          %get3A_299 = vector.shape_cast %get3A_298 : vector<1x16xf32> to vector<16xf32>
          %add3A_300 = arith.addf %get3A_295, %get3A_299 : vector<16xf32>
          %mul3A_301 = arith.constant 5.000000e-01 : f32
          %mul3A_302 = vector.broadcast %mul3A_301 : f32 to vector<16xf32>
          %mul3A_303 = arith.mulf %add3A_300, %mul3A_302 : vector<16xf32>
          %swap3A = arith.index_cast %scan3A_292 : i32 to index
          %swap3A_304 = arith.constant 0 : index
          %swap3A_305 = tpu.vector_load %arg12[%swap3A, %swap3A_304] {strides = array<i32>} : memref<64x128xf32, #tpu.memory_space<vmem>>, vector<1x16xf32>,
          %swap3A_306 = vector.shape_cast %swap3A_305 : vector<1x16xf32> to vector<16xf32>
          %swap3A_307 = vector.shape_cast %mul3A_303 : vector<16xf32> to vector<1x16xf32>
          tpu.vector_store %arg12[%swap3A, %swap3A_304], %swap3A_307 {strides = array<i32>} : memref<64x128xf32, #tpu.memory_space<vmem>>, vector<1x16xf32>,
          %get3A_308 = arith.index_cast %scan3A_292 : i32 to index
          %get3A_309 = arith.constant 16 : index
          %get3A_310 = tpu.vector_load %arg12[%get3A_308, %get3A_309] {strides = array<i32>} : memref<64x128xf32, #tpu.memory_space<vmem>>, vector<1x16xf32>,
          %get3A_311 = vector.shape_cast %get3A_310 : vector<1x16xf32> to vector<16xf32>
          %get3A_312 = arith.index_cast %scan3A_292 : i32 to index
          %get3A_313 = arith.constant 16 : index
          %get3A_314 = tpu.vector_load %arg14[%get3A_312, %get3A_313] {strides = array<i32>} : memref<64x128xf32, #tpu.memory_space<vmem>>, vector<1x16xf32>,
          %get3A_315 = vector.shape_cast %get3A_314 : vector<1x16xf32> to vector<16xf32>
          %add3A_316 = arith.addf %get3A_311, %get3A_315 : vector<16xf32>
          %mul3A_317 = arith.constant 5.000000e-01 : f32
          %mul3A_318 = vector.broadcast %mul3A_317 : f32 to vector<16xf32>
          %mul3A_319 = arith.mulf %add3A_316, %mul3A_318 : vector<16xf32>
          %swap3A_320 = arith.index_cast %scan3A_292 : i32 to index
          %swap3A_321 = arith.constant 16 : index
          %swap3A_322 = tpu.vector_load %arg12[%swap3A_320, %swap3A_321] {strides = array<i32>} : memref<64x128xf32, #tpu.memory_space<vmem>>, vector<1x16xf32>,
          %swap3A_323 = vector.shape_cast %swap3A_322 : vector<1x16xf32> to vector<16xf32>
          %swap3A_324 = vector.shape_cast %mul3A_319 : vector<16xf32> to vector<1x16xf32>
          tpu.vector_store %arg12[%swap3A_320, %swap3A_321], %swap3A_324 {strides = array<i32>} : memref<64x128xf32, #tpu.memory_space<vmem>>, vector<1x16xf32>,
          %get3A_325 = arith.index_cast %scan3A_292 : i32 to index
          %get3A_326 = arith.constant 32 : index
          %get3A_327 = tpu.vector_load %arg12[%get3A_325, %get3A_326] {strides = array<i32>} : memref<64x128xf32, #tpu.memory_space<vmem>>, vector<1x16xf32>,
          %get3A_328 = vector.shape_cast %get3A_327 : vector<1x16xf32> to vector<16xf32>
          %get3A_329 = arith.index_cast %scan3A_292 : i32 to index
          %get3A_330 = arith.constant 32 : index
          %get3A_331 = tpu.vector_load %arg14[%get3A_329, %get3A_330] {strides = array<i32>} : memref<64x128xf32, #tpu.memory_space<vmem>>, vector<1x16xf32>,
          %get3A_332 = vector.shape_cast %get3A_331 : vector<1x16xf32> to vector<16xf32>
          %add3A_333 = arith.addf %get3A_328, %get3A_332 : vector<16xf32>
          %mul3A_334 = arith.constant 5.000000e-01 : f32
          %mul3A_335 = vector.broadcast %mul3A_334 : f32 to vector<16xf32>
          %mul3A_336 = arith.mulf %add3A_333, %mul3A_335 : vector<16xf32>
          %swap3A_337 = arith.index_cast %scan3A_292 : i32 to index
          %swap3A_338 = arith.constant 32 : index
          %swap3A_339 = tpu.vector_load %arg12[%swap3A_337, %swap3A_338] {strides = array<i32>} : memref<64x128xf32, #tpu.memory_space<vmem>>, vector<1x16xf32>,
          %swap3A_340 = vector.shape_cast %swap3A_339 : vector<1x16xf32> to vector<16xf32>
          %swap3A_341 = vector.shape_cast %mul3A_336 : vector<16xf32> to vector<1x16xf32>
          tpu.vector_store %arg12[%swap3A_337, %swap3A_338], %swap3A_341 {strides = array<i32>} : memref<64x128xf32, #tpu.memory_space<vmem>>, vector<1x16xf32>,
          %get3A_342 = arith.index_cast %scan3A_292 : i32 to index
          %get3A_343 = arith.constant 48 : index
          %get3A_344 = tpu.vector_load %arg12[%get3A_342, %get3A_343] {strides = array<i32>} : memref<64x128xf32, #tpu.memory_space<vmem>>, vector<1x16xf32>,
          %get3A_345 = vector.shape_cast %get3A_344 : vector<1x16xf32> to vector<16xf32>
          %get3A_346 = arith.index_cast %scan3A_292 : i32 to index
          %get3A_347 = arith.constant 48 : index
          %get3A_348 = tpu.vector_load %arg14[%get3A_346, %get3A_347] {strides = array<i32>} : memref<64x128xf32, #tpu.memory_space<vmem>>, vector<1x16xf32>,
          %get3A_349 = vector.shape_cast %get3A_348 : vector<1x16xf32> to vector<16xf32>
          %add3A_350 = arith.addf %get3A_345, %get3A_349 : vector<16xf32>
          %mul3A_351 = arith.constant 5.000000e-01 : f32
          %mul3A_352 = vector.broadcast %mul3A_351 : f32 to vector<16xf32>
          %mul3A_353 = arith.mulf %add3A_350, %mul3A_352 : vector<16xf32>
          %swap3A_354 = arith.index_cast %scan3A_292 : i32 to index
          %swap3A_355 = arith.constant 48 : index
          %swap3A_356 = tpu.vector_load %arg12[%swap3A_354, %swap3A_355] {strides = array<i32>} : memref<64x128xf32, #tpu.memory_space<vmem>>, vector<1x16xf32>,
          %swap3A_357 = vector.shape_cast %swap3A_356 : vector<1x16xf32> to vector<16xf32>
          %swap3A_358 = vector.shape_cast %mul3A_353 : vector<16xf32> to vector<1x16xf32>
          tpu.vector_store %arg12[%swap3A_354, %swap3A_355], %swap3A_358 {strides = array<i32>} : memref<64x128xf32, #tpu.memory_space<vmem>>, vector<1x16xf32>,
          %get3A_359 = arith.index_cast %scan3A_292 : i32 to index
          %get3A_360 = arith.constant 64 : index
          %get3A_361 = tpu.vector_load %arg12[%get3A_359, %get3A_360] {strides = array<i32>} : memref<64x128xf32, #tpu.memory_space<vmem>>, vector<1x16xf32>,
          %get3A_362 = vector.shape_cast %get3A_361 : vector<1x16xf32> to vector<16xf32>
          %get3A_363 = arith.index_cast %scan3A_292 : i32 to index
          %get3A_364 = arith.constant 64 : index
          %get3A_365 = tpu.vector_load %arg14[%get3A_363, %get3A_364] {strides = array<i32>} : memref<64x128xf32, #tpu.memory_space<vmem>>, vector<1x16xf32>,
          %get3A_366 = vector.shape_cast %get3A_365 : vector<1x16xf32> to vector<16xf32>
          %add3A_367 = arith.addf %get3A_362, %get3A_366 : vector<16xf32>
          %mul3A_368 = arith.constant 5.000000e-01 : f32
          %mul3A_369 = vector.broadcast %mul3A_368 : f32 to vector<16xf32>
          %mul3A_370 = arith.mulf %add3A_367, %mul3A_369 : vector<16xf32>
          %swap3A_371 = arith.index_cast %scan3A_292 : i32 to index
          %swap3A_372 = arith.constant 64 : index
          %swap3A_373 = tpu.vector_load %arg12[%swap3A_371, %swap3A_372] {strides = array<i32>} : memref<64x128xf32, #tpu.memory_space<vmem>>, vector<1x16xf32>,
          %swap3A_374 = vector.shape_cast %swap3A_373 : vector<1x16xf32> to vector<16xf32>
          %swap3A_375 = vector.shape_cast %mul3A_370 : vector<16xf32> to vector<1x16xf32>
          tpu.vector_store %arg12[%swap3A_371, %swap3A_372], %swap3A_375 {strides = array<i32>} : memref<64x128xf32, #tpu.memory_space<vmem>>, vector<1x16xf32>,
          %get3A_376 = arith.index_cast %scan3A_292 : i32 to index
          %get3A_377 = arith.constant 80 : index
          %get3A_378 = tpu.vector_load %arg12[%get3A_376, %get3A_377] {strides = array<i32>} : memref<64x128xf32, #tpu.memory_space<vmem>>, vector<1x16xf32>,
          %get3A_379 = vector.shape_cast %get3A_378 : vector<1x16xf32> to vector<16xf32>
          %get3A_380 = arith.index_cast %scan3A_292 : i32 to index
          %get3A_381 = arith.constant 80 : index
          %get3A_382 = tpu.vector_load %arg14[%get3A_380, %get3A_381] {strides = array<i32>} : memref<64x128xf32, #tpu.memory_space<vmem>>, vector<1x16xf32>,
          %get3A_383 = vector.shape_cast %get3A_382 : vector<1x16xf32> to vector<16xf32>
          %add3A_384 = arith.addf %get3A_379, %get3A_383 : vector<16xf32>
          %mul3A_385 = arith.constant 5.000000e-01 : f32
          %mul3A_386 = vector.broadcast %mul3A_385 : f32 to vector<16xf32>
          %mul3A_387 = arith.mulf %add3A_384, %mul3A_386 : vector<16xf32>
          %swap3A_388 = arith.index_cast %scan3A_292 : i32 to index
          %swap3A_389 = arith.constant 80 : index
          %swap3A_390 = tpu.vector_load %arg12[%swap3A_388, %swap3A_389] {strides = array<i32>} : memref<64x128xf32, #tpu.memory_space<vmem>>, vector<1x16xf32>,
          %swap3A_391 = vector.shape_cast %swap3A_390 : vector<1x16xf32> to vector<16xf32>
          %swap3A_392 = vector.shape_cast %mul3A_387 : vector<16xf32> to vector<1x16xf32>
          tpu.vector_store %arg12[%swap3A_388, %swap3A_389], %swap3A_392 {strides = array<i32>} : memref<64x128xf32, #tpu.memory_space<vmem>>, vector<1x16xf32>,
          %get3A_393 = arith.index_cast %scan3A_292 : i32 to index
          %get3A_394 = arith.constant 96 : index
          %get3A_395 = tpu.vector_load %arg12[%get3A_393, %get3A_394] {strides = array<i32>} : memref<64x128xf32, #tpu.memory_space<vmem>>, vector<1x16xf32>,
          %get3A_396 = vector.shape_cast %get3A_395 : vector<1x16xf32> to vector<16xf32>
          %get3A_397 = arith.index_cast %scan3A_292 : i32 to index
          %get3A_398 = arith.constant 96 : index
          %get3A_399 = tpu.vector_load %arg14[%get3A_397, %get3A_398] {strides = array<i32>} : memref<64x128xf32, #tpu.memory_space<vmem>>, vector<1x16xf32>,
          %get3A_400 = vector.shape_cast %get3A_399 : vector<1x16xf32> to vector<16xf32>
          %add3A_401 = arith.addf %get3A_396, %get3A_400 : vector<16xf32>
          %mul3A_402 = arith.constant 5.000000e-01 : f32
          %mul3A_403 = vector.broadcast %mul3A_402 : f32 to vector<16xf32>
          %mul3A_404 = arith.mulf %add3A_401, %mul3A_403 : vector<16xf32>
          %swap3A_405 = arith.index_cast %scan3A_292 : i32 to index
          %swap3A_406 = arith.constant 96 : index
          %swap3A_407 = tpu.vector_load %arg12[%swap3A_405, %swap3A_406] {strides = array<i32>} : memref<64x128xf32, #tpu.memory_space<vmem>>, vector<1x16xf32>,
          %swap3A_408 = vector.shape_cast %swap3A_407 : vector<1x16xf32> to vector<16xf32>
          %swap3A_409 = vector.shape_cast %mul3A_404 : vector<16xf32> to vector<1x16xf32>
          tpu.vector_store %arg12[%swap3A_405, %swap3A_406], %swap3A_409 {strides = array<i32>} : memref<64x128xf32, #tpu.memory_space<vmem>>, vector<1x16xf32>,
          %get3A_410 = arith.index_cast %scan3A_292 : i32 to index
          %get3A_411 = arith.constant 112 : index
          %get3A_412 = tpu.vector_load %arg12[%get3A_410, %get3A_411] {strides = array<i32>} : memref<64x128xf32, #tpu.memory_space<vmem>>, vector<1x16xf32>,
          %get3A_413 = vector.shape_cast %get3A_412 : vector<1x16xf32> to vector<16xf32>
          %get3A_414 = arith.index_cast %scan3A_292 : i32 to index
          %get3A_415 = arith.constant 112 : index
          %get3A_416 = tpu.vector_load %arg14[%get3A_414, %get3A_415] {strides = array<i32>} : memref<64x128xf32, #tpu.memory_space<vmem>>, vector<1x16xf32>,
          %get3A_417 = vector.shape_cast %get3A_416 : vector<1x16xf32> to vector<16xf32>
          %add3A_418 = arith.addf %get3A_413, %get3A_417 : vector<16xf32>
          %mul3A_419 = arith.constant 5.000000e-01 : f32
          %mul3A_420 = vector.broadcast %mul3A_419 : f32 to vector<16xf32>
          %mul3A_421 = arith.mulf %add3A_418, %mul3A_420 : vector<16xf32>
          %swap3A_422 = arith.index_cast %scan3A_292 : i32 to index
          %swap3A_423 = arith.constant 112 : index
          %swap3A_424 = tpu.vector_load %arg12[%swap3A_422, %swap3A_423] {strides = array<i32>} : memref<64x128xf32, #tpu.memory_space<vmem>>, vector<1x16xf32>,
          %swap3A_425 = vector.shape_cast %swap3A_424 : vector<1x16xf32> to vector<16xf32>
          %swap3A_426 = vector.shape_cast %mul3A_421 : vector<16xf32> to vector<1x16xf32>
          tpu.vector_store %arg12[%swap3A_422, %swap3A_423], %swap3A_426 {strides = array<i32>} : memref<64x128xf32, #tpu.memory_space<vmem>>, vector<1x16xf32>,
        }
        %scan3A_279 = arith.constant 64 : i32
        %add3A_280 = arith.addi %add3A_53, %add3A_257 : i32
        %mul3A_281 = arith.constant 64 : i32
        %mul3A_282 = arith.muli %add3A_280, %mul3A_281 : i32
        %add3A_283 = arith.constant 10000 : i32
        %add3A_284 = arith.addi %add3A_283, %mul3A_282 : i32
        %dma_start3A_285 = arith.constant 3 : i32
        %dma_start3A_286 = arith.constant 0 : i32
        %dma_start3A_287 = tpu.memref_slice %arg5[%dma_start3A_285, %add3A_284, %dma_start3A_286] : memref<4x170000x128xf32, #tpu.memory_space<hbm>> -> memref<1x64x128xf32, #tpu.memory_space<hbm>>
        %dma_start3A_288 = tpu.memref_squeeze %dma_start3A_287 : memref<1x64x128xf32, #tpu.memory_space<hbm>> -> memref<64x128xf32, #tpu.memory_space<hbm>>
        %dma_start3A_289 = arith.constant 0 : i32
        %dma_start3A_290 = tpu.memref_slice %arg5[%dma_start3A_285, %add3A_284, %dma_start3A_289] : memref<4x170000x128xf32, #tpu.memory_space<hbm>> -> memref<1x64x128xf32, #tpu.memory_space<hbm>>
        %dma_start3A_291 = tpu.memref_squeeze %dma_start3A_290 : memref<1x64x128xf32, #tpu.memory_space<hbm>> -> memref<64x128xf32, #tpu.memory_space<hbm>>
        tpu.enqueue_dma source(%arg12 : memref<64x128xf32, #tpu.memory_space<vmem>>) target(%dma_start3A_291 : memref<64x128xf32, #tpu.memory_space<hbm>>) target_semaphore(%arg18 : memref<!tpu.dma_semaphore, #tpu.memory_space<semaphore_mem>>)
      } else {
      }
    }
    %scan3A_215 = arith.constant 40 : i32
    %dma_wait3A_216 = arith.constant 0 : i32
    %dma_wait3A_217 = arith.constant 10000 : i32
    %dma_wait3A_218 = arith.constant 0 : i32
    %dma_wait3A_219 = tpu.memref_slice %arg5[%dma_wait3A_216, %dma_wait3A_217, %dma_wait3A_218] : memref<4x170000x128xf32, #tpu.memory_space<hbm>> -> memref<1x64x128xf32, #tpu.memory_space<hbm>>
    %dma_wait3A_220 = tpu.memref_squeeze %dma_wait3A_219 : memref<1x64x128xf32, #tpu.memory_space<hbm>> -> memref<64x128xf32, #tpu.memory_space<hbm>>
    %dma_wait3A_221 = arith.constant 10000 : i32
    %dma_wait3A_222 = arith.constant 0 : i32
    %dma_wait3A_223 = tpu.memref_slice %arg5[%dma_wait3A_216, %dma_wait3A_221, %dma_wait3A_222] : memref<4x170000x128xf32, #tpu.memory_space<hbm>> -> memref<1x64x128xf32, #tpu.memory_space<hbm>>
    %dma_wait3A_224 = tpu.memref_squeeze %dma_wait3A_223 : memref<1x64x128xf32, #tpu.memory_space<hbm>> -> memref<64x128xf32, #tpu.memory_space<hbm>>
    tpu.wait_dma2 semaphore(%arg17 : memref<!tpu.dma_semaphore, #tpu.memory_space<semaphore_mem>>) src(%arg11 : memref<64x128xf32, #tpu.memory_space<vmem>>) dst(%dma_wait3A_224 : memref<64x128xf32, #tpu.memory_space<hbm>>)
    %dma_wait3A_225 = arith.constant 0 : i32
    %dma_wait3A_226 = arith.constant 10000 : i32
    %dma_wait3A_227 = arith.constant 0 : i32
    %dma_wait3A_228 = tpu.memref_slice %arg5[%dma_wait3A_225, %dma_wait3A_226, %dma_wait3A_227] : memref<4x170000x128xf32, #tpu.memory_space<hbm>> -> memref<1x64x128xf32, #tpu.memory_space<hbm>>
    %dma_wait3A_229 = tpu.memref_squeeze %dma_wait3A_228 : memref<1x64x128xf32, #tpu.memory_space<hbm>> -> memref<64x128xf32, #tpu.memory_space<hbm>>
    %dma_wait3A_230 = arith.constant 10000 : i32
    %dma_wait3A_231 = arith.constant 0 : i32
    %dma_wait3A_232 = tpu.memref_slice %arg5[%dma_wait3A_225, %dma_wait3A_230, %dma_wait3A_231] : memref<4x170000x128xf32, #tpu.memory_space<hbm>> -> memref<1x64x128xf32, #tpu.memory_space<hbm>>
    %dma_wait3A_233 = tpu.memref_squeeze %dma_wait3A_232 : memref<1x64x128xf32, #tpu.memory_space<hbm>> -> memref<64x128xf32, #tpu.memory_space<hbm>>
    tpu.wait_dma2 semaphore(%arg18 : memref<!tpu.dma_semaphore, #tpu.memory_space<semaphore_mem>>) src(%arg12 : memref<64x128xf32, #tpu.memory_space<vmem>>) dst(%dma_wait3A_233 : memref<64x128xf32, #tpu.memory_space<hbm>>)
    %barrier3A_234 = arith.constant 0 : index
    tpu.barrier barrier_id(%barrier3A_234)
    %dma_wait3A_235 = arith.constant 0 : i32
    %dma_wait3A_236 = tpu.memref_slice %arg5[%select_n3A, %mul3A_32, %dma_wait3A_235] : memref<4x170000x128xf32, #tpu.memory_space<hbm>> -> memref<1x1248x128xf32, #tpu.memory_space<hbm>>
    %dma_wait3A_237 = tpu.memref_squeeze %dma_wait3A_236 : memref<1x1248x128xf32, #tpu.memory_space<hbm>> -> memref<1248x128xf32, #tpu.memory_space<hbm>>
    %dma_wait3A_238 = arith.constant 0 : i32
    %dma_wait3A_239 = tpu.memref_slice %arg2[%add3A_35, %dma_wait3A_238] : memref<40000x128xf32, #tpu.memory_space<hbm>> -> memref<1248x128xf32, #tpu.memory_space<hbm>>
    tpu.wait_dma2 semaphore(%arg19 : memref<!tpu.dma_semaphore, #tpu.memory_space<semaphore_mem>>) src(%dma_wait3A_239 : memref<1248x128xf32, #tpu.memory_space<hbm>>) dst(%dma_wait3A_237 : memref<1248x128xf32, #tpu.memory_space<hbm>>)
    %lt3A_240 = arith.constant 4 : i32
    %lt3A_241 = arith.cmpi slt, %add3A, %lt3A_240 : i32
    %convert_element_type3A_242 = arith.extui %lt3A_241 : i1 to i32
    %cond3A_243 = arith.constant 0 : i32
    %cond3A_244 = arith.cmpi ne, %convert_element_type3A_242, %cond3A_243 : i32
    scf.if %cond3A_244 {
      %mul3A_245 = arith.constant 10000 : i32
      %mul3A_246 = arith.muli %add3A, %mul3A_245 : i32
      %add3A_247 = arith.constant 9984 : i32
      %add3A_248 = arith.addi %mul3A_246, %add3A_247 : i32
      %dma_wait3A_249 = arith.constant 9984 : i32
      %dma_wait3A_250 = arith.constant 0 : i32
      %dma_wait3A_251 = tpu.memref_slice %arg5[%add3A, %dma_wait3A_249, %dma_wait3A_250] : memref<4x170000x128xf32, #tpu.memory_space<hbm>> -> memref<1x16x128xf32, #tpu.memory_space<hbm>>
      %dma_wait3A_252 = tpu.memref_squeeze %dma_wait3A_251 : memref<1x16x128xf32, #tpu.memory_space<hbm>> -> memref<16x128xf32, #tpu.memory_space<hbm>>
      %dma_wait3A_253 = arith.constant 0 : i32
      %dma_wait3A_254 = tpu.memref_slice %arg2[%add3A_248, %dma_wait3A_253] : memref<40000x128xf32, #tpu.memory_space<hbm>> -> memref<16x128xf32, #tpu.memory_space<hbm>>
      tpu.wait_dma2 semaphore(%arg19 : memref<!tpu.dma_semaphore, #tpu.memory_space<semaphore_mem>>) src(%dma_wait3A_254 : memref<16x128xf32, #tpu.memory_space<hbm>>) dst(%dma_wait3A_252 : memref<16x128xf32, #tpu.memory_space<hbm>>)
    } else {
    }
    return
  }
}

</mosaic_0001>

<sc_bundles>
// kernel: kernel.3.cloned.1.call-start
scs
__scs_entry_jumppad:
0x0: {  	(pc) =	sbr.rel $0x88, $3  }
0x1: {  	(tag) =	ssettag $0x0;
	lr =	simm.s32 $0x1  }
0x2: {  	[smem:$0x3F9F] =	sst lr;
	_ =	strace $0xD0000000  }
0x3: {  	_ = 	snop  }
0x4: {  	_ = 	snop  }
0x5: {  	_ = 	snop  }
0x6: {  	_ = 	snop  }
0x7: {  	_ = 	snop  }
__scs_overlays_trampoline_lowered:
0x8: {  	[smem:$0x3FAE] =	sst s0  }
0x9: {  	[smem:$0x3FAF] =	sst s1  }
0xa: {  	[smem:$0x3FB0] =	sst s2  }
0xb: {  	[smem:$0x3FB1] =	sst s3  }
0xc: {  	[smem:$0x3FB2] =	sst s4  }
0xd: {  	[smem:$0x3FB3] =	sst s5  }
0xe: {  	[smem:$0x3FB4] =	sst s6  }
0xf: {  	[smem:$0x3FB5] =	sst s7  }
0x10: {  	[smem:$0x3FB6] =	sst s8  }
0x11: {  	[smem:$0x3FB7] =	sst s9;
	s0 =	simm.s32 @!p0 $0x0  }
0x12: {  	s1 =	sld [smem:$0x3F9D];
	s0 =	simm.s32 @p0 $0x1  }
0x13: {  	[smem:$0x3FB8] =	sst s0;
	s0 =	simm.s32 @!p1 $0x0  }
0x14: {  	s2 =	sld [smem:$0x3F9C];
	s0 =	simm.s32 @p1 $0x1  }
0x15: {  	[smem:$0x3FB9] =	sst s0;
	s0 =	simm.s32 @!p2 $0x0  }
0x16: {  	s3 =	sld [smem:$0x3FDB];
	s0 =	simm.s32 @p2 $0x1  }
0x17: {  	s4 =	simm.s32 $0x1BF5;
	[smem:$0x3FBB] =	sst s0  }
0x18: {  	s0 =	sld [smem:$0x3F9E];
	_ =	swait.ge [sflag:s4], $0x0  }
0x19: {  	s7 =	sld [smem:$0x3F9F]  }
0x1a: {  	s8 =	sadd.s32 $0xFFFFE003, lr  }
0x1b: {  	s9 =	sadd.s32 $0xFFFFFEF7, lr;
	s5 =	simm.s32 $0xFFFFFFFF;
	p2 =	slt.u32 s8, $0xFFFFF086  }
0x1c: {  	p1 =	slt.u32 s9, $0xF7A;
	s5 =	simm.s32 @!p2 $0x0  }
0x1d: {  	s5 =	simm.s32 @p1 $0x1;
	p0 =	seq.s32 s7, s2  }
0x1e: {  	s7 =	smul.u32 @!p0 $0xF7A, s2;
	p2 =	seq.s32 @!p0 s5, $0x0  }
0x1f: {  	s9 =	smul.u32 $0xF7A, s1;
	s8 =	simm.s32 @!p0 $0x1BF5;
	p2 =	por !p2, p0  }
0x20: {  	[sflag:s8] =	ssyncset.s32 @!p0 $0xFFFFF086;
	s6 =	sadd.s32 @!p0 s3, s7;
	s7 =	simm.s32 @!p0 $0x108  }
0x21: {  	s3 =	sadd.s32 s3, s9;
	s6 =	sadd.s32 @!p0 $0x88, s6;
	s7 =	simm.s32 @p2 $0x1082  }
0x22: {  	[simem:s7], [sflag:s8] =	dma.local @!p0 [hbm:s6], $0xF7A  }
0x23: {  	s9 =	sor.u32 $0xD0000000, s2;
	s6 =	simm.s32 $0x108;
	_ =	swait.ge @!p0 [sflag:s8], $0x0  }
0x24: {  	s3 =	sadd.s32 $0x88, s3;
	s6 =	simm.s32 @!p1 $0x1082;
	[sflag:s4] =	ssyncset.s32 $0xFFFFF086  }
0x25: {  	[simem:s6], [sflag:s4] =	dma.local [hbm:s3], $0xF7A  }
0x26: {  	[smem:$0x3F9F] =	sst s1;
	(tag) =	ssettag s2;
	_ =	strace s9  }
0x27: {  	s1 =	sld [smem:$0x3FAF]  }
0x28: {  	s2 =	sld [smem:$0x3FB0]  }
0x29: {  	s4 =	sld [smem:$0x3FB2]  }
0x2a: {  	p0 =	seq.s32 s5, $0x0;
	s5 =	sld [smem:$0x3FB3]  }
0x2b: {  	s6 =	sld [smem:$0x3FB4]  }
0x2c: {  	s7 =	sld [smem:$0x3FB5]  }
0x2d: {  	s3 =	simm.s32 $0x108;
	s8 =	sld [smem:$0x3FB6]  }
0x2e: {  	s3 =	simm.s32 @!p0 $0x1082;
	s9 =	sld [smem:$0x3FB7]  }
0x2f: {  	lr =	sadd.s32 s0, s3;
	s0 =	sld [smem:$0x3FAE]  }
0x30: {  	s3 =	sld [smem:$0x3FB1]  }
0x31: {  	[smem:$0x3FBA] =	sst s10  }
0x32: {  	s10 =	sld [smem:$0x3FB8];
	_ =	sdelay $0x3  }
0x33: {  	p0 =	seq.s32 s10, $0x1;
	s10 =	sld [smem:$0x3FBA];
	_ =	sdelay $0x3  }
0x34: {  	[smem:$0x3FBA] =	sst s10  }
0x35: {  	s10 =	sld [smem:$0x3FB9];
	_ =	sdelay $0x3  }
0x36: {  	p1 =	seq.s32 s10, $0x1;
	s10 =	sld [smem:$0x3FBA];
	_ =	sdelay $0x3  }
0x37: {  	[smem:$0x3FBA] =	sst s10  }
0x38: {  	s10 =	sld [smem:$0x3FBB]  }
0x39: {  	_ = 	snop;
	(pc) =	sbr.ind lr, $3  }
0x3a: {  	_ = 	snop  }
0x3b: {  	_ = 	snop  }
0x3c: {  	p2 =	seq.s32 s10, $0x1;
	s10 =	sld [smem:$0x3FBA]  }
0x3d: {  	_ =	shalt  }
0x3e: {  	_ =	shalt  }
0x3f: {  	_ =	shalt  }
0x40: {  	_ =	shalt  }
0x41: {  	_ =	shalt  }
0x42: {  	_ =	shalt  }
0x43: {  	_ =	shalt  }
0x44: {  	_ =	shalt  }
0x45: {  	_ =	shalt  }
0x46: {  	_ =	shalt  }
0x47: {  	_ =	shalt  }
0x48: {  	_ =	shalt  }
0x49: {  	_ =	shalt  }
0x4a: {  	_ =	shalt  }
0x4b: {  	_ =	shalt  }
0x4c: {  	_ =	shalt  }
0x4d: {  	_ =	shalt  }
0x4e: {  	_ =	shalt  }
0x4f: {  	_ =	shalt  }
0x50: {  	_ =	shalt  }
0x51: {  	_ =	shalt  }
0x52: {  	_ =	shalt  }
0x53: {  	_ =	shalt  }
0x54: {  	_ =	shalt  }
0x55: {  	_ =	shalt  }
0x56: {  	_ =	shalt  }
0x57: {  	_ =	shalt  }
0x58: {  	_ =	shalt  }
0x59: {  	_ =	shalt  }
0x5a: {  	_ =	shalt  }
0x5b: {  	_ =	shalt  }
0x5c: {  	_ =	shalt  }
0x5d: {  	_ =	shalt  }
0x5e: {  	_ =	shalt  }
0x5f: {  	_ =	shalt  }
0x60: {  	_ =	shalt  }
0x61: {  	_ =	shalt  }
0x62: {  	_ =	shalt  }
0x63: {  	_ =	shalt  }
0x64: {  	_ =	shalt  }
0x65: {  	_ =	shalt  }
0x66: {  	_ =	shalt  }
0x67: {  	_ =	shalt  }
0x68: {  	_ =	shalt  }
0x69: {  	_ =	shalt  }
0x6a: {  	_ =	shalt  }
0x6b: {  	_ =	shalt  }
0x6c: {  	_ =	shalt  }
0x6d: {  	_ =	shalt  }
0x6e: {  	_ =	shalt  }
0x6f: {  	_ =	shalt  }
0x70: {  	_ =	shalt  }
0x71: {  	_ =	shalt  }
0x72: {  	_ =	shalt  }
0x73: {  	_ =	shalt  }
0x74: {  	_ =	shalt  }
0x75: {  	_ =	shalt  }
0x76: {  	_ =	shalt  }
0x77: {  	_ =	shalt  }
0x78: {  	_ =	shalt  }
0x79: {  	_ =	shalt  }
0x7a: {  	_ =	shalt  }
0x7b: {  	_ =	shalt  }
0x7c: {  	_ =	shalt  }
0x7d: {  	_ =	shalt  }
0x7e: {  	_ =	shalt  }
0x7f: {  	_ =	shalt  }
0x80: {  	_ =	shalt  }
0x81: {  	_ =	shalt  }
0x82: {  	_ =	shalt  }
0x83: {  	_ =	shalt  }
0x84: {  	_ =	shalt  }
0x85: {  	_ =	shalt  }
0x86: {  	_ =	shalt  }
0x87: {  	_ =	shalt  }
.Lfunc_end0:
.L_simem_size_0:
called_computation_lowered:
.L_overlay_start_0:
0x88: {  	s2 =	sld [smem:$0x3FD9]  }
0x89: {  	s3 =	sld [smem:$0x3FFE];
	_ =	sdelay $0x1  }
0x8a: {  	s1 =	srdreg.scid  }
0x8b: {  	s0 =	sand.u32 $0x1, s1  }
0x8c: {  	s17 =	sshll.u32 s0, $0xA;
	s2 =	sadd.s32 s3, s2  }
0x8d: {  	s2 =	sadd.s32 s2, s17  }
0x8e: {  	[smem:$0x3FC6] =	sst s2  }
0x8f: {  	_ = 	snop  }
0x90: {  	s2 =	sld [smem:$0x3FC9]  }
0x91: {  	s18 =	sld [smem:$0x3FD0];
	(tm) =	ssettm $0x1  }
0x92: {  	s4 =	sld [smem:$0x3FFB];
	_ =	sdelay $0x3  }
0x93: {  	_ =	strace s4  }
0x94: {  	s4 =	sld [smem:$0x3FFC];
	_ =	sdelay $0x3  }
0x95: {  	_ =	strace s4  }
0x96: {  	s4 =	sld [smem:$0x3FFD];
	_ =	sdelay $0x3  }
0x97: {  	_ =	strace s4  }
0x98: {  	_ =	strace $0x8FFFFFFF  }
0x99: {  	s19 =	sld [smem:$0x3FDB];
	_ =	sdelay $0x1  }
0x9a: {  	s5 =	simm.s32 $_scs_section_size  }
0x9b: {  	s6 =	simm.s32 $_size__tile_overlayer_lowered;
	s7 =	simm.s32 $_tile_overlayer_lowered  }
0x9c: {  	s22 =	simm.s32 $0x1BFF;
	s21 =	sshll.u32 s7, $0x1;
	s4 =	sadd.s32 s5, s19  }
0x9d: {  	s8 =	simm.s32 $0x0;
	s20 =	sshll.u32 s6, $0x1;
	s6 =	sadd.s32 s21, s4  }
0x9e: {  	[timem:s8], [sflag:s22] =	dma.local [hbm:s6], s20  }
0x9f: {  	_ =	swait.ge [sflag:s22], s20  }
0xa0: {  	s5 =	ssub.s32 $0x0, s20;
	[sflag:s22] =	ssyncset.done $0x0  }
0xa1: {  	[sflag:s22] =	ssyncadd.s32 s5;
	_ =	sdelay $0x1  }
0xa2: {  	s23 =	simm.s32 $0x1B8B  }
0xa3: {  	_ =	swait.ge [sflag:s23], $0x1  }
0xa4: {  	[sflag:s23] =	ssyncset.done $0x0  }
0xa5: {  	s25 =	simm.s32 $0x1B8E;
	s24 =	sld [smem:$0x3FFE];
	[sflag:s23] =	ssyncadd.s32 $0xFFFFFFFF  }
0xa6: {  	s26 =	simm.s32 $execute0_lowered;
	[smem:$0x3FD2] =	sst s25  }
0xa7: {  	s6 =	sshll.u32 s26, $0x1;
	_ =	strace $0x80000046;
	[dreg:$0x1] =	wrdreg $0xFFFFFFFF  }
0xa8: {  	s28 =	simm.s32 $_size_execute0_lowered;
	s4 =	sadd.s32 s4, s6;
	[dreg:$0x0] =	wrdreg $0x0  }
0xa9: {  	s6 =	sshll.u32 s28, $0x1;
	[dreg:$0x2] =	wrdreg s4  }
0xaa: {  	[dreg:$0x3] =	wrdreg s6  }
0xab: {  	[dreg:$0x4] =	wrdreg $0xC0  }
0xac: {  	_ =	task [dreg:s8], $0x5FFFF  }
0xad: {  	[dreg:$0x1] =	wrdreg $0xFFFFFFFF  }
0xae: {  	[dreg:$0x0] =	wrdreg $0x60  }
0xaf: {  	[dreg:$0x2] =	wrdreg s2  }
0xb0: {  	[dreg:$0x3] =	wrdreg s24  }
0xb1: {  	[dreg:$0x4] =	wrdreg s18  }
0xb2: {  	[dreg:$0x5] =	wrdreg $0x0  }
0xb3: {  	[dreg:$0x6] =	wrdreg $0x9  }
0xb4: {  	_ =	task.clear_ibuf [dreg:s8], $0x7FFFF;
	_ =	strace $0x90000046  }
0xb5: {  	s29 =	simm.s32 $0x9;
	_ =	strace $0x80000048  }
0xb6: {  	_ =	swait.ge [sflag:s29], $0x1  }
0xb7: {  	[sflag:s29] =	ssyncadd.s32 $0xFFFFFFFF  }
0xb8: {  	_ =	strace $0x90000048  }
0xb9: {  	_ =	sfence  }
0xba: {  	s30 =	sld [smem:$0x0];
	_ =	sdelay $0x2  }
0xbb: {  	s31 =	sshll.u32 s1, $0xD;
	s1 =	sshrl.u32 s1, $0x2  }
0xbc: {  	s3 =	sand.u32 $0x4000, s31;
	s1 =	sadd.s32 s1, s30  }
0xbd: {  	s0 =	sor.u32 s3, s0;
	s1 =	sshll.u32 s1, $0x11  }
0xbe: {  	s0 =	sor.u32 s1, s0  }
0xbf: {  	s0 =	sadd.s32 $0x8F2B, s0  }
0xc0: {  	[sflag:s0] =	ssyncadd.remote.s32 $0x1  }
0xc1: {  	_ =	sfence.sel $0xFFFF  }
0xc2: {  	[dreg:$0x0] =	wrdreg $0xFFFFFFFF;
	(pc) =	sbr.abs _section_cstart, $3  }
0xc3: {  	[dreg:$0x1] =	wrdreg $0xFFFFFFFF  }
0xc4: {  	_ =	task.clear_ibuf [dreg:s8], $0x2FFFF;
	_ =	strace $0x9FFFFFFF  }
0xc5: {  	(tm) =	ssettm $0x7FFFFFFF  }
tec
execute0_lowered:
.L_overlay_start_1:
0x0: {  	(tag) =	ssettag $0x1  }
0x1: {  	s0 =	rddreg [dreg:$0x0]  }
0x2: {  	s1 =	rddreg [dreg:$0x1]  }
0x3: {  	s2 =	rddreg [dreg:$0x2];
	s4 =	srdreg.scid  }
0x4: {  	s12 =	stileid.u32;
	s3 =	rddreg [dreg:$0x3]  }
0x5: {  	s30 =	simm.s32 $0x6;
	s5 =	sand.u32 $0x1, s4;
	s16 =	smul.u32 $0x50000, s12  }
0x6: {  	s23 =	sshll.u32 s12, $0x1;
	s7 =	sshrl.u32 s12, $0x2;
	s17 =	smul.u32 $0x14000, s12  }
0x7: {  	s4 =	simm.s32 $0x0;
	s31 =	sshll.u32 s12, $0x6;
	s19 =	smul.u32 $0x2800, s12  }
0x8: {  	s13 =	sadd.s32 $0x25800, s0;
	p0 =	sgt.u32 s12, $0x1;
	s9 =	smul.u32 $0x14C0800, s7  }
0x9: {  	p1 =	seq.s32 s12, $0xF;
	s6 =	sor.u32 s5, s23;
	s7 =	smul.u32 $0x27100, s7  }
0xa: {  	s12 =	simm.s32 $0x1;
	[smem:$0x7FF] =	sst s4;
	s24 =	smul.u32 $0x4E, s6  }
0xb: {  	s5 =	ssub.s32 $0x2, s5;
	s8 =	sand.u32 $0x7, s6;
	s26 =	smul.u32 $0x14C0800, s6  }
0xc: {  	_ =	strace $0x80000047;
	s11 =	sshrl.u32 s5, $0x1;
	s29 =	smul.u32 $0x138800, s6  }
0xd: {  	s28 =	smin.u32 s6, $0x4;
	[dreg:$0x9] =	wrdreg s13;
	s6 =	smul.u32 $0x4F, s6  }
0xe: {  	s20 =	sshrl.u32 s16, $0x2;
	s21 =	sshrl.u32 s17, $0x3;
	s22 =	sadd.s32 s0, s19  }
0xf: {  	[dreg:$0x7] =	wrdreg s31;
	s16 =	simm.s32 $0x0;
	s10 =	smul.u32 $0x27000, s8  }
0x10: {  	s8 =	smul.u32 $0x4E00, s8;
	s5 =	ssub.s32 s5, s11;
	[dreg:$0xe] =	wrdreg s22  }
0x11: {  	s23 =	sadd.s32 s0, s21;
	[dreg:$0xc] =	wrdreg s6;
	s6 =	sadd.s32 s20, s3  }
0x12: {  	s14 =	sshrl.u32 s26, $0x3;
	s26 =	sadd.s32 $0x4E200, s23;
	[dreg:$0xd] =	wrdreg s6  }
0x13: {  	s15 =	sshrl.u32 s29, $0x3;
	s29 =	smax.u32 s5, $0x1;
	[dreg:$0x11] =	wrdreg s26  }
0x14: {  	s7 =	sadd.s32 s7, s8;
	s6 =	sadd.s32 $0x75300, s23;
	[dreg:$0x15] =	wrdreg s29  }
0x15: {  	s8 =	sadd.s32 s0, s15;
	s7 =	sadd.s32 s0, s7;
	[dreg:$0x13] =	wrdreg s6  }
0x16: {  	s9 =	sadd.s32 s9, s10;
	s18 =	sadd.s32 $0x27000, s8;
	[dreg:$0x6] =	wrdreg s7  }
0x17: {  	s6 =	sor.u32 $0x1C05, s31;
	s31 =	sadd.s32 $0x12C000, s3;
	[dreg:$0xb] =	wrdreg s18  }
0x18: {  	s21 =	sadd.s32 $0x557300, s2;
	s9 =	sshrl.u32 s9, $0x3;
	[dreg:$0x17] =	wrdreg s31  }
0x19: {  	s15 =	sadd.s32 $0x27100, s2;
	s25 =	sadd.s32 s2, s9;
	[dreg:$0x16] =	wrdreg s6  }
0x1a: {  	s26 =	sadd.s32 $0x5000, s1;
	s7 =	sadd.s32 s28, s24;
	[dreg:$0x5] =	wrdreg s25  }
0x1b: {  	s10 =	simm.s32 $0x13A80;
	s24 =	sadd.s32 $0x27100, s23;
	[dreg:$0x8] =	wrdreg s7  }
.Ltmp0:
0x1c: {  	s28 =	sadd.s32 $0x73A00, s0;
	[dreg:$0xf] =	wrdreg s24;
	(pc) =	sbr.rel .LBB2_1-.Ltmp0, $4  }
0x1d: {  	s8 =	simm.s32 $0x2;
	s25 =	sadd.s32 $0x4C900, s0;
	[dreg:$0x12] =	wrdreg s28  }
0x1e: {  	s7 =	sadd.s32 s2, s14;
	s0 =	sadd.s32 $0x9AB00, s0;
	[dreg:$0x10] =	wrdreg s25  }
0x1f: {  	s18 =	sadd.s32 $0x2BF200, s2;
	s7 =	sadd.s32 $0x27000, s7;
	[dreg:$0x14] =	wrdreg s0  }
0x20: {  	s24 =	sadd.s32 $0x7EF400, s2;
	s14 =	simm.s32 $0x15A80;
	[dreg:$0xa] =	wrdreg s7  }
.LBB2_46:
0x21: {  	s0 =	simm.s32 $0x3  }
0x22: {  	_ =	swait.ge [sflag:s0], $0x2000  }
0x23: {  	[sflag:s0] =	ssyncset.done $0x0  }
0x24: {  	s29 =	simm.s32 $0x4;
	[sflag:s0] =	ssyncadd.s32 $0xFFFFE000  }
0x25: {  	_ =	swait.ge [sflag:s29], $0x2000  }
0x26: {  	[sflag:s29] =	ssyncset.done $0x0  }
0x27: {  	[sflag:s29] =	ssyncadd.s32 $0xFFFFE000  }
0x28: {  	s31 =	simm.s32 $0x5;
	[bflag:$0x0] =	sbarrier.arrive $0xFFFF  }
0x29: {  	_ =	swait.ge [sflag:s31], $0x4E00  }
0x2a: {  	[sflag:s31] =	ssyncset.done $0x0  }
0x2b: {  	s0 =	simm.s32 @!p0 $0x5;
	[sflag:s31] =	ssyncadd.s32 $0xFFFFB200  }
0x2c: {  	_ =	swait.ge @!p0 [sflag:s0], $0x100  }
0x2d: {  	s16 =	sadd.s32 $0x1, s16;
	s2 =	rddreg [dreg:$0x15]  }
0x2e: {  	p2 =	sne.s32 s16, s2  }
.Ltmp1:
0x2f: {  	_ = 	snop;
	(pc) =	sbr.rel @!p2 .LBB2_47-.Ltmp1, $3  }
0x30: {  	_ =	sdelay $0x1  }
0x31: {  	[sflag:s0] =	ssyncset.done @!p0 $0x0  }
0x32: {  	s6 =	rddreg [dreg:$0x16];
	[sflag:s0] =	ssyncadd.s32 @!p0 $0xFFFFFF00  }
.LBB2_1:
.Ltmp2:
0x33: {  	(pc) =	sbr.rel @p0 .LBB2_3-.Ltmp2, $4  }
0x34: {  	_ = 	snop  }
0x35: {  	s0 =	rddreg [dreg:$0x5]  }
0x36: {  	s2 =	rddreg [dreg:$0x6]  }
0x37: {  	[hbm:s0], [sflag:s6] =	dma.local [hbm:s2], $0x4E00  }
.Ltmp3:
0x38: {  	(pc) =	sbr.rel .LBB2_4-.Ltmp3, $4  }
0x39: {  	s0 =	rddreg [dreg:$0xa]  }
0x3a: {  	s2 =	rddreg [dreg:$0xb]  }
0x3b: {  	[hbm:s0], [sflag:s6] =	dma.local [hbm:s2], $0x100  }
0x3c: {  	s17 =	simm.s32 $0x4F;
	s19 =	rddreg [dreg:$0xc]  }
.LBB2_3:
.Ltmp4:
0x3d: {  	(pc) =	sbr.rel @!p1 .LBB2_4-.Ltmp4, $2  }
0x3e: {  	_ =	sdelay $0x2  }
0x3f: {  	s17 =	simm.s32 $0x4E;
	s19 =	rddreg [dreg:$0x8]  }
0x40: {  	s0 =	rddreg [dreg:$0x17]  }
0x41: {  	s2 =	rddreg [dreg:$0x9]  }
.Ltmp5:
0x42: {  	s5 =	simm.s32 $0x1FC6;
	s0 =	sshrl.u32 s0, $0x3;
	(pc) =	sbr.rel .LBB2_6-.Ltmp5, $4  }
0x43: {  	[spmem:s0], [sflag:s5] =	dma.local [hbm:s2], $0x1900  }
0x44: {  	_ =	swait.ge [sflag:s30], $0x1900  }
0x45: {  	p2 =	por $0x1, $0x1;
	[sflag:s30] =	ssyncset.done $0x0  }
0x46: {  	s17 =	simm.s32 $0x4E;
	s19 =	rddreg [dreg:$0x8];
	[sflag:s30] =	ssyncadd.s32 $0xFFFFE700  }
.LBB2_4:
0x47: {  	s0 =	rddreg [dreg:$0x7]  }
0x48: {  	s2 =	rddreg [dreg:$0xd]  }
0x49: {  	s5 =	rddreg [dreg:$0xe];
	s0 =	sor.u32 $0x1C06, s0;
	s2 =	sshrl.u32 s2, $0x3  }
0x4a: {  	[spmem:s2], [sflag:s0] =	dma.local [hbm:s5], $0x2800  }
0x4b: {  	_ =	swait.ge [sflag:s30], $0x2800  }
0x4c: {  	[sflag:s30] =	ssyncset.done $0x0  }
0x4d: {  	p2 =	por $0x0, $0x0;
	[sflag:s30] =	ssyncadd.s32 $0xFFFFD800  }
.LBB2_6:
0x4e: {  	s2 =	sshll.u32 s19, $0x3;
	[bflag:$0x0] =	sbarrier.arrive $0xFFFF  }
0x4f: {  	s0 =	simm.s32 $0x0;
	s5 =	simm.s32 $0x13880;
	s22 =	sadd.s32 s26, s2  }
0x50: {  	[tilespmem:s5], [sflag:$0x6] =	stream.linear.gather [hbm4b:s22+s0], $0x40, $0x38;
	[tilespmem:$0x1BA80] =	vst v63  }
0x51: {  	_ =	swait.ge [sflag:s30], $0x40  }
0x52: {  	[sflag:s30] =	ssyncset.done $0x0  }
0x53: {  	s29 =	simm.s32 $0x13980;
	s23 =	sadd.s32 s1, s2;
	[sflag:s30] =	ssyncadd.s32 $0xFFFFFFC0  }
0x54: {  	[tilespmem:s29], [sflag:$0x6] =	stream.linear.gather [hbm4b:s23+s0], $0x40, $0x38;
	[tilespmem:$0x1BA80] =	vst v63  }
0x55: {  	_ =	swait.ge [sflag:s30], $0x40  }
.Ltmp6:
0x56: {  	[sflag:s30] =	ssyncset.done $0x0;
	(pc) =	sbr.rel .LBB2_7-.Ltmp6, $4  }
0x57: {  	s6 =	simm.s32 $0x40;
	[sflag:s30] =	ssyncadd.s32 $0xFFFFFFC0  }
0x58: {  	[tilespmem:s10], [sflag:$0x1] =	stream.indirect.gather [spmem:s3], $0x80, s5, s6, $0xb8;
	[tilespmem:$0x1BA80] =	vst v63  }
0x59: {  	s31 =	simm.s32 $0x17A80;
	s20 =	sadd.s32 $0xFFFFFFFE, s17  }
0x5a: {  	[tilespmem:s31], [sflag:$0x1] =	stream.indirect.gather [spmem:s3], $0x80, s29, s6, $0xb8;
	[tilespmem:$0x1BA80] =	vst v63  }
.LBB2_15:
0x5b: {  	s0 =	sadd.s32 $0x1, s0  }
0x5c: {  	p3 =	sne.s32 s0, $0x28  }
.Ltmp7:
0x5d: {  	_ = 	snop;
	(pc) =	sbr.rel @!p3 .LBB2_16-.Ltmp7, $1  }
0x5e: {  	_ =	sdelay $0x3  }
.LBB2_7:
0x5f: {  	s13 =	sshll.u32 s0, $0x1  }
0x60: {  	p4 =	sge.u32 s13, s17  }
.Ltmp8:
0x61: {  	_ = 	snop;
	(pc) =	sbr.rel @p4 .LBB2_11-.Ltmp8, $3  }
0x62: {  	_ =	sdelay $0x1  }
0x63: {  	s6 =	sshllo.u32 s0, $0x1  }
0x64: {  	p3 =	sge.u32 s6, s17  }
0x65: {  	p4 =	seq.s32 @!p3 s0, $0x0  }
0x66: {  	p4 =	por p4, p3  }
0x67: {  	s2 =	simm.s32 @!p4 $0x4  }
0x68: {  	s11 =	sadd.s32 @!p3 s19, s13;
	_ =	swait.ge @!p4 [sflag:s2], $0x2000  }
0x69: {  	s11 =	sshll.u32 @!p3 s11, $0x3;
	[sflag:s2] =	ssyncset.done @!p4 $0x0  }
0x6a: {  	[sflag:s2] =	ssyncadd.s32 @!p4 $0xFFFFE000;
	s2 =	sadd.s32 @!p3 $0x8, s11  }
0x6b: {  	s25 =	simm.s32 @!p3 $0x0;
	s28 =	simm.s32 @!p3 $0x13900;
	s11 =	sadd.s32 @!p3 s26, s2  }
0x6c: {  	[tilespmem:s28], [sflag:$0x6] =	stream.linear.gather @!p3 [hbm4b:s11+s25], $0x40, $0x38;
	[tilespmem:$0x1BA80] =	vst v63  }
0x6d: {  	s11 =	simm.s32 @!p3 $0x6  }
0x6e: {  	_ =	swait.ge @!p3 [sflag:s11], $0x40  }
0x6f: {  	[sflag:s11] =	ssyncset.done @!p3 $0x0  }
0x70: {  	s29 =	simm.s32 @!p3 $0x13A00;
	s2 =	sadd.s32 @!p3 s1, s2;
	[sflag:s11] =	ssyncadd.s32 @!p3 $0xFFFFFFC0  }
0x71: {  	[tilespmem:s29], [sflag:$0x6] =	stream.linear.gather @!p3 [hbm4b:s2+s25], $0x40, $0x38;
	[tilespmem:$0x1BA80] =	vst v63  }
0x72: {  	_ =	swait.ge @!p3 [sflag:s11], $0x40  }
0x73: {  	[sflag:s11] =	ssyncset.done @!p3 $0x0  }
0x74: {  	s2 =	simm.s32 @!p3 $0x40;
	[sflag:s11] =	ssyncadd.s32 @!p3 $0xFFFFFFC0;
	s11 =	simm.s32 @!p3 $0x15A80  }
0x75: {  	[tilespmem:s11], [sflag:$0x2] =	stream.indirect.gather @!p3 [spmem:s3], $0x80, s28, s2, $0xb8;
	[tilespmem:$0x1BA80] =	vst v63  }
0x76: {  	s11 =	simm.s32 @!p3 $0x19A80  }
0x77: {  	[tilespmem:s11], [sflag:$0x2] =	stream.indirect.gather @!p3 [spmem:s3], $0x80, s29, s2, $0xb8;
	[tilespmem:$0x1BA80] =	vst v63  }
0x78: {  	_ =	swait.ge [sflag:s12], $0x2000  }
0x79: {  	[sflag:s12] =	ssyncset.done $0x0  }
0x7a: {  	[sflag:s12] =	ssyncadd.s32 $0xFFFFE000  }
0x7b: {  	_ =	swait.ge [sflag:s12], $0x2000  }
0x7c: {  	[sflag:s12] =	ssyncset.done $0x0  }
0x7d: {  	s11 =	simm.s32 $0x0;
	[sflag:s12] =	ssyncadd.s32 $0xFFFFE000  }
0x7e: {  	v6 =	vld [tilespmem:s11+$0x17A80]  }
0x7f: {  	v11 =	vld [tilespmem:s11+$0x17A90]  }
0x80: {  	v5 =	vld [tilespmem:s11+$0x17AA0]  }
0x81: {  	v4 =	vld [tilespmem:s11+$0x17AB0]  }
0x82: {  	v3 =	vld [tilespmem:s11+$0x17AC0]  }
0x83: {  	v2 =	vld [tilespmem:s11+$0x17AD0]  }
0x84: {  	v1 =	vld [tilespmem:s11+$0x17AE0]  }
0x85: {  	v0 =	vld [tilespmem:s11+$0x17AF0]  }
0x86: {  	v12 =	vld [tilespmem:s11+$0x13A80]  }
0x87: {  	v13 =	vld [tilespmem:s11+$0x13A90]  }
0x88: {  	v10 =	vld [tilespmem:s11+$0x13AA0]  }
0x89: {  	v9 =	vld [tilespmem:s11+$0x13AB0]  }
0x8a: {  	v8 =	vld [tilespmem:s11+$0x13AC0]  }
0x8b: {  	v7 =	vld [tilespmem:s11+$0x13AD0];
	v12 =	vadd.f32 v6, v12  }
0x8c: {  	s25 =	simm.s32 $0x200;
	v11 =	vadd.f32 v11, v13;
	v6 =	vld [tilespmem:s11+$0x13AE0]  }
.LBB2_9:
0x8d: {  	s2 =	sshra.s32 s25, $0x2;
	p4 =	sne.s32 s25, $0x7E00;
	v12 =	vmul.f32 $5.000000000e-01, v12;
	v5 =	vadd.f32 v5, v10;
	v10 =	vld [tilespmem:s11+$0x13AF0]  }
0x8e: {  	v13 =	vld [tilespmem:s2+$0x17A80];
	v11 =	vmul.f32 $5.000000000e-01, v11;
	v4 =	vadd.f32 v4, v9  }
0x8f: {  	v14 =	vld [tilespmem:s2+$0x17A90];
	[tilespmem:s11+$0x13A80] =	vst v12;
	v9 =	vmul.f32 $5.000000000e-01, v5;
	v3 =	vadd.f32 v3, v8  }
0x90: {  	v5 =	vld [tilespmem:s2+$0x17AA0];
	[tilespmem:s11+$0x13A90] =	vst v11;
	v8 =	vmul.f32 $5.000000000e-01, v4;
	v2 =	vadd.f32 v2, v7  }
0x91: {  	v4 =	vld [tilespmem:s2+$0x17AB0];
	[tilespmem:s11+$0x13AA0] =	vst v9;
	v7 =	vmul.f32 $5.000000000e-01, v3;
	v1 =	vadd.f32 v1, v6  }
0x92: {  	v3 =	vld [tilespmem:s2+$0x17AC0];
	[tilespmem:s11+$0x13AB0] =	vst v8;
	v6 =	vmul.f32 $5.000000000e-01, v2;
	v0 =	vadd.f32 v0, v10  }
0x93: {  	v2 =	vld [tilespmem:s2+$0x17AD0];
	[tilespmem:s11+$0x13AC0] =	vst v7;
	v7 =	vmul.f32 $5.000000000e-01, v1  }
0x94: {  	v1 =	vld [tilespmem:s2+$0x17AE0];
	[tilespmem:s11+$0x13AD0] =	vst v6;
	v6 =	vmul.f32 $5.000000000e-01, v0  }
0x95: {  	v0 =	vld [tilespmem:s2+$0x17AF0];
	[tilespmem:s11+$0x13AE0] =	vst v7  }
0x96: {  	v7 =	vld [tilespmem:s2+$0x13A80];
	[tilespmem:s11+$0x13AF0] =	vst v6;
	s11 =	smov.u32 s2  }
0x97: {  	v6 =	vld [tilespmem:s11+$0x13A90]  }
.Ltmp9:
0x98: {  	v10 =	vld [tilespmem:s11+$0x13AA0];
	(pc) =	sbr.rel @p4 .LBB2_9-.Ltmp9, $4  }
0x99: {  	v9 =	vld [tilespmem:s11+$0x13AB0]  }
0x9a: {  	v8 =	vld [tilespmem:s11+$0x13AC0]  }
0x9b: {  	v12 =	vadd.f32 v13, v7;
	v7 =	vld [tilespmem:s11+$0x13AD0]  }
0x9c: {  	s25 =	sadd.s32 $0x200, s25;
	v11 =	vadd.f32 v14, v6;
	v6 =	vld [tilespmem:s11+$0x13AE0]  }
0x9d: {  	v12 =	vmul.f32 $5.000000000e-01, v12;
	v5 =	vadd.f32 v5, v10;
	v63 =	vld [tilespmem:s11+$0x13AF0]  }
0x9e: {  	v11 =	vmul.f32 $5.000000000e-01, v11;
	v4 =	vadd.f32 v4, v9  }
0x9f: {  	[tilespmem:s11+$0x13A80] =	vst v12;
	v5 =	vmul.f32 $5.000000000e-01, v5;
	v3 =	vadd.f32 v3, v8  }
0xa0: {  	[tilespmem:s11+$0x13A90] =	vst v11;
	v4 =	vmul.f32 $5.000000000e-01, v4;
	v2 =	vadd.f32 v2, v7  }
0xa1: {  	[tilespmem:s11+$0x13AA0] =	vst v5;
	v3 =	vmul.f32 $5.000000000e-01, v3;
	v1 =	vadd.f32 v1, v6  }
0xa2: {  	[tilespmem:s11+$0x13AB0] =	vst v4;
	v2 =	vmul.f32 $5.000000000e-01, v2;
	v0 =	vadd.f32 v0, v63  }
0xa3: {  	[tilespmem:s11+$0x13AC0] =	vst v3;
	v1 =	vmul.f32 $5.000000000e-01, v1  }
0xa4: {  	s2 =	sadd.s32 s19, s13;
	[tilespmem:s11+$0x13AD0] =	vst v2;
	v0 =	vmul.f32 $5.000000000e-01, v0  }
0xa5: {  	s2 =	sshll.u32 s2, $0xA;
	[tilespmem:s11+$0x13AE0] =	vst v1  }
0xa6: {  	s2 =	sadd.s32 s2, s15;
	[tilespmem:s11+$0x13AF0] =	vst v0  }
0xa7: {  	[hbm4b:s2+s4] =	stream.linear.scatter [tilespmem:s10], [sflag:$0x3], $0x2000, $0x38;
	[tilespmem:$0x1BA80] =	vst v63  }
.LBB2_11:
.Ltmp10:
0xa8: {  	(pc) =	sbr.rel @p3 .LBB2_15-.Ltmp10, $1  }
0xa9: {  	_ =	sdelay $0x3  }
0xaa: {  	p3 =	sge.u32 s13, s20  }
0xab: {  	s2 =	simm.s32 @!p3 $0x3  }
0xac: {  	s11 =	sadd.s32 @!p3 s19, s6;
	_ =	swait.ge @!p3 [sflag:s2], $0x2000  }
0xad: {  	s11 =	sshll.u32 @!p3 s11, $0x3;
	[sflag:s2] =	ssyncset.done @!p3 $0x0  }
0xae: {  	[sflag:s2] =	ssyncadd.s32 @!p3 $0xFFFFE000;
	s2 =	sadd.s32 @!p3 $0x8, s11  }
0xaf: {  	s13 =	simm.s32 @!p3 $0x0;
	s25 =	simm.s32 @!p3 $0x13880;
	s11 =	sadd.s32 @!p3 s26, s2  }
0xb0: {  	[tilespmem:s25], [sflag:$0x6] =	stream.linear.gather @!p3 [hbm4b:s11+s13], $0x40, $0x38;
	[tilespmem:$0x1BA80] =	vst v63  }
0xb1: {  	s11 =	simm.s32 @!p3 $0x6  }
0xb2: {  	_ =	swait.ge @!p3 [sflag:s11], $0x40  }
0xb3: {  	[sflag:s11] =	ssyncset.done @!p3 $0x0  }
0xb4: {  	s28 =	simm.s32 @!p3 $0x13980;
	s2 =	sadd.s32 @!p3 s1, s2;
	[sflag:s11] =	ssyncadd.s32 @!p3 $0xFFFFFFC0  }
0xb5: {  	[tilespmem:s28], [sflag:$0x6] =	stream.linear.gather @!p3 [hbm4b:s2+s13], $0x40, $0x38;
	[tilespmem:$0x1BA80] =	vst v63  }
0xb6: {  	_ =	swait.ge @!p3 [sflag:s11], $0x40  }
0xb7: {  	[sflag:s11] =	ssyncset.done @!p3 $0x0  }
0xb8: {  	s2 =	simm.s32 @!p3 $0x40;
	[sflag:s11] =	ssyncadd.s32 @!p3 $0xFFFFFFC0;
	s11 =	simm.s32 @!p3 $0x13A80  }
0xb9: {  	[tilespmem:s11], [sflag:$0x1] =	stream.indirect.gather @!p3 [spmem:s3], $0x80, s25, s2, $0xb8;
	[tilespmem:$0x1BA80] =	vst v63  }
0xba: {  	s11 =	simm.s32 @!p3 $0x17A80  }
0xbb: {  	[tilespmem:s11], [sflag:$0x1] =	stream.indirect.gather @!p3 [spmem:s3], $0x80, s28, s2, $0xb8;
	[tilespmem:$0x1BA80] =	vst v63  }
0xbc: {  	_ =	swait.ge [sflag:s8], $0x2000  }
0xbd: {  	[sflag:s8] =	ssyncset.done $0x0  }
0xbe: {  	[sflag:s8] =	ssyncadd.s32 $0xFFFFE000  }
0xbf: {  	_ =	swait.ge [sflag:s8], $0x2000  }
0xc0: {  	[sflag:s8] =	ssyncset.done $0x0  }
0xc1: {  	s11 =	simm.s32 $0x0;
	[sflag:s8] =	ssyncadd.s32 $0xFFFFE000  }
0xc2: {  	v6 =	vld [tilespmem:s11+$0x19A80]  }
0xc3: {  	v11 =	vld [tilespmem:s11+$0x19A90]  }
0xc4: {  	v5 =	vld [tilespmem:s11+$0x19AA0]  }
0xc5: {  	v4 =	vld [tilespmem:s11+$0x19AB0]  }
0xc6: {  	v3 =	vld [tilespmem:s11+$0x19AC0]  }
0xc7: {  	v2 =	vld [tilespmem:s11+$0x19AD0]  }
0xc8: {  	v1 =	vld [tilespmem:s11+$0x19AE0]  }
0xc9: {  	v0 =	vld [tilespmem:s11+$0x19AF0]  }
0xca: {  	v12 =	vld [tilespmem:s11+$0x15A80]  }
0xcb: {  	v13 =	vld [tilespmem:s11+$0x15A90]  }
0xcc: {  	v10 =	vld [tilespmem:s11+$0x15AA0]  }
0xcd: {  	v9 =	vld [tilespmem:s11+$0x15AB0]  }
0xce: {  	v8 =	vld [tilespmem:s11+$0x15AC0]  }
0xcf: {  	v7 =	vld [tilespmem:s11+$0x15AD0];
	v12 =	vadd.f32 v6, v12  }
0xd0: {  	s13 =	simm.s32 $0x200;
	v11 =	vadd.f32 v11, v13;
	v6 =	vld [tilespmem:s11+$0x15AE0]  }
.LBB2_13:
0xd1: {  	s2 =	sshra.s32 s13, $0x2;
	p3 =	sne.s32 s13, $0x7E00;
	v12 =	vmul.f32 $5.000000000e-01, v12;
	v5 =	vadd.f32 v5, v10;
	v10 =	vld [tilespmem:s11+$0x15AF0]  }
0xd2: {  	v13 =	vld [tilespmem:s2+$0x19A80];
	v11 =	vmul.f32 $5.000000000e-01, v11;
	v4 =	vadd.f32 v4, v9  }
0xd3: {  	v14 =	vld [tilespmem:s2+$0x19A90];
	[tilespmem:s11+$0x15A80] =	vst v12;
	v9 =	vmul.f32 $5.000000000e-01, v5;
	v3 =	vadd.f32 v3, v8  }
0xd4: {  	v5 =	vld [tilespmem:s2+$0x19AA0];
	[tilespmem:s11+$0x15A90] =	vst v11;
	v8 =	vmul.f32 $5.000000000e-01, v4;
	v2 =	vadd.f32 v2, v7  }
0xd5: {  	v4 =	vld [tilespmem:s2+$0x19AB0];
	[tilespmem:s11+$0x15AA0] =	vst v9;
	v7 =	vmul.f32 $5.000000000e-01, v3;
	v1 =	vadd.f32 v1, v6  }
0xd6: {  	v3 =	vld [tilespmem:s2+$0x19AC0];
	[tilespmem:s11+$0x15AB0] =	vst v8;
	v6 =	vmul.f32 $5.000000000e-01, v2;
	v0 =	vadd.f32 v0, v10  }
0xd7: {  	v2 =	vld [tilespmem:s2+$0x19AD0];
	[tilespmem:s11+$0x15AC0] =	vst v7;
	v7 =	vmul.f32 $5.000000000e-01, v1  }
0xd8: {  	v1 =	vld [tilespmem:s2+$0x19AE0];
	[tilespmem:s11+$0x15AD0] =	vst v6;
	v6 =	vmul.f32 $5.000000000e-01, v0  }
0xd9: {  	v0 =	vld [tilespmem:s2+$0x19AF0];
	[tilespmem:s11+$0x15AE0] =	vst v7  }
0xda: {  	v7 =	vld [tilespmem:s2+$0x15A80];
	[tilespmem:s11+$0x15AF0] =	vst v6;
	s11 =	smov.u32 s2  }
0xdb: {  	v6 =	vld [tilespmem:s11+$0x15A90]  }
.Ltmp11:
0xdc: {  	v10 =	vld [tilespmem:s11+$0x15AA0];
	(pc) =	sbr.rel @p3 .LBB2_13-.Ltmp11, $4  }
0xdd: {  	v9 =	vld [tilespmem:s11+$0x15AB0]  }
0xde: {  	v8 =	vld [tilespmem:s11+$0x15AC0]  }
0xdf: {  	v12 =	vadd.f32 v13, v7;
	v7 =	vld [tilespmem:s11+$0x15AD0]  }
0xe0: {  	s13 =	sadd.s32 $0x200, s13;
	v11 =	vadd.f32 v14, v6;
	v6 =	vld [tilespmem:s11+$0x15AE0]  }
0xe1: {  	v12 =	vmul.f32 $5.000000000e-01, v12;
	v5 =	vadd.f32 v5, v10;
	v63 =	vld [tilespmem:s11+$0x15AF0]  }
0xe2: {  	v11 =	vmul.f32 $5.000000000e-01, v11;
	v4 =	vadd.f32 v4, v9  }
0xe3: {  	[tilespmem:s11+$0x15A80] =	vst v12;
	v5 =	vmul.f32 $5.000000000e-01, v5;
	v3 =	vadd.f32 v3, v8  }
0xe4: {  	[tilespmem:s11+$0x15A90] =	vst v11;
	v4 =	vmul.f32 $5.000000000e-01, v4;
	v2 =	vadd.f32 v2, v7  }
0xe5: {  	[tilespmem:s11+$0x15AA0] =	vst v5;
	v3 =	vmul.f32 $5.000000000e-01, v3;
	v1 =	vadd.f32 v1, v6  }
0xe6: {  	[tilespmem:s11+$0x15AB0] =	vst v4;
	v2 =	vmul.f32 $5.000000000e-01, v2;
	v0 =	vadd.f32 v0, v63  }
.Ltmp12:
0xe7: {  	[tilespmem:s11+$0x15AC0] =	vst v3;
	v1 =	vmul.f32 $5.000000000e-01, v1;
	(pc) =	sbr.rel .LBB2_15-.Ltmp12, $4  }
0xe8: {  	s2 =	sadd.s32 s19, s6;
	[tilespmem:s11+$0x15AD0] =	vst v2;
	v0 =	vmul.f32 $5.000000000e-01, v0  }
0xe9: {  	s2 =	sshll.u32 s2, $0xA;
	[tilespmem:s11+$0x15AE0] =	vst v1  }
0xea: {  	s2 =	sadd.s32 s2, s15;
	[tilespmem:s11+$0x15AF0] =	vst v0  }
0xeb: {  	[hbm4b:s2+s4] =	stream.linear.scatter [tilespmem:s14], [sflag:$0x4], $0x2000, $0x38;
	[tilespmem:$0x1BA80] =	vst v63  }
.LBB2_16:
0xec: {  	s0 =	simm.s32 $0x3  }
0xed: {  	_ =	swait.ge [sflag:s0], $0x2000  }
0xee: {  	[sflag:s0] =	ssyncset.done $0x0  }
0xef: {  	s9 =	simm.s32 $0x4;
	[sflag:s0] =	ssyncadd.s32 $0xFFFFE000  }
0xf0: {  	_ =	swait.ge [sflag:s9], $0x2000  }
0xf1: {  	[sflag:s9] =	ssyncset.done $0x0  }
0xf2: {  	s5 =	stileid.u32;
	[sflag:s9] =	ssyncadd.s32 $0xFFFFE000  }
0xf3: {  	s0 =	sshll.u32 @p2 s5, $0x6;
	[bflag:$0x0] =	sbarrier.arrive $0xFFFF  }
0xf4: {  	s25 =	sor.u32 @p2 $0x1C06, s0;
	s0 =	rddreg [dreg:$0x17]  }
0xf5: {  	s2 =	rddreg [dreg:$0x10];
	s0 =	sshrl.u32 @p2 s0, $0x3  }
0xf6: {  	[spmem:s0], [sflag:s25] =	dma.local @p2 [hbm:s2], $0x1900  }
0xf7: {  	s2 =	simm.s32 @p2 $0x6  }
0xf8: {  	_ =	swait.ge @p2 [sflag:s2], $0x1900  }
0xf9: {  	[sflag:s2] =	ssyncset.done @p2 $0x0  }
0xfa: {  	s6 =	sshll.u32 @!p2 s5, $0x6;
	[sflag:s2] =	ssyncadd.s32 @p2 $0xFFFFE700;
	s2 =	rddreg [dreg:$0xd]  }
0xfb: {  	s29 =	sor.u32 @!p2 $0x1C06, s6;
	s6 =	sshrl.u32 @!p2 s2, $0x3;
	s2 =	rddreg [dreg:$0xf]  }
0xfc: {  	[spmem:s6], [sflag:s29] =	dma.local @!p2 [hbm:s2], $0x2800  }
0xfd: {  	s2 =	simm.s32 @!p2 $0x6  }
0xfe: {  	_ =	swait.ge @!p2 [sflag:s2], $0x2800  }
0xff: {  	[sflag:s2] =	ssyncset.done @!p2 $0x0  }
0x100: {  	[sflag:s2] =	ssyncadd.s32 @!p2 $0xFFFFD800  }
0x101: {  	s28 =	simm.s32 $0x0;
	s11 =	simm.s32 $0x13880;
	[bflag:$0x0] =	sbarrier.arrive $0xFFFF  }
0x102: {  	[tilespmem:s11], [sflag:$0x6] =	stream.linear.gather [hbm4b:s22+s28], $0x40, $0x38;
	[tilespmem:$0x1BA80] =	vst v63  }
0x103: {  	_ =	swait.ge [sflag:s30], $0x40  }
0x104: {  	[sflag:s30] =	ssyncset.done $0x0  }
0x105: {  	s13 =	simm.s32 $0x13980;
	[sflag:s30] =	ssyncadd.s32 $0xFFFFFFC0  }
0x106: {  	[tilespmem:s13], [sflag:$0x6] =	stream.linear.gather [hbm4b:s23+s28], $0x40, $0x38;
	[tilespmem:$0x1BA80] =	vst v63  }
0x107: {  	_ =	swait.ge [sflag:s30], $0x40  }
.Ltmp13:
0x108: {  	[sflag:s30] =	ssyncset.done $0x0;
	(pc) =	sbr.rel .LBB2_17-.Ltmp13, $4  }
0x109: {  	s7 =	simm.s32 $0x40;
	[sflag:s30] =	ssyncadd.s32 $0xFFFFFFC0  }
0x10a: {  	[tilespmem:s10], [sflag:$0x1] =	stream.indirect.gather [spmem:s3], $0x80, s11, s7, $0xb8;
	[tilespmem:$0x1BA80] =	vst v63  }
0x10b: {  	s31 =	simm.s32 $0x17A80  }
0x10c: {  	[tilespmem:s31], [sflag:$0x1] =	stream.indirect.gather [spmem:s3], $0x80, s13, s7, $0xb8;
	[tilespmem:$0x1BA80] =	vst v63  }
.LBB2_25:
0x10d: {  	s28 =	sadd.s32 $0x1, s28  }
0x10e: {  	p3 =	sne.s32 s28, $0x28  }
.Ltmp14:
0x10f: {  	_ = 	snop;
	(pc) =	sbr.rel @!p3 .LBB2_26-.Ltmp14, $1  }
0x110: {  	_ =	sdelay $0x3  }
.LBB2_17:
0x111: {  	s11 =	sshll.u32 s28, $0x1  }
0x112: {  	p4 =	sge.u32 s11, s17  }
.Ltmp15:
0x113: {  	_ = 	snop;
	(pc) =	sbr.rel @p4 .LBB2_21-.Ltmp15, $3  }
0x114: {  	_ =	sdelay $0x1  }
0x115: {  	s13 =	sshllo.u32 s28, $0x1  }
0x116: {  	p3 =	sge.u32 s13, s17  }
0x117: {  	p4 =	seq.s32 @!p3 s28, $0x0  }
0x118: {  	p4 =	por p4, p3  }
0x119: {  	s2 =	simm.s32 @!p4 $0x4  }
0x11a: {  	s31 =	sadd.s32 @!p3 s19, s11;
	_ =	swait.ge @!p4 [sflag:s2], $0x2000  }
0x11b: {  	s31 =	sshll.u32 @!p3 s31, $0x3;
	[sflag:s2] =	ssyncset.done @!p4 $0x0  }
0x11c: {  	[sflag:s2] =	ssyncadd.s32 @!p4 $0xFFFFE000;
	s2 =	sadd.s32 @!p3 $0x8, s31  }
0x11d: {  	s9 =	simm.s32 @!p3 $0x0;
	s7 =	simm.s32 @!p3 $0x13900;
	s31 =	sadd.s32 @!p3 s26, s2  }
0x11e: {  	[tilespmem:s7], [sflag:$0x6] =	stream.linear.gather @!p3 [hbm4b:s31+s9], $0x40, $0x38;
	[tilespmem:$0x1BA80] =	vst v63  }
0x11f: {  	s31 =	simm.s32 @!p3 $0x6  }
0x120: {  	_ =	swait.ge @!p3 [sflag:s31], $0x40  }
0x121: {  	[sflag:s31] =	ssyncset.done @!p3 $0x0  }
0x122: {  	s5 =	simm.s32 @!p3 $0x13A00;
	s2 =	sadd.s32 @!p3 s1, s2;
	[sflag:s31] =	ssyncadd.s32 @!p3 $0xFFFFFFC0  }
0x123: {  	[tilespmem:s5], [sflag:$0x6] =	stream.linear.gather @!p3 [hbm4b:s2+s9], $0x40, $0x38;
	[tilespmem:$0x1BA80] =	vst v63  }
0x124: {  	_ =	swait.ge @!p3 [sflag:s31], $0x40  }
0x125: {  	[sflag:s31] =	ssyncset.done @!p3 $0x0  }
0x126: {  	s2 =	simm.s32 @!p3 $0x40;
	s9 =	simm.s32 @!p3 $0x15A80;
	[sflag:s31] =	ssyncadd.s32 @!p3 $0xFFFFFFC0  }
0x127: {  	[tilespmem:s9], [sflag:$0x2] =	stream.indirect.gather @!p3 [spmem:s3], $0x80, s7, s2, $0xb8;
	[tilespmem:$0x1BA80] =	vst v63  }
0x128: {  	s7 =	simm.s32 @!p3 $0x19A80  }
0x129: {  	[tilespmem:s7], [sflag:$0x2] =	stream.indirect.gather @!p3 [spmem:s3], $0x80, s5, s2, $0xb8;
	[tilespmem:$0x1BA80] =	vst v63  }
0x12a: {  	_ =	swait.ge [sflag:s12], $0x2000  }
0x12b: {  	[sflag:s12] =	ssyncset.done $0x0  }
0x12c: {  	[sflag:s12] =	ssyncadd.s32 $0xFFFFE000  }
0x12d: {  	_ =	swait.ge [sflag:s12], $0x2000  }
0x12e: {  	[sflag:s12] =	ssyncset.done $0x0  }
0x12f: {  	s31 =	simm.s32 $0x0;
	[sflag:s12] =	ssyncadd.s32 $0xFFFFE000  }
0x130: {  	v6 =	vld [tilespmem:s31+$0x17A80]  }
0x131: {  	v11 =	vld [tilespmem:s31+$0x17A90]  }
0x132: {  	v5 =	vld [tilespmem:s31+$0x17AA0]  }
0x133: {  	v4 =	vld [tilespmem:s31+$0x17AB0]  }
0x134: {  	v3 =	vld [tilespmem:s31+$0x17AC0]  }
0x135: {  	v2 =	vld [tilespmem:s31+$0x17AD0]  }
0x136: {  	v1 =	vld [tilespmem:s31+$0x17AE0]  }
0x137: {  	v0 =	vld [tilespmem:s31+$0x17AF0]  }
0x138: {  	v12 =	vld [tilespmem:s31+$0x13A80]  }
0x139: {  	v13 =	vld [tilespmem:s31+$0x13A90]  }
0x13a: {  	v10 =	vld [tilespmem:s31+$0x13AA0]  }
0x13b: {  	v9 =	vld [tilespmem:s31+$0x13AB0]  }
0x13c: {  	v8 =	vld [tilespmem:s31+$0x13AC0]  }
0x13d: {  	v7 =	vld [tilespmem:s31+$0x13AD0];
	v12 =	vadd.f32 v6, v12  }
0x13e: {  	s2 =	simm.s32 $0x200;
	v11 =	vadd.f32 v11, v13;
	v6 =	vld [tilespmem:s31+$0x13AE0]  }
.LBB2_19:
0x13f: {  	s5 =	sshra.s32 s2, $0x2;
	p4 =	sne.s32 s2, $0x7E00;
	v12 =	vmul.f32 $5.000000000e-01, v12;
	v5 =	vadd.f32 v5, v10;
	v10 =	vld [tilespmem:s31+$0x13AF0]  }
0x140: {  	v13 =	vld [tilespmem:s5+$0x17A80];
	v11 =	vmul.f32 $5.000000000e-01, v11;
	v4 =	vadd.f32 v4, v9  }
0x141: {  	v14 =	vld [tilespmem:s5+$0x17A90];
	[tilespmem:s31+$0x13A80] =	vst v12;
	v9 =	vmul.f32 $5.000000000e-01, v5;
	v3 =	vadd.f32 v3, v8  }
0x142: {  	v5 =	vld [tilespmem:s5+$0x17AA0];
	[tilespmem:s31+$0x13A90] =	vst v11;
	v8 =	vmul.f32 $5.000000000e-01, v4;
	v2 =	vadd.f32 v2, v7  }
0x143: {  	v4 =	vld [tilespmem:s5+$0x17AB0];
	[tilespmem:s31+$0x13AA0] =	vst v9;
	v7 =	vmul.f32 $5.000000000e-01, v3;
	v1 =	vadd.f32 v1, v6  }
0x144: {  	v3 =	vld [tilespmem:s5+$0x17AC0];
	[tilespmem:s31+$0x13AB0] =	vst v8;
	v6 =	vmul.f32 $5.000000000e-01, v2;
	v0 =	vadd.f32 v0, v10  }
0x145: {  	v2 =	vld [tilespmem:s5+$0x17AD0];
	[tilespmem:s31+$0x13AC0] =	vst v7;
	v7 =	vmul.f32 $5.000000000e-01, v1  }
0x146: {  	v1 =	vld [tilespmem:s5+$0x17AE0];
	[tilespmem:s31+$0x13AD0] =	vst v6;
	v6 =	vmul.f32 $5.000000000e-01, v0  }
0x147: {  	v0 =	vld [tilespmem:s5+$0x17AF0];
	[tilespmem:s31+$0x13AE0] =	vst v7  }
0x148: {  	v7 =	vld [tilespmem:s5+$0x13A80];
	[tilespmem:s31+$0x13AF0] =	vst v6;
	s31 =	smov.u32 s5  }
0x149: {  	v6 =	vld [tilespmem:s31+$0x13A90]  }
.Ltmp16:
0x14a: {  	v10 =	vld [tilespmem:s31+$0x13AA0];
	(pc) =	sbr.rel @p4 .LBB2_19-.Ltmp16, $4  }
0x14b: {  	v9 =	vld [tilespmem:s31+$0x13AB0]  }
0x14c: {  	v8 =	vld [tilespmem:s31+$0x13AC0]  }
0x14d: {  	v12 =	vadd.f32 v13, v7;
	v7 =	vld [tilespmem:s31+$0x13AD0]  }
0x14e: {  	s2 =	sadd.s32 $0x200, s2;
	v11 =	vadd.f32 v14, v6;
	v6 =	vld [tilespmem:s31+$0x13AE0]  }
0x14f: {  	v12 =	vmul.f32 $5.000000000e-01, v12;
	v5 =	vadd.f32 v5, v10;
	v63 =	vld [tilespmem:s31+$0x13AF0]  }
0x150: {  	v11 =	vmul.f32 $5.000000000e-01, v11;
	v4 =	vadd.f32 v4, v9  }
0x151: {  	[tilespmem:s31+$0x13A80] =	vst v12;
	v5 =	vmul.f32 $5.000000000e-01, v5;
	v3 =	vadd.f32 v3, v8  }
0x152: {  	[tilespmem:s31+$0x13A90] =	vst v11;
	v4 =	vmul.f32 $5.000000000e-01, v4;
	v2 =	vadd.f32 v2, v7  }
0x153: {  	[tilespmem:s31+$0x13AA0] =	vst v5;
	v3 =	vmul.f32 $5.000000000e-01, v3;
	v1 =	vadd.f32 v1, v6  }
0x154: {  	[tilespmem:s31+$0x13AB0] =	vst v4;
	v2 =	vmul.f32 $5.000000000e-01, v2;
	v0 =	vadd.f32 v0, v63  }
0x155: {  	[tilespmem:s31+$0x13AC0] =	vst v3;
	v1 =	vmul.f32 $5.000000000e-01, v1  }
0x156: {  	s2 =	sadd.s32 s19, s11;
	[tilespmem:s31+$0x13AD0] =	vst v2;
	v0 =	vmul.f32 $5.000000000e-01, v0  }
0x157: {  	s2 =	sshll.u32 s2, $0xA;
	[tilespmem:s31+$0x13AE0] =	vst v1  }
0x158: {  	s2 =	sadd.s32 s2, s18;
	[tilespmem:s31+$0x13AF0] =	vst v0  }
0x159: {  	[hbm4b:s2+s4] =	stream.linear.scatter [tilespmem:s10], [sflag:$0x3], $0x2000, $0x38;
	[tilespmem:$0x1BA80] =	vst v63  }
.LBB2_21:
.Ltmp17:
0x15a: {  	(pc) =	sbr.rel @p3 .LBB2_25-.Ltmp17, $1  }
0x15b: {  	_ =	sdelay $0x3  }
0x15c: {  	p3 =	sge.u32 s11, s20  }
0x15d: {  	s2 =	simm.s32 @!p3 $0x3  }
0x15e: {  	s5 =	sadd.s32 @!p3 s19, s13;
	_ =	swait.ge @!p3 [sflag:s2], $0x2000  }
0x15f: {  	s5 =	sshll.u32 @!p3 s5, $0x3;
	[sflag:s2] =	ssyncset.done @!p3 $0x0  }
0x160: {  	[sflag:s2] =	ssyncadd.s32 @!p3 $0xFFFFE000;
	s2 =	sadd.s32 @!p3 $0x8, s5  }
0x161: {  	s7 =	simm.s32 @!p3 $0x0;
	s9 =	simm.s32 @!p3 $0x13880;
	s5 =	sadd.s32 @!p3 s26, s2  }
0x162: {  	[tilespmem:s9], [sflag:$0x6] =	stream.linear.gather @!p3 [hbm4b:s5+s7], $0x40, $0x38;
	[tilespmem:$0x1BA80] =	vst v63  }
0x163: {  	s5 =	simm.s32 @!p3 $0x6  }
0x164: {  	_ =	swait.ge @!p3 [sflag:s5], $0x40  }
0x165: {  	[sflag:s5] =	ssyncset.done @!p3 $0x0  }
0x166: {  	s11 =	simm.s32 @!p3 $0x13980;
	s2 =	sadd.s32 @!p3 s1, s2;
	[sflag:s5] =	ssyncadd.s32 @!p3 $0xFFFFFFC0  }
0x167: {  	[tilespmem:s11], [sflag:$0x6] =	stream.linear.gather @!p3 [hbm4b:s2+s7], $0x40, $0x38;
	[tilespmem:$0x1BA80] =	vst v63  }
0x168: {  	_ =	swait.ge @!p3 [sflag:s5], $0x40  }
0x169: {  	[sflag:s5] =	ssyncset.done @!p3 $0x0  }
0x16a: {  	s2 =	simm.s32 @!p3 $0x40;
	[sflag:s5] =	ssyncadd.s32 @!p3 $0xFFFFFFC0;
	s5 =	simm.s32 @!p3 $0x13A80  }
0x16b: {  	[tilespmem:s5], [sflag:$0x1] =	stream.indirect.gather @!p3 [spmem:s3], $0x80, s9, s2, $0xb8;
	[tilespmem:$0x1BA80] =	vst v63  }
0x16c: {  	s5 =	simm.s32 @!p3 $0x17A80  }
0x16d: {  	[tilespmem:s5], [sflag:$0x1] =	stream.indirect.gather @!p3 [spmem:s3], $0x80, s11, s2, $0xb8;
	[tilespmem:$0x1BA80] =	vst v63  }
0x16e: {  	_ =	swait.ge [sflag:s8], $0x2000  }
0x16f: {  	[sflag:s8] =	ssyncset.done $0x0  }
0x170: {  	[sflag:s8] =	ssyncadd.s32 $0xFFFFE000  }
0x171: {  	_ =	swait.ge [sflag:s8], $0x2000  }
0x172: {  	[sflag:s8] =	ssyncset.done $0x0  }
0x173: {  	s11 =	simm.s32 $0x0;
	[sflag:s8] =	ssyncadd.s32 $0xFFFFE000  }
0x174: {  	v6 =	vld [tilespmem:s11+$0x19A80]  }
0x175: {  	v11 =	vld [tilespmem:s11+$0x19A90]  }
0x176: {  	v5 =	vld [tilespmem:s11+$0x19AA0]  }
0x177: {  	v4 =	vld [tilespmem:s11+$0x19AB0]  }
0x178: {  	v3 =	vld [tilespmem:s11+$0x19AC0]  }
0x179: {  	v2 =	vld [tilespmem:s11+$0x19AD0]  }
0x17a: {  	v1 =	vld [tilespmem:s11+$0x19AE0]  }
0x17b: {  	v0 =	vld [tilespmem:s11+$0x19AF0]  }
0x17c: {  	v12 =	vld [tilespmem:s11+$0x15A80]  }
0x17d: {  	v13 =	vld [tilespmem:s11+$0x15A90]  }
0x17e: {  	v10 =	vld [tilespmem:s11+$0x15AA0]  }
0x17f: {  	v9 =	vld [tilespmem:s11+$0x15AB0]  }
0x180: {  	v8 =	vld [tilespmem:s11+$0x15AC0]  }
0x181: {  	v7 =	vld [tilespmem:s11+$0x15AD0];
	v12 =	vadd.f32 v6, v12  }
0x182: {  	s2 =	simm.s32 $0x200;
	v11 =	vadd.f32 v11, v13;
	v6 =	vld [tilespmem:s11+$0x15AE0]  }
.LBB2_23:
0x183: {  	s5 =	sshra.s32 s2, $0x2;
	p3 =	sne.s32 s2, $0x7E00;
	v12 =	vmul.f32 $5.000000000e-01, v12;
	v5 =	vadd.f32 v5, v10;
	v10 =	vld [tilespmem:s11+$0x15AF0]  }
0x184: {  	v13 =	vld [tilespmem:s5+$0x19A80];
	v11 =	vmul.f32 $5.000000000e-01, v11;
	v4 =	vadd.f32 v4, v9  }
0x185: {  	v14 =	vld [tilespmem:s5+$0x19A90];
	[tilespmem:s11+$0x15A80] =	vst v12;
	v9 =	vmul.f32 $5.000000000e-01, v5;
	v3 =	vadd.f32 v3, v8  }
0x186: {  	v5 =	vld [tilespmem:s5+$0x19AA0];
	[tilespmem:s11+$0x15A90] =	vst v11;
	v8 =	vmul.f32 $5.000000000e-01, v4;
	v2 =	vadd.f32 v2, v7  }
0x187: {  	v4 =	vld [tilespmem:s5+$0x19AB0];
	[tilespmem:s11+$0x15AA0] =	vst v9;
	v7 =	vmul.f32 $5.000000000e-01, v3;
	v1 =	vadd.f32 v1, v6  }
0x188: {  	v3 =	vld [tilespmem:s5+$0x19AC0];
	[tilespmem:s11+$0x15AB0] =	vst v8;
	v6 =	vmul.f32 $5.000000000e-01, v2;
	v0 =	vadd.f32 v0, v10  }
0x189: {  	v2 =	vld [tilespmem:s5+$0x19AD0];
	[tilespmem:s11+$0x15AC0] =	vst v7;
	v7 =	vmul.f32 $5.000000000e-01, v1  }
0x18a: {  	v1 =	vld [tilespmem:s5+$0x19AE0];
	[tilespmem:s11+$0x15AD0] =	vst v6;
	v6 =	vmul.f32 $5.000000000e-01, v0  }
0x18b: {  	v0 =	vld [tilespmem:s5+$0x19AF0];
	[tilespmem:s11+$0x15AE0] =	vst v7  }
0x18c: {  	v7 =	vld [tilespmem:s5+$0x15A80];
	[tilespmem:s11+$0x15AF0] =	vst v6;
	s11 =	smov.u32 s5  }
0x18d: {  	v6 =	vld [tilespmem:s11+$0x15A90]  }
.Ltmp18:
0x18e: {  	v10 =	vld [tilespmem:s11+$0x15AA0];
	(pc) =	sbr.rel @p3 .LBB2_23-.Ltmp18, $4  }
0x18f: {  	v9 =	vld [tilespmem:s11+$0x15AB0]  }
0x190: {  	v8 =	vld [tilespmem:s11+$0x15AC0]  }
0x191: {  	v12 =	vadd.f32 v13, v7;
	v7 =	vld [tilespmem:s11+$0x15AD0]  }
0x192: {  	s2 =	sadd.s32 $0x200, s2;
	v11 =	vadd.f32 v14, v6;
	v6 =	vld [tilespmem:s11+$0x15AE0]  }
0x193: {  	v12 =	vmul.f32 $5.000000000e-01, v12;
	v5 =	vadd.f32 v5, v10;
	v63 =	vld [tilespmem:s11+$0x15AF0]  }
0x194: {  	v11 =	vmul.f32 $5.000000000e-01, v11;
	v4 =	vadd.f32 v4, v9  }
0x195: {  	[tilespmem:s11+$0x15A80] =	vst v12;
	v5 =	vmul.f32 $5.000000000e-01, v5;
	v3 =	vadd.f32 v3, v8  }
0x196: {  	[tilespmem:s11+$0x15A90] =	vst v11;
	v4 =	vmul.f32 $5.000000000e-01, v4;
	v2 =	vadd.f32 v2, v7  }
0x197: {  	[tilespmem:s11+$0x15AA0] =	vst v5;
	v3 =	vmul.f32 $5.000000000e-01, v3;
	v1 =	vadd.f32 v1, v6  }
0x198: {  	[tilespmem:s11+$0x15AB0] =	vst v4;
	v2 =	vmul.f32 $5.000000000e-01, v2;
	v0 =	vadd.f32 v0, v63  }
.Ltmp19:
0x199: {  	[tilespmem:s11+$0x15AC0] =	vst v3;
	v1 =	vmul.f32 $5.000000000e-01, v1;
	(pc) =	sbr.rel .LBB2_25-.Ltmp19, $4  }
0x19a: {  	s2 =	sadd.s32 s19, s13;
	[tilespmem:s11+$0x15AD0] =	vst v2;
	v0 =	vmul.f32 $5.000000000e-01, v0  }
0x19b: {  	s2 =	sshll.u32 s2, $0xA;
	[tilespmem:s11+$0x15AE0] =	vst v1  }
0x19c: {  	s2 =	sadd.s32 s2, s18;
	[tilespmem:s11+$0x15AF0] =	vst v0  }
0x19d: {  	[hbm4b:s2+s4] =	stream.linear.scatter [tilespmem:s14], [sflag:$0x4], $0x2000, $0x38;
	[tilespmem:$0x1BA80] =	vst v63  }
.LBB2_26:
0x19e: {  	s2 =	simm.s32 $0x3  }
0x19f: {  	_ =	swait.ge [sflag:s2], $0x2000  }
0x1a0: {  	[sflag:s2] =	ssyncset.done $0x0  }
0x1a1: {  	s11 =	simm.s32 $0x4;
	[sflag:s2] =	ssyncadd.s32 $0xFFFFE000  }
0x1a2: {  	_ =	swait.ge [sflag:s11], $0x2000  }
0x1a3: {  	[sflag:s11] =	ssyncset.done $0x0  }
0x1a4: {  	[sflag:s11] =	ssyncadd.s32 $0xFFFFE000  }
0x1a5: {  	[bflag:$0x0] =	sbarrier.arrive $0xFFFF  }
0x1a6: {  	s2 =	rddreg [dreg:$0x12]  }
0x1a7: {  	[spmem:s0], [sflag:s25] =	dma.local @p2 [hbm:s2], $0x1900  }
0x1a8: {  	s2 =	simm.s32 @p2 $0x6  }
0x1a9: {  	_ =	swait.ge @p2 [sflag:s2], $0x1900  }
0x1aa: {  	[sflag:s2] =	ssyncset.done @p2 $0x0  }
0x1ab: {  	[sflag:s2] =	ssyncadd.s32 @p2 $0xFFFFE700;
	s2 =	rddreg [dreg:$0x11]  }
0x1ac: {  	[spmem:s6], [sflag:s29] =	dma.local @!p2 [hbm:s2], $0x2800  }
0x1ad: {  	s2 =	simm.s32 @!p2 $0x6  }
0x1ae: {  	_ =	swait.ge @!p2 [sflag:s2], $0x2800  }
0x1af: {  	[sflag:s2] =	ssyncset.done @!p2 $0x0  }
0x1b0: {  	[sflag:s2] =	ssyncadd.s32 @!p2 $0xFFFFD800  }
0x1b1: {  	s28 =	simm.s32 $0x0;
	s13 =	simm.s32 $0x13880;
	[bflag:$0x0] =	sbarrier.arrive $0xFFFF  }
0x1b2: {  	[tilespmem:s13], [sflag:$0x6] =	stream.linear.gather [hbm4b:s22+s28], $0x40, $0x38;
	[tilespmem:$0x1BA80] =	vst v63  }
0x1b3: {  	_ =	swait.ge [sflag:s30], $0x40  }
0x1b4: {  	[sflag:s30] =	ssyncset.done $0x0  }
0x1b5: {  	s5 =	simm.s32 $0x13980;
	[sflag:s30] =	ssyncadd.s32 $0xFFFFFFC0  }
0x1b6: {  	[tilespmem:s5], [sflag:$0x6] =	stream.linear.gather [hbm4b:s23+s28], $0x40, $0x38;
	[tilespmem:$0x1BA80] =	vst v63  }
0x1b7: {  	_ =	swait.ge [sflag:s30], $0x40  }
.Ltmp20:
0x1b8: {  	[sflag:s30] =	ssyncset.done $0x0;
	(pc) =	sbr.rel .LBB2_27-.Ltmp20, $4  }
0x1b9: {  	s7 =	simm.s32 $0x40;
	[sflag:s30] =	ssyncadd.s32 $0xFFFFFFC0  }
0x1ba: {  	[tilespmem:s10], [sflag:$0x1] =	stream.indirect.gather [spmem:s3], $0x80, s13, s7, $0xb8;
	[tilespmem:$0x1BA80] =	vst v63  }
0x1bb: {  	s31 =	simm.s32 $0x17A80  }
0x1bc: {  	[tilespmem:s31], [sflag:$0x1] =	stream.indirect.gather [spmem:s3], $0x80, s5, s7, $0xb8;
	[tilespmem:$0x1BA80] =	vst v63  }
.LBB2_35:
0x1bd: {  	s28 =	sadd.s32 $0x1, s28  }
0x1be: {  	p3 =	sne.s32 s28, $0x28  }
.Ltmp21:
0x1bf: {  	_ = 	snop;
	(pc) =	sbr.rel @!p3 .LBB2_36-.Ltmp21, $1  }
0x1c0: {  	_ =	sdelay $0x3  }
.LBB2_27:
0x1c1: {  	s11 =	sshll.u32 s28, $0x1  }
0x1c2: {  	p4 =	sge.u32 s11, s17  }
.Ltmp22:
0x1c3: {  	_ = 	snop;
	(pc) =	sbr.rel @p4 .LBB2_31-.Ltmp22, $3  }
0x1c4: {  	_ =	sdelay $0x1  }
0x1c5: {  	s13 =	sshllo.u32 s28, $0x1  }
0x1c6: {  	p3 =	sge.u32 s13, s17  }
0x1c7: {  	p4 =	seq.s32 @!p3 s28, $0x0  }
0x1c8: {  	p4 =	por p4, p3  }
0x1c9: {  	s2 =	simm.s32 @!p4 $0x4  }
0x1ca: {  	s5 =	sadd.s32 @!p3 s19, s11;
	_ =	swait.ge @!p4 [sflag:s2], $0x2000  }
0x1cb: {  	s5 =	sshll.u32 @!p3 s5, $0x3;
	[sflag:s2] =	ssyncset.done @!p4 $0x0  }
0x1cc: {  	[sflag:s2] =	ssyncadd.s32 @!p4 $0xFFFFE000;
	s2 =	sadd.s32 @!p3 $0x8, s5  }
0x1cd: {  	s7 =	simm.s32 @!p3 $0x0;
	s9 =	simm.s32 @!p3 $0x13900;
	s5 =	sadd.s32 @!p3 s26, s2  }
0x1ce: {  	[tilespmem:s9], [sflag:$0x6] =	stream.linear.gather @!p3 [hbm4b:s5+s7], $0x40, $0x38;
	[tilespmem:$0x1BA80] =	vst v63  }
0x1cf: {  	s5 =	simm.s32 @!p3 $0x6  }
0x1d0: {  	_ =	swait.ge @!p3 [sflag:s5], $0x40  }
0x1d1: {  	[sflag:s5] =	ssyncset.done @!p3 $0x0  }
0x1d2: {  	s31 =	simm.s32 @!p3 $0x13A00;
	s2 =	sadd.s32 @!p3 s1, s2;
	[sflag:s5] =	ssyncadd.s32 @!p3 $0xFFFFFFC0  }
0x1d3: {  	[tilespmem:s31], [sflag:$0x6] =	stream.linear.gather @!p3 [hbm4b:s2+s7], $0x40, $0x38;
	[tilespmem:$0x1BA80] =	vst v63  }
0x1d4: {  	_ =	swait.ge @!p3 [sflag:s5], $0x40  }
0x1d5: {  	[sflag:s5] =	ssyncset.done @!p3 $0x0  }
0x1d6: {  	s2 =	simm.s32 @!p3 $0x40;
	[sflag:s5] =	ssyncadd.s32 @!p3 $0xFFFFFFC0;
	s5 =	simm.s32 @!p3 $0x15A80  }
0x1d7: {  	[tilespmem:s5], [sflag:$0x2] =	stream.indirect.gather @!p3 [spmem:s3], $0x80, s9, s2, $0xb8;
	[tilespmem:$0x1BA80] =	vst v63  }
0x1d8: {  	s5 =	simm.s32 @!p3 $0x19A80  }
0x1d9: {  	[tilespmem:s5], [sflag:$0x2] =	stream.indirect.gather @!p3 [spmem:s3], $0x80, s31, s2, $0xb8;
	[tilespmem:$0x1BA80] =	vst v63  }
0x1da: {  	_ =	swait.ge [sflag:s12], $0x2000  }
0x1db: {  	[sflag:s12] =	ssyncset.done $0x0  }
0x1dc: {  	[sflag:s12] =	ssyncadd.s32 $0xFFFFE000  }
0x1dd: {  	_ =	swait.ge [sflag:s12], $0x2000  }
0x1de: {  	[sflag:s12] =	ssyncset.done $0x0  }
0x1df: {  	s31 =	simm.s32 $0x0;
	[sflag:s12] =	ssyncadd.s32 $0xFFFFE000  }
0x1e0: {  	v6 =	vld [tilespmem:s31+$0x17A80]  }
0x1e1: {  	v11 =	vld [tilespmem:s31+$0x17A90]  }
0x1e2: {  	v5 =	vld [tilespmem:s31+$0x17AA0]  }
0x1e3: {  	v4 =	vld [tilespmem:s31+$0x17AB0]  }
0x1e4: {  	v3 =	vld [tilespmem:s31+$0x17AC0]  }
0x1e5: {  	v2 =	vld [tilespmem:s31+$0x17AD0]  }
0x1e6: {  	v1 =	vld [tilespmem:s31+$0x17AE0]  }
0x1e7: {  	v0 =	vld [tilespmem:s31+$0x17AF0]  }
0x1e8: {  	v12 =	vld [tilespmem:s31+$0x13A80]  }
0x1e9: {  	v13 =	vld [tilespmem:s31+$0x13A90]  }
0x1ea: {  	v10 =	vld [tilespmem:s31+$0x13AA0]  }
0x1eb: {  	v9 =	vld [tilespmem:s31+$0x13AB0]  }
0x1ec: {  	v8 =	vld [tilespmem:s31+$0x13AC0]  }
0x1ed: {  	v7 =	vld [tilespmem:s31+$0x13AD0];
	v12 =	vadd.f32 v6, v12  }
0x1ee: {  	s2 =	simm.s32 $0x200;
	v11 =	vadd.f32 v11, v13;
	v6 =	vld [tilespmem:s31+$0x13AE0]  }
.LBB2_29:
0x1ef: {  	s5 =	sshra.s32 s2, $0x2;
	p4 =	sne.s32 s2, $0x7E00;
	v12 =	vmul.f32 $5.000000000e-01, v12;
	v5 =	vadd.f32 v5, v10;
	v10 =	vld [tilespmem:s31+$0x13AF0]  }
0x1f0: {  	v13 =	vld [tilespmem:s5+$0x17A80];
	v11 =	vmul.f32 $5.000000000e-01, v11;
	v4 =	vadd.f32 v4, v9  }
0x1f1: {  	v14 =	vld [tilespmem:s5+$0x17A90];
	[tilespmem:s31+$0x13A80] =	vst v12;
	v9 =	vmul.f32 $5.000000000e-01, v5;
	v3 =	vadd.f32 v3, v8  }
0x1f2: {  	v5 =	vld [tilespmem:s5+$0x17AA0];
	[tilespmem:s31+$0x13A90] =	vst v11;
	v8 =	vmul.f32 $5.000000000e-01, v4;
	v2 =	vadd.f32 v2, v7  }
0x1f3: {  	v4 =	vld [tilespmem:s5+$0x17AB0];
	[tilespmem:s31+$0x13AA0] =	vst v9;
	v7 =	vmul.f32 $5.000000000e-01, v3;
	v1 =	vadd.f32 v1, v6  }
0x1f4: {  	v3 =	vld [tilespmem:s5+$0x17AC0];
	[tilespmem:s31+$0x13AB0] =	vst v8;
	v6 =	vmul.f32 $5.000000000e-01, v2;
	v0 =	vadd.f32 v0, v10  }
0x1f5: {  	v2 =	vld [tilespmem:s5+$0x17AD0];
	[tilespmem:s31+$0x13AC0] =	vst v7;
	v7 =	vmul.f32 $5.000000000e-01, v1  }
0x1f6: {  	v1 =	vld [tilespmem:s5+$0x17AE0];
	[tilespmem:s31+$0x13AD0] =	vst v6;
	v6 =	vmul.f32 $5.000000000e-01, v0  }
0x1f7: {  	v0 =	vld [tilespmem:s5+$0x17AF0];
	[tilespmem:s31+$0x13AE0] =	vst v7  }
0x1f8: {  	v7 =	vld [tilespmem:s5+$0x13A80];
	[tilespmem:s31+$0x13AF0] =	vst v6;
	s31 =	smov.u32 s5  }
0x1f9: {  	v6 =	vld [tilespmem:s31+$0x13A90]  }
.Ltmp23:
0x1fa: {  	v10 =	vld [tilespmem:s31+$0x13AA0];
	(pc) =	sbr.rel @p4 .LBB2_29-.Ltmp23, $4  }
0x1fb: {  	v9 =	vld [tilespmem:s31+$0x13AB0]  }
0x1fc: {  	v8 =	vld [tilespmem:s31+$0x13AC0]  }
0x1fd: {  	v12 =	vadd.f32 v13, v7;
	v7 =	vld [tilespmem:s31+$0x13AD0]  }
0x1fe: {  	s2 =	sadd.s32 $0x200, s2;
	v11 =	vadd.f32 v14, v6;
	v6 =	vld [tilespmem:s31+$0x13AE0]  }
0x1ff: {  	v12 =	vmul.f32 $5.000000000e-01, v12;
	v5 =	vadd.f32 v5, v10;
	v63 =	vld [tilespmem:s31+$0x13AF0]  }
0x200: {  	v11 =	vmul.f32 $5.000000000e-01, v11;
	v4 =	vadd.f32 v4, v9  }
0x201: {  	[tilespmem:s31+$0x13A80] =	vst v12;
	v5 =	vmul.f32 $5.000000000e-01, v5;
	v3 =	vadd.f32 v3, v8  }
0x202: {  	[tilespmem:s31+$0x13A90] =	vst v11;
	v4 =	vmul.f32 $5.000000000e-01, v4;
	v2 =	vadd.f32 v2, v7  }
0x203: {  	[tilespmem:s31+$0x13AA0] =	vst v5;
	v3 =	vmul.f32 $5.000000000e-01, v3;
	v1 =	vadd.f32 v1, v6  }
0x204: {  	[tilespmem:s31+$0x13AB0] =	vst v4;
	v2 =	vmul.f32 $5.000000000e-01, v2;
	v0 =	vadd.f32 v0, v63  }
0x205: {  	[tilespmem:s31+$0x13AC0] =	vst v3;
	v1 =	vmul.f32 $5.000000000e-01, v1  }
0x206: {  	s2 =	sadd.s32 s19, s11;
	[tilespmem:s31+$0x13AD0] =	vst v2;
	v0 =	vmul.f32 $5.000000000e-01, v0  }
0x207: {  	s2 =	sshll.u32 s2, $0xA;
	[tilespmem:s31+$0x13AE0] =	vst v1  }
0x208: {  	s2 =	sadd.s32 s2, s21;
	[tilespmem:s31+$0x13AF0] =	vst v0  }
0x209: {  	[hbm4b:s2+s4] =	stream.linear.scatter [tilespmem:s10], [sflag:$0x3], $0x2000, $0x38;
	[tilespmem:$0x1BA80] =	vst v63  }
.LBB2_31:
.Ltmp24:
0x20a: {  	(pc) =	sbr.rel @p3 .LBB2_35-.Ltmp24, $1  }
0x20b: {  	_ =	sdelay $0x3  }
0x20c: {  	p3 =	sge.u32 s11, s20  }
0x20d: {  	s2 =	simm.s32 @!p3 $0x3  }
0x20e: {  	s5 =	sadd.s32 @!p3 s19, s13;
	_ =	swait.ge @!p3 [sflag:s2], $0x2000  }
0x20f: {  	s5 =	sshll.u32 @!p3 s5, $0x3;
	[sflag:s2] =	ssyncset.done @!p3 $0x0  }
0x210: {  	[sflag:s2] =	ssyncadd.s32 @!p3 $0xFFFFE000;
	s2 =	sadd.s32 @!p3 $0x8, s5  }
0x211: {  	s7 =	simm.s32 @!p3 $0x0;
	s9 =	simm.s32 @!p3 $0x13880;
	s5 =	sadd.s32 @!p3 s26, s2  }
0x212: {  	[tilespmem:s9], [sflag:$0x6] =	stream.linear.gather @!p3 [hbm4b:s5+s7], $0x40, $0x38;
	[tilespmem:$0x1BA80] =	vst v63  }
0x213: {  	s5 =	simm.s32 @!p3 $0x6  }
0x214: {  	_ =	swait.ge @!p3 [sflag:s5], $0x40  }
0x215: {  	[sflag:s5] =	ssyncset.done @!p3 $0x0  }
0x216: {  	s11 =	simm.s32 @!p3 $0x13980;
	s2 =	sadd.s32 @!p3 s1, s2;
	[sflag:s5] =	ssyncadd.s32 @!p3 $0xFFFFFFC0  }
0x217: {  	[tilespmem:s11], [sflag:$0x6] =	stream.linear.gather @!p3 [hbm4b:s2+s7], $0x40, $0x38;
	[tilespmem:$0x1BA80] =	vst v63  }
0x218: {  	_ =	swait.ge @!p3 [sflag:s5], $0x40  }
0x219: {  	[sflag:s5] =	ssyncset.done @!p3 $0x0  }
0x21a: {  	s2 =	simm.s32 @!p3 $0x40;
	[sflag:s5] =	ssyncadd.s32 @!p3 $0xFFFFFFC0;
	s5 =	simm.s32 @!p3 $0x13A80  }
0x21b: {  	[tilespmem:s5], [sflag:$0x1] =	stream.indirect.gather @!p3 [spmem:s3], $0x80, s9, s2, $0xb8;
	[tilespmem:$0x1BA80] =	vst v63  }
0x21c: {  	s5 =	simm.s32 @!p3 $0x17A80  }
0x21d: {  	[tilespmem:s5], [sflag:$0x1] =	stream.indirect.gather @!p3 [spmem:s3], $0x80, s11, s2, $0xb8;
	[tilespmem:$0x1BA80] =	vst v63  }
0x21e: {  	_ =	swait.ge [sflag:s8], $0x2000  }
0x21f: {  	[sflag:s8] =	ssyncset.done $0x0  }
0x220: {  	[sflag:s8] =	ssyncadd.s32 $0xFFFFE000  }
0x221: {  	_ =	swait.ge [sflag:s8], $0x2000  }
0x222: {  	[sflag:s8] =	ssyncset.done $0x0  }
0x223: {  	s11 =	simm.s32 $0x0;
	[sflag:s8] =	ssyncadd.s32 $0xFFFFE000  }
0x224: {  	v6 =	vld [tilespmem:s11+$0x19A80]  }
0x225: {  	v11 =	vld [tilespmem:s11+$0x19A90]  }
0x226: {  	v5 =	vld [tilespmem:s11+$0x19AA0]  }
0x227: {  	v4 =	vld [tilespmem:s11+$0x19AB0]  }
0x228: {  	v3 =	vld [tilespmem:s11+$0x19AC0]  }
0x229: {  	v2 =	vld [tilespmem:s11+$0x19AD0]  }
0x22a: {  	v1 =	vld [tilespmem:s11+$0x19AE0]  }
0x22b: {  	v0 =	vld [tilespmem:s11+$0x19AF0]  }
0x22c: {  	v12 =	vld [tilespmem:s11+$0x15A80]  }
0x22d: {  	v13 =	vld [tilespmem:s11+$0x15A90]  }
0x22e: {  	v10 =	vld [tilespmem:s11+$0x15AA0]  }
0x22f: {  	v9 =	vld [tilespmem:s11+$0x15AB0]  }
0x230: {  	v8 =	vld [tilespmem:s11+$0x15AC0]  }
0x231: {  	v7 =	vld [tilespmem:s11+$0x15AD0];
	v12 =	vadd.f32 v6, v12  }
0x232: {  	s2 =	simm.s32 $0x200;
	v11 =	vadd.f32 v11, v13;
	v6 =	vld [tilespmem:s11+$0x15AE0]  }
.LBB2_33:
0x233: {  	s5 =	sshra.s32 s2, $0x2;
	p3 =	sne.s32 s2, $0x7E00;
	v12 =	vmul.f32 $5.000000000e-01, v12;
	v5 =	vadd.f32 v5, v10;
	v10 =	vld [tilespmem:s11+$0x15AF0]  }
0x234: {  	v13 =	vld [tilespmem:s5+$0x19A80];
	v11 =	vmul.f32 $5.000000000e-01, v11;
	v4 =	vadd.f32 v4, v9  }
0x235: {  	v14 =	vld [tilespmem:s5+$0x19A90];
	[tilespmem:s11+$0x15A80] =	vst v12;
	v9 =	vmul.f32 $5.000000000e-01, v5;
	v3 =	vadd.f32 v3, v8  }
0x236: {  	v5 =	vld [tilespmem:s5+$0x19AA0];
	[tilespmem:s11+$0x15A90] =	vst v11;
	v8 =	vmul.f32 $5.000000000e-01, v4;
	v2 =	vadd.f32 v2, v7  }
0x237: {  	v4 =	vld [tilespmem:s5+$0x19AB0];
	[tilespmem:s11+$0x15AA0] =	vst v9;
	v7 =	vmul.f32 $5.000000000e-01, v3;
	v1 =	vadd.f32 v1, v6  }
0x238: {  	v3 =	vld [tilespmem:s5+$0x19AC0];
	[tilespmem:s11+$0x15AB0] =	vst v8;
	v6 =	vmul.f32 $5.000000000e-01, v2;
	v0 =	vadd.f32 v0, v10  }
0x239: {  	v2 =	vld [tilespmem:s5+$0x19AD0];
	[tilespmem:s11+$0x15AC0] =	vst v7;
	v7 =	vmul.f32 $5.000000000e-01, v1  }
0x23a: {  	v1 =	vld [tilespmem:s5+$0x19AE0];
	[tilespmem:s11+$0x15AD0] =	vst v6;
	v6 =	vmul.f32 $5.000000000e-01, v0  }
0x23b: {  	v0 =	vld [tilespmem:s5+$0x19AF0];
	[tilespmem:s11+$0x15AE0] =	vst v7  }
0x23c: {  	v7 =	vld [tilespmem:s5+$0x15A80];
	[tilespmem:s11+$0x15AF0] =	vst v6;
	s11 =	smov.u32 s5  }
0x23d: {  	v6 =	vld [tilespmem:s11+$0x15A90]  }
.Ltmp25:
0x23e: {  	v10 =	vld [tilespmem:s11+$0x15AA0];
	(pc) =	sbr.rel @p3 .LBB2_33-.Ltmp25, $4  }
0x23f: {  	v9 =	vld [tilespmem:s11+$0x15AB0]  }
0x240: {  	v8 =	vld [tilespmem:s11+$0x15AC0]  }
0x241: {  	v12 =	vadd.f32 v13, v7;
	v7 =	vld [tilespmem:s11+$0x15AD0]  }
0x242: {  	s2 =	sadd.s32 $0x200, s2;
	v11 =	vadd.f32 v14, v6;
	v6 =	vld [tilespmem:s11+$0x15AE0]  }
0x243: {  	v12 =	vmul.f32 $5.000000000e-01, v12;
	v5 =	vadd.f32 v5, v10;
	v63 =	vld [tilespmem:s11+$0x15AF0]  }
0x244: {  	v11 =	vmul.f32 $5.000000000e-01, v11;
	v4 =	vadd.f32 v4, v9  }
0x245: {  	[tilespmem:s11+$0x15A80] =	vst v12;
	v5 =	vmul.f32 $5.000000000e-01, v5;
	v3 =	vadd.f32 v3, v8  }
0x246: {  	[tilespmem:s11+$0x15A90] =	vst v11;
	v4 =	vmul.f32 $5.000000000e-01, v4;
	v2 =	vadd.f32 v2, v7  }
0x247: {  	[tilespmem:s11+$0x15AA0] =	vst v5;
	v3 =	vmul.f32 $5.000000000e-01, v3;
	v1 =	vadd.f32 v1, v6  }
0x248: {  	[tilespmem:s11+$0x15AB0] =	vst v4;
	v2 =	vmul.f32 $5.000000000e-01, v2;
	v0 =	vadd.f32 v0, v63  }
.Ltmp26:
0x249: {  	[tilespmem:s11+$0x15AC0] =	vst v3;
	v1 =	vmul.f32 $5.000000000e-01, v1;
	(pc) =	sbr.rel .LBB2_35-.Ltmp26, $4  }
0x24a: {  	s2 =	sadd.s32 s19, s13;
	[tilespmem:s11+$0x15AD0] =	vst v2;
	v0 =	vmul.f32 $5.000000000e-01, v0  }
0x24b: {  	s2 =	sshll.u32 s2, $0xA;
	[tilespmem:s11+$0x15AE0] =	vst v1  }
0x24c: {  	s2 =	sadd.s32 s2, s21;
	[tilespmem:s11+$0x15AF0] =	vst v0  }
0x24d: {  	[hbm4b:s2+s4] =	stream.linear.scatter [tilespmem:s14], [sflag:$0x4], $0x2000, $0x38;
	[tilespmem:$0x1BA80] =	vst v63  }
.LBB2_36:
0x24e: {  	s2 =	simm.s32 $0x3  }
0x24f: {  	_ =	swait.ge [sflag:s2], $0x2000  }
0x250: {  	[sflag:s2] =	ssyncset.done $0x0  }
0x251: {  	s13 =	simm.s32 $0x4;
	[sflag:s2] =	ssyncadd.s32 $0xFFFFE000  }
0x252: {  	_ =	swait.ge [sflag:s13], $0x2000  }
0x253: {  	[sflag:s13] =	ssyncset.done $0x0  }
0x254: {  	[sflag:s13] =	ssyncadd.s32 $0xFFFFE000  }
0x255: {  	[bflag:$0x0] =	sbarrier.arrive $0xFFFF  }
0x256: {  	s2 =	rddreg [dreg:$0x14]  }
0x257: {  	[spmem:s0], [sflag:s25] =	dma.local @p2 [hbm:s2], $0x1900  }
0x258: {  	s0 =	simm.s32 @p2 $0x6  }
0x259: {  	_ =	swait.ge @p2 [sflag:s0], $0x1900  }
0x25a: {  	[sflag:s0] =	ssyncset.done @p2 $0x0  }
0x25b: {  	[sflag:s0] =	ssyncadd.s32 @p2 $0xFFFFE700;
	s0 =	rddreg [dreg:$0x13]  }
0x25c: {  	[spmem:s6], [sflag:s29] =	dma.local @!p2 [hbm:s0], $0x2800  }
0x25d: {  	s0 =	simm.s32 @!p2 $0x6  }
0x25e: {  	_ =	swait.ge @!p2 [sflag:s0], $0x2800  }
0x25f: {  	[sflag:s0] =	ssyncset.done @!p2 $0x0  }
0x260: {  	[sflag:s0] =	ssyncadd.s32 @!p2 $0xFFFFD800  }
0x261: {  	s28 =	simm.s32 $0x13880;
	s0 =	simm.s32 $0x0;
	[bflag:$0x0] =	sbarrier.arrive $0xFFFF  }
0x262: {  	[tilespmem:s28], [sflag:$0x6] =	stream.linear.gather [hbm4b:s22+s0], $0x40, $0x38;
	[tilespmem:$0x1BA80] =	vst v63  }
0x263: {  	_ =	swait.ge [sflag:s30], $0x40  }
0x264: {  	[sflag:s30] =	ssyncset.done $0x0  }
0x265: {  	s5 =	simm.s32 $0x13980;
	[sflag:s30] =	ssyncadd.s32 $0xFFFFFFC0  }
0x266: {  	[tilespmem:s5], [sflag:$0x6] =	stream.linear.gather [hbm4b:s23+s0], $0x40, $0x38;
	[tilespmem:$0x1BA80] =	vst v63  }
0x267: {  	_ =	swait.ge [sflag:s30], $0x40  }
.Ltmp27:
0x268: {  	[sflag:s30] =	ssyncset.done $0x0;
	(pc) =	sbr.rel .LBB2_37-.Ltmp27, $4  }
0x269: {  	s29 =	simm.s32 $0x40;
	[sflag:s30] =	ssyncadd.s32 $0xFFFFFFC0  }
0x26a: {  	[tilespmem:s10], [sflag:$0x1] =	stream.indirect.gather [spmem:s3], $0x80, s28, s29, $0xb8;
	[tilespmem:$0x1BA80] =	vst v63  }
0x26b: {  	s31 =	simm.s32 $0x17A80  }
0x26c: {  	[tilespmem:s31], [sflag:$0x1] =	stream.indirect.gather [spmem:s3], $0x80, s5, s29, $0xb8;
	[tilespmem:$0x1BA80] =	vst v63  }
.LBB2_45:
0x26d: {  	s0 =	sadd.s32 $0x1, s0  }
0x26e: {  	p2 =	sne.s32 s0, $0x28  }
.Ltmp28:
0x26f: {  	_ = 	snop;
	(pc) =	sbr.rel @!p2 .LBB2_46-.Ltmp28, $1  }
0x270: {  	_ =	sdelay $0x3  }
.LBB2_37:
0x271: {  	s11 =	sshll.u32 s0, $0x1  }
0x272: {  	p3 =	sge.u32 s11, s17  }
.Ltmp29:
0x273: {  	_ = 	snop;
	(pc) =	sbr.rel @p3 .LBB2_41-.Ltmp29, $3  }
0x274: {  	_ =	sdelay $0x1  }
0x275: {  	s6 =	sshllo.u32 s0, $0x1  }
0x276: {  	p2 =	sge.u32 s6, s17  }
0x277: {  	p3 =	seq.s32 @!p2 s0, $0x0  }
0x278: {  	p3 =	por p3, p2  }
0x279: {  	s2 =	simm.s32 @!p3 $0x4  }
0x27a: {  	s5 =	sadd.s32 @!p2 s19, s11;
	_ =	swait.ge @!p3 [sflag:s2], $0x2000  }
0x27b: {  	s5 =	sshll.u32 @!p2 s5, $0x3;
	[sflag:s2] =	ssyncset.done @!p3 $0x0  }
0x27c: {  	[sflag:s2] =	ssyncadd.s32 @!p3 $0xFFFFE000;
	s2 =	sadd.s32 @!p2 $0x8, s5  }
0x27d: {  	s7 =	simm.s32 @!p2 $0x0;
	s9 =	simm.s32 @!p2 $0x13900;
	s5 =	sadd.s32 @!p2 s26, s2  }
0x27e: {  	[tilespmem:s9], [sflag:$0x6] =	stream.linear.gather @!p2 [hbm4b:s5+s7], $0x40, $0x38;
	[tilespmem:$0x1BA80] =	vst v63  }
0x27f: {  	s5 =	simm.s32 @!p2 $0x6  }
0x280: {  	_ =	swait.ge @!p2 [sflag:s5], $0x40  }
0x281: {  	[sflag:s5] =	ssyncset.done @!p2 $0x0  }
0x282: {  	s13 =	simm.s32 @!p2 $0x13A00;
	s2 =	sadd.s32 @!p2 s1, s2;
	[sflag:s5] =	ssyncadd.s32 @!p2 $0xFFFFFFC0  }
0x283: {  	[tilespmem:s13], [sflag:$0x6] =	stream.linear.gather @!p2 [hbm4b:s2+s7], $0x40, $0x38;
	[tilespmem:$0x1BA80] =	vst v63  }
0x284: {  	_ =	swait.ge @!p2 [sflag:s5], $0x40  }
0x285: {  	[sflag:s5] =	ssyncset.done @!p2 $0x0  }
0x286: {  	s2 =	simm.s32 @!p2 $0x40;
	[sflag:s5] =	ssyncadd.s32 @!p2 $0xFFFFFFC0;
	s5 =	simm.s32 @!p2 $0x15A80  }
0x287: {  	[tilespmem:s5], [sflag:$0x2] =	stream.indirect.gather @!p2 [spmem:s3], $0x80, s9, s2, $0xb8;
	[tilespmem:$0x1BA80] =	vst v63  }
0x288: {  	s5 =	simm.s32 @!p2 $0x19A80  }
0x289: {  	[tilespmem:s5], [sflag:$0x2] =	stream.indirect.gather @!p2 [spmem:s3], $0x80, s13, s2, $0xb8;
	[tilespmem:$0x1BA80] =	vst v63  }
0x28a: {  	_ =	swait.ge [sflag:s12], $0x2000  }
0x28b: {  	[sflag:s12] =	ssyncset.done $0x0  }
0x28c: {  	[sflag:s12] =	ssyncadd.s32 $0xFFFFE000  }
0x28d: {  	_ =	swait.ge [sflag:s12], $0x2000  }
0x28e: {  	[sflag:s12] =	ssyncset.done $0x0  }
0x28f: {  	s13 =	simm.s32 $0x0;
	[sflag:s12] =	ssyncadd.s32 $0xFFFFE000  }
0x290: {  	v6 =	vld [tilespmem:s13+$0x17A80]  }
0x291: {  	v11 =	vld [tilespmem:s13+$0x17A90]  }
0x292: {  	v5 =	vld [tilespmem:s13+$0x17AA0]  }
0x293: {  	v4 =	vld [tilespmem:s13+$0x17AB0]  }
0x294: {  	v3 =	vld [tilespmem:s13+$0x17AC0]  }
0x295: {  	v2 =	vld [tilespmem:s13+$0x17AD0]  }
0x296: {  	v1 =	vld [tilespmem:s13+$0x17AE0]  }
0x297: {  	v0 =	vld [tilespmem:s13+$0x17AF0]  }
0x298: {  	v12 =	vld [tilespmem:s13+$0x13A80]  }
0x299: {  	v13 =	vld [tilespmem:s13+$0x13A90]  }
0x29a: {  	v10 =	vld [tilespmem:s13+$0x13AA0]  }
0x29b: {  	v9 =	vld [tilespmem:s13+$0x13AB0]  }
0x29c: {  	v8 =	vld [tilespmem:s13+$0x13AC0]  }
0x29d: {  	v7 =	vld [tilespmem:s13+$0x13AD0];
	v12 =	vadd.f32 v6, v12  }
0x29e: {  	s2 =	simm.s32 $0x200;
	v11 =	vadd.f32 v11, v13;
	v6 =	vld [tilespmem:s13+$0x13AE0]  }
.LBB2_39:
0x29f: {  	s5 =	sshra.s32 s2, $0x2;
	p3 =	sne.s32 s2, $0x7E00;
	v12 =	vmul.f32 $5.000000000e-01, v12;
	v5 =	vadd.f32 v5, v10;
	v10 =	vld [tilespmem:s13+$0x13AF0]  }
0x2a0: {  	v13 =	vld [tilespmem:s5+$0x17A80];
	v11 =	vmul.f32 $5.000000000e-01, v11;
	v4 =	vadd.f32 v4, v9  }
0x2a1: {  	v14 =	vld [tilespmem:s5+$0x17A90];
	[tilespmem:s13+$0x13A80] =	vst v12;
	v9 =	vmul.f32 $5.000000000e-01, v5;
	v3 =	vadd.f32 v3, v8  }
0x2a2: {  	v5 =	vld [tilespmem:s5+$0x17AA0];
	[tilespmem:s13+$0x13A90] =	vst v11;
	v8 =	vmul.f32 $5.000000000e-01, v4;
	v2 =	vadd.f32 v2, v7  }
0x2a3: {  	v4 =	vld [tilespmem:s5+$0x17AB0];
	[tilespmem:s13+$0x13AA0] =	vst v9;
	v7 =	vmul.f32 $5.000000000e-01, v3;
	v1 =	vadd.f32 v1, v6  }
0x2a4: {  	v3 =	vld [tilespmem:s5+$0x17AC0];
	[tilespmem:s13+$0x13AB0] =	vst v8;
	v6 =	vmul.f32 $5.000000000e-01, v2;
	v0 =	vadd.f32 v0, v10  }
0x2a5: {  	v2 =	vld [tilespmem:s5+$0x17AD0];
	[tilespmem:s13+$0x13AC0] =	vst v7;
	v7 =	vmul.f32 $5.000000000e-01, v1  }
0x2a6: {  	v1 =	vld [tilespmem:s5+$0x17AE0];
	[tilespmem:s13+$0x13AD0] =	vst v6;
	v6 =	vmul.f32 $5.000000000e-01, v0  }
0x2a7: {  	v0 =	vld [tilespmem:s5+$0x17AF0];
	[tilespmem:s13+$0x13AE0] =	vst v7  }
0x2a8: {  	v7 =	vld [tilespmem:s5+$0x13A80];
	[tilespmem:s13+$0x13AF0] =	vst v6;
	s13 =	smov.u32 s5  }
0x2a9: {  	v6 =	vld [tilespmem:s13+$0x13A90]  }
.Ltmp30:
0x2aa: {  	v10 =	vld [tilespmem:s13+$0x13AA0];
	(pc) =	sbr.rel @p3 .LBB2_39-.Ltmp30, $4  }
0x2ab: {  	v9 =	vld [tilespmem:s13+$0x13AB0]  }
0x2ac: {  	v8 =	vld [tilespmem:s13+$0x13AC0]  }
0x2ad: {  	v12 =	vadd.f32 v13, v7;
	v7 =	vld [tilespmem:s13+$0x13AD0]  }
0x2ae: {  	s2 =	sadd.s32 $0x200, s2;
	v11 =	vadd.f32 v14, v6;
	v6 =	vld [tilespmem:s13+$0x13AE0]  }
0x2af: {  	v12 =	vmul.f32 $5.000000000e-01, v12;
	v5 =	vadd.f32 v5, v10;
	v63 =	vld [tilespmem:s13+$0x13AF0]  }
0x2b0: {  	v11 =	vmul.f32 $5.000000000e-01, v11;
	v4 =	vadd.f32 v4, v9  }
0x2b1: {  	[tilespmem:s13+$0x13A80] =	vst v12;
	v5 =	vmul.f32 $5.000000000e-01, v5;
	v3 =	vadd.f32 v3, v8  }
0x2b2: {  	[tilespmem:s13+$0x13A90] =	vst v11;
	v4 =	vmul.f32 $5.000000000e-01, v4;
	v2 =	vadd.f32 v2, v7  }
0x2b3: {  	[tilespmem:s13+$0x13AA0] =	vst v5;
	v3 =	vmul.f32 $5.000000000e-01, v3;
	v1 =	vadd.f32 v1, v6  }
0x2b4: {  	[tilespmem:s13+$0x13AB0] =	vst v4;
	v2 =	vmul.f32 $5.000000000e-01, v2;
	v0 =	vadd.f32 v0, v63  }
0x2b5: {  	[tilespmem:s13+$0x13AC0] =	vst v3;
	v1 =	vmul.f32 $5.000000000e-01, v1  }
0x2b6: {  	s2 =	sadd.s32 s19, s11;
	[tilespmem:s13+$0x13AD0] =	vst v2;
	v0 =	vmul.f32 $5.000000000e-01, v0  }
0x2b7: {  	s2 =	sshll.u32 s2, $0xA;
	[tilespmem:s13+$0x13AE0] =	vst v1  }
0x2b8: {  	s2 =	sadd.s32 s2, s24;
	[tilespmem:s13+$0x13AF0] =	vst v0  }
0x2b9: {  	[hbm4b:s2+s4] =	stream.linear.scatter [tilespmem:s10], [sflag:$0x3], $0x2000, $0x38;
	[tilespmem:$0x1BA80] =	vst v63  }
.LBB2_41:
.Ltmp31:
0x2ba: {  	(pc) =	sbr.rel @p2 .LBB2_45-.Ltmp31, $1  }
0x2bb: {  	_ =	sdelay $0x3  }
0x2bc: {  	p2 =	sge.u32 s11, s20  }
0x2bd: {  	s2 =	simm.s32 @!p2 $0x3  }
0x2be: {  	s5 =	sadd.s32 @!p2 s19, s6;
	_ =	swait.ge @!p2 [sflag:s2], $0x2000  }
0x2bf: {  	s5 =	sshll.u32 @!p2 s5, $0x3;
	[sflag:s2] =	ssyncset.done @!p2 $0x0  }
0x2c0: {  	[sflag:s2] =	ssyncadd.s32 @!p2 $0xFFFFE000;
	s2 =	sadd.s32 @!p2 $0x8, s5  }
0x2c1: {  	s7 =	simm.s32 @!p2 $0x0;
	s9 =	simm.s32 @!p2 $0x13880;
	s5 =	sadd.s32 @!p2 s26, s2  }
0x2c2: {  	[tilespmem:s9], [sflag:$0x6] =	stream.linear.gather @!p2 [hbm4b:s5+s7], $0x40, $0x38;
	[tilespmem:$0x1BA80] =	vst v63  }
0x2c3: {  	s5 =	simm.s32 @!p2 $0x6  }
0x2c4: {  	_ =	swait.ge @!p2 [sflag:s5], $0x40  }
0x2c5: {  	[sflag:s5] =	ssyncset.done @!p2 $0x0  }
0x2c6: {  	s11 =	simm.s32 @!p2 $0x13980;
	s2 =	sadd.s32 @!p2 s1, s2;
	[sflag:s5] =	ssyncadd.s32 @!p2 $0xFFFFFFC0  }
0x2c7: {  	[tilespmem:s11], [sflag:$0x6] =	stream.linear.gather @!p2 [hbm4b:s2+s7], $0x40, $0x38;
	[tilespmem:$0x1BA80] =	vst v63  }
0x2c8: {  	_ =	swait.ge @!p2 [sflag:s5], $0x40  }
0x2c9: {  	[sflag:s5] =	ssyncset.done @!p2 $0x0  }
0x2ca: {  	s2 =	simm.s32 @!p2 $0x40;
	[sflag:s5] =	ssyncadd.s32 @!p2 $0xFFFFFFC0;
	s5 =	simm.s32 @!p2 $0x13A80  }
0x2cb: {  	[tilespmem:s5], [sflag:$0x1] =	stream.indirect.gather @!p2 [spmem:s3], $0x80, s9, s2, $0xb8;
	[tilespmem:$0x1BA80] =	vst v63  }
0x2cc: {  	s5 =	simm.s32 @!p2 $0x17A80  }
0x2cd: {  	[tilespmem:s5], [sflag:$0x1] =	stream.indirect.gather @!p2 [spmem:s3], $0x80, s11, s2, $0xb8;
	[tilespmem:$0x1BA80] =	vst v63  }
0x2ce: {  	_ =	swait.ge [sflag:s8], $0x2000  }
0x2cf: {  	[sflag:s8] =	ssyncset.done $0x0  }
0x2d0: {  	[sflag:s8] =	ssyncadd.s32 $0xFFFFE000  }
0x2d1: {  	_ =	swait.ge [sflag:s8], $0x2000  }
0x2d2: {  	[sflag:s8] =	ssyncset.done $0x0  }
0x2d3: {  	s11 =	simm.s32 $0x0;
	[sflag:s8] =	ssyncadd.s32 $0xFFFFE000  }
0x2d4: {  	v6 =	vld [tilespmem:s11+$0x19A80]  }
0x2d5: {  	v11 =	vld [tilespmem:s11+$0x19A90]  }
0x2d6: {  	v5 =	vld [tilespmem:s11+$0x19AA0]  }
0x2d7: {  	v4 =	vld [tilespmem:s11+$0x19AB0]  }
0x2d8: {  	v3 =	vld [tilespmem:s11+$0x19AC0]  }
0x2d9: {  	v2 =	vld [tilespmem:s11+$0x19AD0]  }
0x2da: {  	v1 =	vld [tilespmem:s11+$0x19AE0]  }
0x2db: {  	v0 =	vld [tilespmem:s11+$0x19AF0]  }
0x2dc: {  	v12 =	vld [tilespmem:s11+$0x15A80]  }
0x2dd: {  	v13 =	vld [tilespmem:s11+$0x15A90]  }
0x2de: {  	v10 =	vld [tilespmem:s11+$0x15AA0]  }
0x2df: {  	v9 =	vld [tilespmem:s11+$0x15AB0]  }
0x2e0: {  	v8 =	vld [tilespmem:s11+$0x15AC0]  }
0x2e1: {  	v7 =	vld [tilespmem:s11+$0x15AD0];
	v12 =	vadd.f32 v6, v12  }
0x2e2: {  	s2 =	simm.s32 $0x200;
	v11 =	vadd.f32 v11, v13;
	v6 =	vld [tilespmem:s11+$0x15AE0]  }
.LBB2_43:
0x2e3: {  	s5 =	sshra.s32 s2, $0x2;
	p2 =	sne.s32 s2, $0x7E00;
	v12 =	vmul.f32 $5.000000000e-01, v12;
	v5 =	vadd.f32 v5, v10;
	v10 =	vld [tilespmem:s11+$0x15AF0]  }
0x2e4: {  	v13 =	vld [tilespmem:s5+$0x19A80];
	v11 =	vmul.f32 $5.000000000e-01, v11;
	v4 =	vadd.f32 v4, v9  }
0x2e5: {  	v14 =	vld [tilespmem:s5+$0x19A90];
	[tilespmem:s11+$0x15A80] =	vst v12;
	v9 =	vmul.f32 $5.000000000e-01, v5;
	v3 =	vadd.f32 v3, v8  }
0x2e6: {  	v5 =	vld [tilespmem:s5+$0x19AA0];
	[tilespmem:s11+$0x15A90] =	vst v11;
	v8 =	vmul.f32 $5.000000000e-01, v4;
	v2 =	vadd.f32 v2, v7  }
0x2e7: {  	v4 =	vld [tilespmem:s5+$0x19AB0];
	[tilespmem:s11+$0x15AA0] =	vst v9;
	v7 =	vmul.f32 $5.000000000e-01, v3;
	v1 =	vadd.f32 v1, v6  }
0x2e8: {  	v3 =	vld [tilespmem:s5+$0x19AC0];
	[tilespmem:s11+$0x15AB0] =	vst v8;
	v6 =	vmul.f32 $5.000000000e-01, v2;
	v0 =	vadd.f32 v0, v10  }
0x2e9: {  	v2 =	vld [tilespmem:s5+$0x19AD0];
	[tilespmem:s11+$0x15AC0] =	vst v7;
	v7 =	vmul.f32 $5.000000000e-01, v1  }
0x2ea: {  	v1 =	vld [tilespmem:s5+$0x19AE0];
	[tilespmem:s11+$0x15AD0] =	vst v6;
	v6 =	vmul.f32 $5.000000000e-01, v0  }
0x2eb: {  	v0 =	vld [tilespmem:s5+$0x19AF0];
	[tilespmem:s11+$0x15AE0] =	vst v7  }
0x2ec: {  	v7 =	vld [tilespmem:s5+$0x15A80];
	[tilespmem:s11+$0x15AF0] =	vst v6;
	s11 =	smov.u32 s5  }
0x2ed: {  	v6 =	vld [tilespmem:s11+$0x15A90]  }
.Ltmp32:
0x2ee: {  	v10 =	vld [tilespmem:s11+$0x15AA0];
	(pc) =	sbr.rel @p2 .LBB2_43-.Ltmp32, $4  }
0x2ef: {  	v9 =	vld [tilespmem:s11+$0x15AB0]  }
0x2f0: {  	v8 =	vld [tilespmem:s11+$0x15AC0]  }
0x2f1: {  	v12 =	vadd.f32 v13, v7;
	v7 =	vld [tilespmem:s11+$0x15AD0]  }
0x2f2: {  	s2 =	sadd.s32 $0x200, s2;
	v11 =	vadd.f32 v14, v6;
	v6 =	vld [tilespmem:s11+$0x15AE0]  }
0x2f3: {  	v12 =	vmul.f32 $5.000000000e-01, v12;
	v5 =	vadd.f32 v5, v10;
	v63 =	vld [tilespmem:s11+$0x15AF0]  }
0x2f4: {  	v11 =	vmul.f32 $5.000000000e-01, v11;
	v4 =	vadd.f32 v4, v9  }
0x2f5: {  	[tilespmem:s11+$0x15A80] =	vst v12;
	v5 =	vmul.f32 $5.000000000e-01, v5;
	v3 =	vadd.f32 v3, v8  }
0x2f6: {  	[tilespmem:s11+$0x15A90] =	vst v11;
	v4 =	vmul.f32 $5.000000000e-01, v4;
	v2 =	vadd.f32 v2, v7  }
0x2f7: {  	[tilespmem:s11+$0x15AA0] =	vst v5;
	v3 =	vmul.f32 $5.000000000e-01, v3;
	v1 =	vadd.f32 v1, v6  }
0x2f8: {  	[tilespmem:s11+$0x15AB0] =	vst v4;
	v2 =	vmul.f32 $5.000000000e-01, v2;
	v0 =	vadd.f32 v0, v63  }
.Ltmp33:
0x2f9: {  	[tilespmem:s11+$0x15AC0] =	vst v3;
	v1 =	vmul.f32 $5.000000000e-01, v1;
	(pc) =	sbr.rel .LBB2_45-.Ltmp33, $4  }
0x2fa: {  	s2 =	sadd.s32 s19, s6;
	[tilespmem:s11+$0x15AD0] =	vst v2;
	v0 =	vmul.f32 $5.000000000e-01, v0  }
0x2fb: {  	s2 =	sshll.u32 s2, $0xA;
	[tilespmem:s11+$0x15AE0] =	vst v1  }
0x2fc: {  	s2 =	sadd.s32 s2, s24;
	[tilespmem:s11+$0x15AF0] =	vst v0  }
0x2fd: {  	[hbm4b:s2+s4] =	stream.linear.scatter [tilespmem:s14], [sflag:$0x4], $0x2000, $0x38;
	[tilespmem:$0x1BA80] =	vst v63  }
.LBB2_47:
0x2fe: {  	_ =	sfence.sel $0x180000  }
0x2ff: {  	[bflag:$0x0] =	sbarrier.arrive $0xFFFF  }
0x300: {  	_ =	strace $0x90000047  }
0x301: {  	s0 =	stileid.u32;
	[bflag:$0x2] =	sbarrier.arrive $0xFFFF  }
0x302: {  	p0 =	sne.s32 s0, $0x0;
	s0 =	rddreg [dreg:$0x4]  }
0x303: {  	s0 =	sadd.s32 @!p0 $0x100000, s0  }
0x304: {  	[sflag:s0] =	ssyncadd.tile.s32 @!p0 $0x1;
	_ =	shalt  }
.Lfunc_end2:
_tile_overlayer_lowered:
.L_overlay_start_2:
0x305: {  	(tag) =	ssettag $0x2  }
0x306: {  	s0 =	rddreg [dreg:$0x0];
	s2 =	stileid.u32  }
0x307: {  	s1 =	rddreg [dreg:$0x1];
	p0 =	sne.s32 s2, $0x0  }
0x308: {  	s3 =	rddreg [dreg:$0x2];
	[bflag:$0x3] =	sbarrier.arrive $0xFFFF;
	s2 =	simm.s32 @!p0 $0x1C06  }
0x309: {  	[timem:s3], [sflag:s2] =	dma.local @!p0 [hbm:s0], s1  }
0x30a: {  	s0 =	simm.s32 @!p0 $0x6  }
0x30b: {  	_ =	swait.ge @!p0 [sflag:s0], s1  }
0x30c: {  	s1 =	ssub.s32 @!p0 $0x0, s1;
	[sflag:s0] =	ssyncset.done @!p0 $0x0  }
0x30d: {  	[sflag:s0] =	ssyncadd.s32 @!p0 s1  }
0x30e: {  	[bflag:$0x3] =	sbarrier.arrive $0xFFFF  }
0x30f: {  	_ =	shalt  }

</sc_bundles>
